<compile_context>
chip_gen: v7x
topology: tpu7x:2x2x1
jax: 0.10.2.dev20260603
libtpu: 0.0.44.dev20260713+nightly
codegen_flags: <defaults>
</compile_context>

<pallas_src>
import functools

import jax
import jax.numpy as jnp
from jax import lax
from jax.experimental import pallas as pl
from jax.experimental.pallas import tpu as pltpu
from jax.experimental.pallas import tpu_sc as plsc

N = 50000
M = 16
F = 64
NBR = 16
NCRY = 256
H = 128
EPS = 1e-5

B = 400
NBLK = N // B
E_TOT = N * M

LANES = 128
NW = 32

NBR_IDX_ROWS = 6400
RPW0 = 200
RPW1 = 200
C0T = 16 * RPW0
NBR_BANK_ROWS = 2


def _sc_gather(table, idx2d, bank_rows):
    n_idx_rows, _ = idx2d.shape
    D = table.shape[1]
    R = bank_rows
    nbh0 = RPW0 // R // 2
    nbh1 = RPW1 // R // 2
    assert RPW0 % (2 * R) == 0 and RPW1 % (2 * R) == 0
    assert 16 * (RPW0 + RPW1) == n_idx_rows

    def body(tab, idx, out, idx_all, rows_v, sem_g, sem_s):
        c = lax.axis_index("c")
        s = lax.axis_index("s")
        base = jnp.where(c == 0, s * RPW0, C0T + s * RPW1)
        nbh = jnp.where(c == 0, nbh0, nbh1)

        @pl.when(c == 0)
        def _():
            pltpu.sync_copy(idx.at[pl.ds(base, RPW0)], idx_all)

        if RPW1 > 0:
            @pl.when(c == 1)
            def _():
                pltpu.sync_copy(idx.at[pl.ds(base, RPW1)],
                                idx_all.at[pl.ds(0, RPW1)])

        def fire_gather(bank, j0):
            for b in range(R):
                pltpu.async_copy(
                    tab.at[idx_all.at[j0 + b]],
                    rows_v.at[pl.ds((bank * R + b) * LANES, LANES)],
                    sem_g,
                )

        def fire_store(bank, j0):
            for b in range(R):
                pltpu.async_copy(
                    rows_v.at[pl.ds((bank * R + b) * LANES, LANES)],
                    out.at[pl.ds((base + j0 + b) * LANES, LANES)],
                    sem_s,
                )

        def wait_g(n):
            for _ in range(n):
                pltpu.make_async_copy(
                    tab.at[idx_all.at[0]],
                    rows_v.at[pl.ds(0, LANES)], sem_g).wait()

        def wait_s(n):
            for _ in range(n):
                pltpu.make_async_copy(
                    rows_v.at[pl.ds(0, LANES)],
                    out.at[pl.ds(base * LANES, LANES)], sem_s).wait()

        def pipeline():
            fire_gather(0, 0)
            lax.fori_loop(0, nbh, loop_body, 0)
            wait_s(R)

        def loop_body(k2, carry):
            a = 2 * k2
            wait_g(R)

            @pl.when(k2 > 0)
            def _():
                wait_s(R)
            fire_gather(1, (a + 1) * R)
            fire_store(0, a * R)
            wait_g(R)
            wait_s(R)

            @pl.when(k2 < nbh - 1)
            def _():
                fire_gather(0, (a + 2) * R)
            fire_store(1, (a + 1) * R)
            return carry

        if RPW1 > 0:
            pipeline()
        else:
            pl.when(c == 0)(pipeline)

    fn = pl.kernel(
        body,
        out_type=jax.ShapeDtypeStruct((n_idx_rows * LANES, D), table.dtype),
        mesh=plsc.VectorSubcoreMesh(core_axis_name="c", subcore_axis_name="s"),
        scratch_types=[
            pltpu.VMEM((RPW0, LANES), jnp.int32),
            pltpu.VMEM((2 * R * LANES, D), table.dtype),
            pltpu.SemaphoreType.DMA,
            pltpu.SemaphoreType.DMA,
        ],
    )
    return fn(table, idx2d)


def _sigmoid(x):
    return 1.0 / (1.0 + jnp.exp(-x))


def _softplus(x):
    return jnp.maximum(x, 0.0) + jnp.log1p(jnp.exp(-jnp.abs(x)))


def _conv_body(x_ref, g_ref, e_ref, ws, we, bf, xo_ref, s_ref, ss_ref):
    x = x_ref[...]
    sfc = jnp.dot(x, ws[...], preferred_element_type=jnp.float32) + bf[...]
    gm = g_ref[...]
    em = e_ref[...]
    h = gm + jnp.dot(em, we[...], preferred_element_type=jnp.float32)
    h3 = h.reshape(B, M, 2 * F) + sfc[:, None, :]
    msg = jnp.sum(_sigmoid(h3[..., :F]) * _softplus(h3[..., F:]), axis=1)
    xn = x + msg
    xo_ref[...] = xn
    s_ref[...] = jnp.broadcast_to(jnp.sum(xn, axis=0, keepdims=True), (8, F))
    ss_ref[...] = jnp.broadcast_to(
        jnp.sum(xn * xn, axis=0, keepdims=True), (8, F))


def _conv_call(x, g, e, ws, we, bf):
    full = lambda s: pl.BlockSpec(s, lambda i: (0, 0))
    return pl.pallas_call(
        _conv_body,
        grid=(NBLK,),
        in_specs=[
            pl.BlockSpec((B, F), lambda i: (i, 0)),
            pl.BlockSpec((B * M, 2 * F), lambda i: (i, 0)),
            pl.BlockSpec((B * M, NBR), lambda i: (i, 0)),
            full((F, 2 * F)),
            full((NBR, 2 * F)), full((1, 2 * F)),
        ],
        out_specs=[
            pl.BlockSpec((B, F), lambda i: (i, 0)),
            pl.BlockSpec((8, F), lambda i: (i, 0)),
            pl.BlockSpec((8, F), lambda i: (i, 0)),
        ],
        out_shape=[
            jax.ShapeDtypeStruct((N, F), jnp.float32),
            jax.ShapeDtypeStruct((8 * NBLK, F), jnp.float32),
            jax.ShapeDtypeStruct((8 * NBLK, F), jnp.float32),
        ],
    )(x, g, e, ws, we, bf)


def _bn_stats(s_ref, ssd_ref):
    mean = jnp.sum(s_ref[...], axis=0, keepdims=True) * (1.0 / (8 * N))
    var = jnp.sum(ssd_ref[...], axis=0, keepdims=True) * (1.0 / (8 * N))
    return mean, jnp.sqrt(var + EPS)


def _var_body(x_ref, s_ref, ssd_ref):
    mean = jnp.sum(s_ref[...], axis=0, keepdims=True) * (1.0 / (8 * N))
    d = x_ref[...] - mean
    ssd_ref[...] = jnp.broadcast_to(
        jnp.sum(d * d, axis=0, keepdims=True), (8, F))


def _var_call(x, s):
    full = lambda shp: pl.BlockSpec(shp, lambda i: (0, 0))
    return pl.pallas_call(
        _var_body,
        grid=(NBLK,),
        in_specs=[
            pl.BlockSpec((B, F), lambda i: (i, 0)),
            full((8 * NBLK, F)),
        ],
        out_specs=pl.BlockSpec((8, F), lambda i: (i, 0)),
        out_shape=jax.ShapeDtypeStruct((8 * NBLK, F), jnp.float32),
    )(x, s)


def _bn_body(x_ref, s_ref, ss_ref, g_ref, b_ref, wn_ref, o_ref, t_ref):
    mean, sd = _bn_stats(s_ref, ss_ref)
    xh = (x_ref[...] - mean) / sd
    y = _softplus(xh * g_ref[...] + b_ref[...])
    o_ref[...] = y
    t_ref[...] = jnp.dot(y, wn_ref[...], preferred_element_type=jnp.float32)


def _bn_call(x, s, ss, g, b, wn_next):
    full = lambda shp: pl.BlockSpec(shp, lambda i: (0, 0))
    return pl.pallas_call(
        _bn_body,
        grid=(NBLK,),
        in_specs=[
            pl.BlockSpec((B, F), lambda i: (i, 0)),
            full((8 * NBLK, F)), full((8 * NBLK, F)),
            full((1, F)), full((1, F)), full((F, 2 * F)),
        ],
        out_specs=[
            pl.BlockSpec((B, F), lambda i: (i, 0)),
            pl.BlockSpec((B, 2 * F), lambda i: (i, 0)),
        ],
        out_shape=[
            jax.ShapeDtypeStruct((N, F), jnp.float32),
            jax.ShapeDtypeStruct((N, 2 * F), jnp.float32),
        ],
    )(x, s, ss, g, b, wn_next)


def _embed_body(z_ref, emb_ref, wn_ref, xo_ref, t_ref):
    z = z_ref[...].reshape(1, B)
    oht = (z == lax.broadcasted_iota(jnp.int32, (128, B), 0)
           ).astype(jnp.float32)
    x128 = lax.dot_general(oht, emb_ref[...], (((0,), (0,)), ((), ())),
                           preferred_element_type=jnp.float32,
                           precision=lax.Precision.HIGHEST)
    x0 = x128[:, :F]
    xo_ref[...] = x0
    t_ref[...] = jnp.dot(x0, wn_ref[...], preferred_element_type=jnp.float32)


def _embed_call(z3, emb_pad, wn0):
    return pl.pallas_call(
        _embed_body,
        grid=(NBLK,),
        in_specs=[
            pl.BlockSpec((1, 1, B), lambda i: (i, 0, 0)),
            pl.BlockSpec((128, 2 * F), lambda i: (0, 0)),
            pl.BlockSpec((F, 2 * F), lambda i: (0, 0)),
        ],
        out_specs=[
            pl.BlockSpec((B, F), lambda i: (i, 0)),
            pl.BlockSpec((B, 2 * F), lambda i: (i, 0)),
        ],
        out_shape=[
            jax.ShapeDtypeStruct((N, F), jnp.float32),
            jax.ShapeDtypeStruct((N, 2 * F), jnp.float32),
        ],
    )(z3, emb_pad, wn0)


def _pool_body(x_ref, s_ref, ss_ref, g_ref, b_ref, cid_ref,
               w1, b1, w2, b2, wo, bo, out_ref, acc, cnt):
    i = pl.program_id(0)

    @pl.when(i == 0)
    def _():
        acc[...] = jnp.zeros_like(acc)
        cnt[...] = jnp.zeros_like(cnt)

    mean, sd = _bn_stats(s_ref, ss_ref)
    xh = (x_ref[...] - mean) / sd
    y = _softplus(xh * g_ref[...] + b_ref[...])

    cid = cid_ref[...].reshape(1, B)
    oht = (cid == lax.broadcasted_iota(jnp.int32, (NCRY, B), 0)
           ).astype(jnp.float32)
    acc[...] += jnp.dot(oht, y, preferred_element_type=jnp.float32,
                        precision=lax.Precision.HIGHEST)
    cnt[...] += jnp.dot(oht, jnp.ones((B, F), jnp.float32),
                        preferred_element_type=jnp.float32,
                        precision=lax.Precision.HIGHEST)

    @pl.when(i == NBLK - 1)
    def _():
        cf = acc[...] / jnp.maximum(cnt[...], 1.0)
        h1 = _softplus(jnp.dot(cf, w1[...],
                               preferred_element_type=jnp.float32) + b1[...])
        h2 = _softplus(jnp.dot(h1, w2[...],
                               preferred_element_type=jnp.float32) + b2[...])
        out_ref[...] = jnp.dot(h2, wo[...],
                               preferred_element_type=jnp.float32) + bo[...]


def _pool_call(x, s, ss, g, b, cid3, w1, b1, w2, b2, wo, bo):
    full2 = lambda shp: pl.BlockSpec(shp, lambda i: (0, 0))
    return pl.pallas_call(
        _pool_body,
        grid=(NBLK,),
        in_specs=[
            pl.BlockSpec((B, F), lambda i: (i, 0)),
            full2((8 * NBLK, F)), full2((8 * NBLK, F)),
            full2((1, F)), full2((1, F)),
            pl.BlockSpec((1, 1, B), lambda i: (i, 0, 0)),
            full2((F, H)), full2((1, H)), full2((H, F)), full2((1, F)),
            full2((F, 1)), full2((1, 1)),
        ],
        out_specs=pl.BlockSpec((NCRY, 1), lambda i: (0, 0)),
        out_shape=jax.ShapeDtypeStruct((NCRY, 1), jnp.float32),
        scratch_shapes=[
            pltpu.VMEM((NCRY, F), jnp.float32),
            pltpu.VMEM((NCRY, F), jnp.float32),
        ],
    )(x, s, ss, g, b, cid3, w1, b1, w2, b2, wo, bo)


def kernel(atom_z, nbr_fea, nbr_idx, crystal_atom_idx, atom_emb,
           W_full_0, b_full_0, bn_g_0, bn_b_0,
           W_full_1, b_full_1, bn_g_1, bn_b_1,
           W_full_2, b_full_2, bn_g_2, bn_b_2,
           W1, b1, W2, b2, Wo, bo):
    z3 = atom_z.astype(jnp.int32).reshape(NBLK, 1, B)
    nidx = jnp.pad(nbr_idx.reshape(-1).astype(jnp.int32),
                   (0, NBR_IDX_ROWS * LANES - E_TOT)).reshape(NBR_IDX_ROWS,
                                                              LANES)
    e2 = nbr_fea.reshape(E_TOT, NBR)
    cid3 = crystal_atom_idx.astype(jnp.int32).reshape(NBLK, 1, B)

    convs = []
    for (Wf, bf, g, b) in ((W_full_0, b_full_0, bn_g_0, bn_b_0),
                           (W_full_1, b_full_1, bn_g_1, bn_b_1),
                           (W_full_2, b_full_2, bn_g_2, bn_b_2)):
        convs.append(dict(
            ws=Wf[:F, :], wn=Wf[F:2 * F, :], we=Wf[2 * F:, :],
            bf=bf.reshape(1, 2 * F),
            g=g.reshape(1, F), b=b.reshape(1, F),
        ))

    emb_pad = jnp.pad(atom_emb, ((0, 128 - atom_emb.shape[0]), (0, F)))
    x, xt = _embed_call(z3, emb_pad, convs[0]["wn"])

    xp = s = ss = None
    for li in range(3):
        cv = convs[li]
        gath = _sc_gather(xt, nidx, NBR_BANK_ROWS)
        xp, s, _ = _conv_call(x, gath, e2, cv["ws"], cv["we"], cv["bf"])
        ssd = _var_call(xp, s)
        if li < 2:
            x, xt = _bn_call(xp, s, ssd, cv["g"], cv["b"], convs[li + 1]["wn"])

    cv = convs[2]
    return _pool_call(xp, s, ssd, cv["g"], cv["b"], cid3,
                      W1, b1.reshape(1, H), W2, b2.reshape(1, F),
                      Wo, bo.reshape(1, 1))

# --- scband reference (transcript-rebuilt; emitter-appended) ---
"""Pipeline reference for scband-cgcnnregressor-89515708383413 (READ-ONLY COPY).

The authoritative reference and input builder live on the scoring server;
editing this copy changes nothing except your own understanding.
"""

import jax, jax.numpy as jnp
import numpy as np

ATOM_FEA = 64
NBR_FEA_LEN = 16
N_CONV = 3
H_FEA = 128
MAX_Z = 100
N = 50000
M = 16
NC = 256
EPS = 1e-5


def setup_inputs(seed: int = 0):
    key = jax.random.key(seed)
    ks = jax.random.split(key, 24)
    inp = {}
    inp["atom_z"] = jax.random.randint(ks[0], (N,), 0, MAX_Z)
    inp["nbr_fea"] = jax.random.normal(ks[1], (N, M, NBR_FEA_LEN), dtype=jnp.float32)
    inp["nbr_idx"] = jax.random.randint(ks[2], (N, M), 0, N)
    inp["crystal_atom_idx"] = jnp.sort(jax.random.randint(ks[3], (N,), 0, NC))
    emb = jax.random.normal(ks[4], (MAX_Z + 1, ATOM_FEA), dtype=jnp.float32) * 0.1
    inp["atom_emb"] = emb.at[0].set(0.0)
    fin = 2 * ATOM_FEA + NBR_FEA_LEN
    for i in range(N_CONV):
        inp["W_full_%d" % i] = jax.random.normal(ks[5 + i], (fin, 2 * ATOM_FEA), dtype=jnp.float32) / np.sqrt(fin)
        inp["b_full_%d" % i] = jnp.zeros((2 * ATOM_FEA,), jnp.float32)
        inp["bn_g_%d" % i] = jnp.ones((ATOM_FEA,), jnp.float32)
        inp["bn_b_%d" % i] = jnp.zeros((ATOM_FEA,), jnp.float32)
    inp["W1"] = jax.random.normal(ks[10], (ATOM_FEA, H_FEA), jnp.float32) / np.sqrt(ATOM_FEA)
    inp["b1"] = jnp.zeros((H_FEA,), jnp.float32)
    inp["W2"] = jax.random.normal(ks[11], (H_FEA, H_FEA // 2), jnp.float32) / np.sqrt(H_FEA)
    inp["b2"] = jnp.zeros((H_FEA // 2,), jnp.float32)
    inp["Wo"] = jax.random.normal(ks[12], (H_FEA // 2, 1), jnp.float32) / np.sqrt(H_FEA // 2)
    inp["bo"] = jnp.zeros((1,), jnp.float32)
    return inp


def _conv(atom_fea, nbr_fea, nbr_idx, Wf, bf, g, b):
    Nn, Mm = nbr_idx.shape
    nbr_atom = atom_fea[nbr_idx]
    self_fea = jnp.broadcast_to(atom_fea[:, None, :], (Nn, Mm, atom_fea.shape[1]))
    total = jnp.concatenate([self_fea, nbr_atom, nbr_fea], axis=2)
    total = total @ Wf + bf
    filt, core = jnp.split(total, 2, axis=2)
    msg = (jax.nn.sigmoid(filt) * jax.nn.softplus(core)).sum(axis=1)
    x = atom_fea + msg
    mean = x.mean(axis=0)
    var = x.var(axis=0)
    xh = (x - mean) / jnp.sqrt(var + EPS)
    return jax.nn.softplus(xh * g + b)


def _forward(atom_z, nbr_fea, nbr_idx, crystal_atom_idx, n_crystals, atom_emb, convs, W1, b1, W2, b2, Wo, bo):
    atom_fea = atom_emb[atom_z]
    for (Wf, bf, g, b) in convs:
        atom_fea = _conv(atom_fea, nbr_fea, nbr_idx, Wf, bf, g, b)
    pooled = jax.ops.segment_sum(atom_fea, crystal_atom_idx, num_segments=n_crystals)
    counts = jnp.bincount(crystal_atom_idx, length=n_crystals).astype(jnp.float32)
    counts = jnp.clip(counts, 1.0, None)[:, None]
    crystal_fea = pooled / counts
    x = jax.nn.softplus(crystal_fea @ W1 + b1)
    x = jax.nn.softplus(x @ W2 + b2)
    return x @ Wo + bo


def reference(atom_z, nbr_fea, nbr_idx, crystal_atom_idx, atom_emb, W_full_0, b_full_0, bn_g_0, bn_b_0, W_full_1, b_full_1, bn_g_1, bn_b_1, W_full_2, b_full_2, bn_g_2, bn_b_2, W1, b1, W2, b2, Wo, bo):
    n_crystals = NC
    convs = [(W_full_0, b_full_0, bn_g_0, bn_b_0), (W_full_1, b_full_1, bn_g_1, bn_b_1), (W_full_2, b_full_2, bn_g_2, bn_b_2)]
    return _forward(atom_z, nbr_fea, nbr_idx, crystal_atom_idx, n_crystals, atom_emb, convs, W1, b1, W2, b2, Wo, bo)

if __name__ == "__main__":
    import jax
    _d = setup_inputs()
    print(jax.jit(kernel)(*tuple(_d.values())))

</pallas_src>

<mosaic_0001>
#map = affine_map<(d0, d1) -> (0, 0)>
module attributes {stable_mosaic.version = 14 : i64} {
  func.func @body(%arg0: i32, %arg1: i32, %arg2: memref<50000x128xf32, #tpu.memory_space<hbm>>, %arg3: memref<6400x128xi32, #tpu.memory_space<hbm>>, %arg4: memref<819200x128xf32, #tpu.memory_space<hbm>>, %arg5: memref<200x128xi32, #tpu.memory_space<vmem>>, %arg6: memref<512x128xf32, #tpu.memory_space<vmem>>, %arg7: memref<!tpu.dma_semaphore, #tpu.memory_space<semaphore_mem>>, %arg8: memref<!tpu.dma_semaphore, #tpu.memory_space<semaphore_mem>>) attributes {dimension_semantics = [#tpu.dimension_semantics<core_parallel>, #tpu.dimension_semantics<subcore_parallel>], iteration_bounds = array<i64: 2, 16>, scalar_prefetch = 0 : i64, scratch_operands = 4 : i64, tpu.core_type = #tpu.core_type<sc_vector_subcore>, window_params = [{transform_indices = #map}, {transform_indices = #map}, {transform_indices = #map}]} {
    %eq3A = arith.constant 0 : i32
    %eq3A_0 = arith.cmpi eq, %arg0, %eq3A : i32
    %mul3A = arith.constant 200 : i32
    %mul3A_1 = arith.muli %arg1, %mul3A : i32
    %mul3A_2 = arith.constant 200 : i32
    %mul3A_3 = arith.muli %arg1, %mul3A_2 : i32
    %add3A = arith.constant 3200 : i32
    %add3A_4 = arith.addi %add3A, %mul3A_3 : i32
    %select_n3A = arith.select %eq3A_0, %mul3A_1, %add3A_4 : i32
    %eq3A_5 = arith.constant 0 : i32
    %eq3A_6 = arith.cmpi eq, %arg0, %eq3A_5 : i32
    %jit3A = arith.constant 50 : i32
    %jit3A_7 = arith.constant 50 : i32
    %select_n3A_8 = arith.select %eq3A_6, %jit3A, %jit3A_7 : i32
    %eq3A_9 = arith.constant 0 : i32
    %eq3A_10 = arith.cmpi eq, %arg0, %eq3A_9 : i32
    %convert_element_type3A = arith.extui %eq3A_10 : i1 to i32
    %cond3A = arith.constant 0 : i32
    %cond3A_11 = arith.cmpi ne, %convert_element_type3A, %cond3A : i32
    scf.if %cond3A_11 {
      "tpu.region"() ({
        %run_scoped3A = tpu.sem_alloc : memref<!tpu.dma_semaphore, #tpu.memory_space<semaphore_mem>>
        %dma_start3A_68 = arith.constant 0 : i32
        %dma_start3A_69 = tpu.memref_slice %arg3[%select_n3A, %dma_start3A_68] : memref<6400x128xi32, #tpu.memory_space<hbm>> -> memref<200x128xi32, #tpu.memory_space<hbm>>
        %dma_start3A_70 = arith.constant 0 : i32
        %dma_start3A_71 = tpu.memref_slice %arg3[%select_n3A, %dma_start3A_70] : memref<6400x128xi32, #tpu.memory_space<hbm>> -> memref<200x128xi32, #tpu.memory_space<hbm>>
        tpu.enqueue_dma source(%dma_start3A_71 : memref<200x128xi32, #tpu.memory_space<hbm>>) target(%arg5 : memref<200x128xi32, #tpu.memory_space<vmem>>) target_semaphore(%run_scoped3A : memref<!tpu.dma_semaphore, #tpu.memory_space<semaphore_mem>>)
        %dma_wait3A_72 = arith.constant 0 : i32
        %dma_wait3A_73 = tpu.memref_slice %arg3[%select_n3A, %dma_wait3A_72] : memref<6400x128xi32, #tpu.memory_space<hbm>> -> memref<200x128xi32, #tpu.memory_space<hbm>>
        %dma_wait3A_74 = arith.constant 0 : i32
        %dma_wait3A_75 = tpu.memref_slice %arg3[%select_n3A, %dma_wait3A_74] : memref<6400x128xi32, #tpu.memory_space<hbm>> -> memref<200x128xi32, #tpu.memory_space<hbm>>
        tpu.wait_dma2 semaphore(%run_scoped3A : memref<!tpu.dma_semaphore, #tpu.memory_space<semaphore_mem>>) src(%dma_wait3A_75 : memref<200x128xi32, #tpu.memory_space<hbm>>) dst(%arg5 : memref<200x128xi32, #tpu.memory_space<vmem>>)
        tpu.yield
      }) : () -> ()
    } else {
    }
    %eq3A_12 = arith.constant 1 : i32
    %eq3A_13 = arith.cmpi eq, %arg0, %eq3A_12 : i32
    %convert_element_type3A_14 = arith.extui %eq3A_13 : i1 to i32
    %cond3A_15 = arith.constant 0 : i32
    %cond3A_16 = arith.cmpi ne, %convert_element_type3A_14, %cond3A_15 : i32
    scf.if %cond3A_16 {
      "tpu.region"() ({
        %run_scoped3A = tpu.sem_alloc : memref<!tpu.dma_semaphore, #tpu.memory_space<semaphore_mem>>
        %dma_start3A_68 = arith.constant 0 : i32
        %dma_start3A_69 = arith.constant 0 : i32
        %dma_start3A_70 = tpu.memref_slice %arg5[%dma_start3A_68, %dma_start3A_69] : memref<200x128xi32, #tpu.memory_space<vmem>> -> memref<200x128xi32, #tpu.memory_space<vmem>>
        %dma_start3A_71 = arith.constant 0 : i32
        %dma_start3A_72 = tpu.memref_slice %arg3[%select_n3A, %dma_start3A_71] : memref<6400x128xi32, #tpu.memory_space<hbm>> -> memref<200x128xi32, #tpu.memory_space<hbm>>
        %dma_start3A_73 = arith.constant 0 : i32
        %dma_start3A_74 = arith.constant 0 : i32
        %dma_start3A_75 = tpu.memref_slice %arg5[%dma_start3A_73, %dma_start3A_74] : memref<200x128xi32, #tpu.memory_space<vmem>> -> memref<200x128xi32, #tpu.memory_space<vmem>>
        %dma_start3A_76 = arith.constant 0 : i32
        %dma_start3A_77 = tpu.memref_slice %arg3[%select_n3A, %dma_start3A_76] : memref<6400x128xi32, #tpu.memory_space<hbm>> -> memref<200x128xi32, #tpu.memory_space<hbm>>
        tpu.enqueue_dma source(%dma_start3A_77 : memref<200x128xi32, #tpu.memory_space<hbm>>) target(%dma_start3A_75 : memref<200x128xi32, #tpu.memory_space<vmem>>) target_semaphore(%run_scoped3A : memref<!tpu.dma_semaphore, #tpu.memory_space<semaphore_mem>>)
        %dma_wait3A_78 = arith.constant 0 : i32
        %dma_wait3A_79 = arith.constant 0 : i32
        %dma_wait3A_80 = tpu.memref_slice %arg5[%dma_wait3A_78, %dma_wait3A_79] : memref<200x128xi32, #tpu.memory_space<vmem>> -> memref<200x128xi32, #tpu.memory_space<vmem>>
        %dma_wait3A_81 = arith.constant 0 : i32
        %dma_wait3A_82 = tpu.memref_slice %arg3[%select_n3A, %dma_wait3A_81] : memref<6400x128xi32, #tpu.memory_space<hbm>> -> memref<200x128xi32, #tpu.memory_space<hbm>>
        %dma_wait3A_83 = arith.constant 0 : i32
        %dma_wait3A_84 = arith.constant 0 : i32
        %dma_wait3A_85 = tpu.memref_slice %arg5[%dma_wait3A_83, %dma_wait3A_84] : memref<200x128xi32, #tpu.memory_space<vmem>> -> memref<200x128xi32, #tpu.memory_space<vmem>>
        %dma_wait3A_86 = arith.constant 0 : i32
        %dma_wait3A_87 = tpu.memref_slice %arg3[%select_n3A, %dma_wait3A_86] : memref<6400x128xi32, #tpu.memory_space<hbm>> -> memref<200x128xi32, #tpu.memory_space<hbm>>
        tpu.wait_dma2 semaphore(%run_scoped3A : memref<!tpu.dma_semaphore, #tpu.memory_space<semaphore_mem>>) src(%dma_wait3A_87 : memref<200x128xi32, #tpu.memory_space<hbm>>) dst(%dma_wait3A_85 : memref<200x128xi32, #tpu.memory_space<vmem>>)
        tpu.yield
      }) : () -> ()
    } else {
    }
    %dma_start3A = arith.constant 0 : i32
    %dma_start3A_17 = arith.constant 0 : i32
    %dma_start3A_18 = arith.constant 0 : i32
    %dma_start3A_19 = tpu.memref_slice %arg6[%dma_start3A_17, %dma_start3A_18] : memref<512x128xf32, #tpu.memory_space<vmem>> -> memref<128x128xf32, #tpu.memory_space<vmem>>
    %dma_start3A_20 = arith.constant 0 : i32
    %dma_start3A_21 = tpu.memref_slice %arg5[%dma_start3A, %dma_start3A_20] : memref<200x128xi32, #tpu.memory_space<vmem>> -> memref<1x128xi32, #tpu.memory_space<vmem>>
    %dma_start3A_22 = tpu.memref_squeeze %dma_start3A_21 : memref<1x128xi32, #tpu.memory_space<vmem>> -> memref<128xi32, #tpu.memory_space<vmem>>
    %dma_start3A_23 = arith.constant 0 : i32
    %dma_start3A_24 = arith.constant 0 : i32
    %dma_start3A_25 = tpu.memref_slice %arg2[%dma_start3A_23, %dma_start3A_24] : memref<50000x128xf32, #tpu.memory_space<hbm>> -> memref<50000x128xf32, #tpu.memory_space<hbm>>
    tpu.enqueue_indirect_dma source(%dma_start3A_25 : memref<50000x128xf32, #tpu.memory_space<hbm>>) target(%dma_start3A_19 : memref<128x128xf32, #tpu.memory_space<vmem>>) offsets(%dma_start3A_22 : memref<128xi32, #tpu.memory_space<vmem>>) semaphore(%arg7 : memref<!tpu.dma_semaphore, #tpu.memory_space<semaphore_mem>>)
    %dma_start3A_26 = arith.constant 1 : i32
    %dma_start3A_27 = arith.constant 128 : i32
    %dma_start3A_28 = arith.constant 0 : i32
    %dma_start3A_29 = tpu.memref_slice %arg6[%dma_start3A_27, %dma_start3A_28] : memref<512x128xf32, #tpu.memory_space<vmem>> -> memref<128x128xf32, #tpu.memory_space<vmem>>
    %dma_start3A_30 = arith.constant 0 : i32
    %dma_start3A_31 = tpu.memref_slice %arg5[%dma_start3A_26, %dma_start3A_30] : memref<200x128xi32, #tpu.memory_space<vmem>> -> memref<1x128xi32, #tpu.memory_space<vmem>>
    %dma_start3A_32 = tpu.memref_squeeze %dma_start3A_31 : memref<1x128xi32, #tpu.memory_space<vmem>> -> memref<128xi32, #tpu.memory_space<vmem>>
    %dma_start3A_33 = arith.constant 0 : i32
    %dma_start3A_34 = arith.constant 0 : i32
    %dma_start3A_35 = tpu.memref_slice %arg2[%dma_start3A_33, %dma_start3A_34] : memref<50000x128xf32, #tpu.memory_space<hbm>> -> memref<50000x128xf32, #tpu.memory_space<hbm>>
    tpu.enqueue_indirect_dma source(%dma_start3A_35 : memref<50000x128xf32, #tpu.memory_space<hbm>>) target(%dma_start3A_29 : memref<128x128xf32, #tpu.memory_space<vmem>>) offsets(%dma_start3A_32 : memref<128xi32, #tpu.memory_space<vmem>>) semaphore(%arg7 : memref<!tpu.dma_semaphore, #tpu.memory_space<semaphore_mem>>)
    %while3A = arith.constant 0 : i32
    %while3A_36 = arith.constant 0 : i32
    %while3A_37 = arith.subi %select_n3A_8, %while3A_36 : i32
    %while3A_38 = arith.addi %while3A_36, %while3A_37 : i32
    %while3A_39 = arith.constant 1 : i32
    %while3A_40 = arith.divsi %while3A_37, %while3A_39 : i32
    %while3A_41 = arith.muli %while3A_40, %while3A_39 : i32
    %while3A_42 = arith.addi %while3A_36, %while3A_41 : i32
    %while3A_43 = arith.constant 1 : i32
    scf.for %while3A_68 = %while3A_36 to %while3A_42 step %while3A_43  : i32 {
      %mul3A_69 = arith.constant 2 : i32
      %mul3A_70 = arith.muli %mul3A_69, %while3A_68 : i32
      %dma_wait3A_71 = arith.constant 0 : i32
      %dma_wait3A_72 = arith.constant 0 : i32
      %dma_wait3A_73 = arith.constant 0 : i32
      %dma_wait3A_74 = tpu.memref_slice %arg6[%dma_wait3A_72, %dma_wait3A_73] : memref<512x128xf32, #tpu.memory_space<vmem>> -> memref<128x128xf32, #tpu.memory_space<vmem>>
      %dma_wait3A_75 = arith.constant 0 : i32
      %dma_wait3A_76 = tpu.memref_slice %arg5[%dma_wait3A_71, %dma_wait3A_75] : memref<200x128xi32, #tpu.memory_space<vmem>> -> memref<1x128xi32, #tpu.memory_space<vmem>>
      %dma_wait3A_77 = tpu.memref_squeeze %dma_wait3A_76 : memref<1x128xi32, #tpu.memory_space<vmem>> -> memref<128xi32, #tpu.memory_space<vmem>>
      %dma_wait3A_78 = arith.constant 0 : i32
      %dma_wait3A_79 = arith.constant 0 : i32
      %dma_wait3A_80 = tpu.memref_slice %arg2[%dma_wait3A_78, %dma_wait3A_79] : memref<50000x128xf32, #tpu.memory_space<hbm>> -> memref<50000x128xf32, #tpu.memory_space<hbm>>
      tpu.wait_indirect_dma semaphore(%arg7 : memref<!tpu.dma_semaphore, #tpu.memory_space<semaphore_mem>>) src(%dma_wait3A_80 : memref<50000x128xf32, #tpu.memory_space<hbm>>) dst(%dma_wait3A_74 : memref<128x128xf32, #tpu.memory_space<vmem>>)
      %dma_wait3A_81 = arith.constant 0 : i32
      %dma_wait3A_82 = arith.constant 0 : i32
      %dma_wait3A_83 = arith.constant 0 : i32
      %dma_wait3A_84 = tpu.memref_slice %arg6[%dma_wait3A_82, %dma_wait3A_83] : memref<512x128xf32, #tpu.memory_space<vmem>> -> memref<128x128xf32, #tpu.memory_space<vmem>>
      %dma_wait3A_85 = arith.constant 0 : i32
      %dma_wait3A_86 = tpu.memref_slice %arg5[%dma_wait3A_81, %dma_wait3A_85] : memref<200x128xi32, #tpu.memory_space<vmem>> -> memref<1x128xi32, #tpu.memory_space<vmem>>
      %dma_wait3A_87 = tpu.memref_squeeze %dma_wait3A_86 : memref<1x128xi32, #tpu.memory_space<vmem>> -> memref<128xi32, #tpu.memory_space<vmem>>
      %dma_wait3A_88 = arith.constant 0 : i32
      %dma_wait3A_89 = arith.constant 0 : i32
      %dma_wait3A_90 = tpu.memref_slice %arg2[%dma_wait3A_88, %dma_wait3A_89] : memref<50000x128xf32, #tpu.memory_space<hbm>> -> memref<50000x128xf32, #tpu.memory_space<hbm>>
      tpu.wait_indirect_dma semaphore(%arg7 : memref<!tpu.dma_semaphore, #tpu.memory_space<semaphore_mem>>) src(%dma_wait3A_90 : memref<50000x128xf32, #tpu.memory_space<hbm>>) dst(%dma_wait3A_84 : memref<128x128xf32, #tpu.memory_space<vmem>>)
      %gt3A = arith.constant 0 : i32
      %gt3A_91 = arith.cmpi sgt, %while3A_68, %gt3A : i32
      %convert_element_type3A_92 = arith.extui %gt3A_91 : i1 to i32
      %cond3A_93 = arith.constant 0 : i32
      %cond3A_94 = arith.cmpi ne, %convert_element_type3A_92, %cond3A_93 : i32
      scf.if %cond3A_94 {
        %mul3A_235 = arith.constant 128 : i32
        %mul3A_236 = arith.muli %select_n3A, %mul3A_235 : i32
        %dma_wait3A_237 = arith.constant 0 : i32
        %dma_wait3A_238 = arith.constant 0 : i32
        %dma_wait3A_239 = tpu.memref_slice %arg6[%dma_wait3A_237, %dma_wait3A_238] : memref<512x128xf32, #tpu.memory_space<vmem>> -> memref<128x128xf32, #tpu.memory_space<vmem>>
        %dma_wait3A_240 = arith.constant 0 : i32
        %dma_wait3A_241 = tpu.memref_slice %arg4[%mul3A_236, %dma_wait3A_240] : memref<819200x128xf32, #tpu.memory_space<hbm>> -> memref<128x128xf32, #tpu.memory_space<hbm>>
        %dma_wait3A_242 = arith.constant 0 : i32
        %dma_wait3A_243 = tpu.memref_slice %arg4[%mul3A_236, %dma_wait3A_242] : memref<819200x128xf32, #tpu.memory_space<hbm>> -> memref<128x128xf32, #tpu.memory_space<hbm>>
        %dma_wait3A_244 = arith.constant 0 : i32
        %dma_wait3A_245 = arith.constant 0 : i32
        %dma_wait3A_246 = tpu.memref_slice %arg6[%dma_wait3A_244, %dma_wait3A_245] : memref<512x128xf32, #tpu.memory_space<vmem>> -> memref<128x128xf32, #tpu.memory_space<vmem>>
        tpu.wait_dma2 semaphore(%arg8 : memref<!tpu.dma_semaphore, #tpu.memory_space<semaphore_mem>>) src(%dma_wait3A_246 : memref<128x128xf32, #tpu.memory_space<vmem>>) dst(%dma_wait3A_243 : memref<128x128xf32, #tpu.memory_space<hbm>>)
        %mul3A_247 = arith.constant 128 : i32
        %mul3A_248 = arith.muli %select_n3A, %mul3A_247 : i32
        %dma_wait3A_249 = arith.constant 0 : i32
        %dma_wait3A_250 = arith.constant 0 : i32
        %dma_wait3A_251 = tpu.memref_slice %arg6[%dma_wait3A_249, %dma_wait3A_250] : memref<512x128xf32, #tpu.memory_space<vmem>> -> memref<128x128xf32, #tpu.memory_space<vmem>>
        %dma_wait3A_252 = arith.constant 0 : i32
        %dma_wait3A_253 = tpu.memref_slice %arg4[%mul3A_248, %dma_wait3A_252] : memref<819200x128xf32, #tpu.memory_space<hbm>> -> memref<128x128xf32, #tpu.memory_space<hbm>>
        %dma_wait3A_254 = arith.constant 0 : i32
        %dma_wait3A_255 = tpu.memref_slice %arg4[%mul3A_248, %dma_wait3A_254] : memref<819200x128xf32, #tpu.memory_space<hbm>> -> memref<128x128xf32, #tpu.memory_space<hbm>>
        %dma_wait3A_256 = arith.constant 0 : i32
        %dma_wait3A_257 = arith.constant 0 : i32
        %dma_wait3A_258 = tpu.memref_slice %arg6[%dma_wait3A_256, %dma_wait3A_257] : memref<512x128xf32, #tpu.memory_space<vmem>> -> memref<128x128xf32, #tpu.memory_space<vmem>>
        tpu.wait_dma2 semaphore(%arg8 : memref<!tpu.dma_semaphore, #tpu.memory_space<semaphore_mem>>) src(%dma_wait3A_258 : memref<128x128xf32, #tpu.memory_space<vmem>>) dst(%dma_wait3A_255 : memref<128x128xf32, #tpu.memory_space<hbm>>)
      } else {
      }
      %add3A_95 = arith.constant 1 : i32
      %add3A_96 = arith.addi %mul3A_70, %add3A_95 : i32
      %mul3A_97 = arith.constant 2 : i32
      %mul3A_98 = arith.muli %add3A_96, %mul3A_97 : i32
      %add3A_99 = arith.constant 0 : i32
      %add3A_100 = arith.addi %mul3A_98, %add3A_99 : i32
      %dma_start3A_101 = arith.constant 256 : i32
      %dma_start3A_102 = arith.constant 0 : i32
      %dma_start3A_103 = tpu.memref_slice %arg6[%dma_start3A_101, %dma_start3A_102] : memref<512x128xf32, #tpu.memory_space<vmem>> -> memref<128x128xf32, #tpu.memory_space<vmem>>
      %dma_start3A_104 = arith.constant 0 : i32
      %dma_start3A_105 = tpu.memref_slice %arg5[%add3A_100, %dma_start3A_104] : memref<200x128xi32, #tpu.memory_space<vmem>> -> memref<1x128xi32, #tpu.memory_space<vmem>>
      %dma_start3A_106 = tpu.memref_squeeze %dma_start3A_105 : memref<1x128xi32, #tpu.memory_space<vmem>> -> memref<128xi32, #tpu.memory_space<vmem>>
      %dma_start3A_107 = arith.constant 0 : i32
      %dma_start3A_108 = arith.constant 0 : i32
      %dma_start3A_109 = tpu.memref_slice %arg2[%dma_start3A_107, %dma_start3A_108] : memref<50000x128xf32, #tpu.memory_space<hbm>> -> memref<50000x128xf32, #tpu.memory_space<hbm>>
      tpu.enqueue_indirect_dma source(%dma_start3A_109 : memref<50000x128xf32, #tpu.memory_space<hbm>>) target(%dma_start3A_103 : memref<128x128xf32, #tpu.memory_space<vmem>>) offsets(%dma_start3A_106 : memref<128xi32, #tpu.memory_space<vmem>>) semaphore(%arg7 : memref<!tpu.dma_semaphore, #tpu.memory_space<semaphore_mem>>)
      %add3A_110 = arith.constant 1 : i32
      %add3A_111 = arith.addi %mul3A_98, %add3A_110 : i32
      %dma_start3A_112 = arith.constant 384 : i32
      %dma_start3A_113 = arith.constant 0 : i32
      %dma_start3A_114 = tpu.memref_slice %arg6[%dma_start3A_112, %dma_start3A_113] : memref<512x128xf32, #tpu.memory_space<vmem>> -> memref<128x128xf32, #tpu.memory_space<vmem>>
      %dma_start3A_115 = arith.constant 0 : i32
      %dma_start3A_116 = tpu.memref_slice %arg5[%add3A_111, %dma_start3A_115] : memref<200x128xi32, #tpu.memory_space<vmem>> -> memref<1x128xi32, #tpu.memory_space<vmem>>
      %dma_start3A_117 = tpu.memref_squeeze %dma_start3A_116 : memref<1x128xi32, #tpu.memory_space<vmem>> -> memref<128xi32, #tpu.memory_space<vmem>>
      %dma_start3A_118 = arith.constant 0 : i32
      %dma_start3A_119 = arith.constant 0 : i32
      %dma_start3A_120 = tpu.memref_slice %arg2[%dma_start3A_118, %dma_start3A_119] : memref<50000x128xf32, #tpu.memory_space<hbm>> -> memref<50000x128xf32, #tpu.memory_space<hbm>>
      tpu.enqueue_indirect_dma source(%dma_start3A_120 : memref<50000x128xf32, #tpu.memory_space<hbm>>) target(%dma_start3A_114 : memref<128x128xf32, #tpu.memory_space<vmem>>) offsets(%dma_start3A_117 : memref<128xi32, #tpu.memory_space<vmem>>) semaphore(%arg7 : memref<!tpu.dma_semaphore, #tpu.memory_space<semaphore_mem>>)
      %mul3A_121 = arith.constant 2 : i32
      %mul3A_122 = arith.muli %mul3A_70, %mul3A_121 : i32
      %add3A_123 = arith.addi %select_n3A, %mul3A_122 : i32
      %add3A_124 = arith.constant 0 : i32
      %add3A_125 = arith.addi %add3A_123, %add3A_124 : i32
      %mul3A_126 = arith.constant 128 : i32
      %mul3A_127 = arith.muli %add3A_125, %mul3A_126 : i32
      %dma_start3A_128 = arith.constant 0 : i32
      %dma_start3A_129 = arith.constant 0 : i32
      %dma_start3A_130 = tpu.memref_slice %arg6[%dma_start3A_128, %dma_start3A_129] : memref<512x128xf32, #tpu.memory_space<vmem>> -> memref<128x128xf32, #tpu.memory_space<vmem>>
      %dma_start3A_131 = arith.constant 0 : i32
      %dma_start3A_132 = tpu.memref_slice %arg4[%mul3A_127, %dma_start3A_131] : memref<819200x128xf32, #tpu.memory_space<hbm>> -> memref<128x128xf32, #tpu.memory_space<hbm>>
      %dma_start3A_133 = arith.constant 0 : i32
      %dma_start3A_134 = tpu.memref_slice %arg4[%mul3A_127, %dma_start3A_133] : memref<819200x128xf32, #tpu.memory_space<hbm>> -> memref<128x128xf32, #tpu.memory_space<hbm>>
      %dma_start3A_135 = arith.constant 0 : i32
      %dma_start3A_136 = arith.constant 0 : i32
      %dma_start3A_137 = tpu.memref_slice %arg6[%dma_start3A_135, %dma_start3A_136] : memref<512x128xf32, #tpu.memory_space<vmem>> -> memref<128x128xf32, #tpu.memory_space<vmem>>
      tpu.enqueue_dma source(%dma_start3A_137 : memref<128x128xf32, #tpu.memory_space<vmem>>) target(%dma_start3A_134 : memref<128x128xf32, #tpu.memory_space<hbm>>) target_semaphore(%arg8 : memref<!tpu.dma_semaphore, #tpu.memory_space<semaphore_mem>>)
      %add3A_138 = arith.addi %select_n3A, %mul3A_122 : i32
      %add3A_139 = arith.constant 1 : i32
      %add3A_140 = arith.addi %add3A_138, %add3A_139 : i32
      %mul3A_141 = arith.constant 128 : i32
      %mul3A_142 = arith.muli %add3A_140, %mul3A_141 : i32
      %dma_start3A_143 = arith.constant 128 : i32
      %dma_start3A_144 = arith.constant 0 : i32
      %dma_start3A_145 = tpu.memref_slice %arg6[%dma_start3A_143, %dma_start3A_144] : memref<512x128xf32, #tpu.memory_space<vmem>> -> memref<128x128xf32, #tpu.memory_space<vmem>>
      %dma_start3A_146 = arith.constant 0 : i32
      %dma_start3A_147 = tpu.memref_slice %arg4[%mul3A_142, %dma_start3A_146] : memref<819200x128xf32, #tpu.memory_space<hbm>> -> memref<128x128xf32, #tpu.memory_space<hbm>>
      %dma_start3A_148 = arith.constant 0 : i32
      %dma_start3A_149 = tpu.memref_slice %arg4[%mul3A_142, %dma_start3A_148] : memref<819200x128xf32, #tpu.memory_space<hbm>> -> memref<128x128xf32, #tpu.memory_space<hbm>>
      %dma_start3A_150 = arith.constant 128 : i32
      %dma_start3A_151 = arith.constant 0 : i32
      %dma_start3A_152 = tpu.memref_slice %arg6[%dma_start3A_150, %dma_start3A_151] : memref<512x128xf32, #tpu.memory_space<vmem>> -> memref<128x128xf32, #tpu.memory_space<vmem>>
      tpu.enqueue_dma source(%dma_start3A_152 : memref<128x128xf32, #tpu.memory_space<vmem>>) target(%dma_start3A_149 : memref<128x128xf32, #tpu.memory_space<hbm>>) target_semaphore(%arg8 : memref<!tpu.dma_semaphore, #tpu.memory_space<semaphore_mem>>)
      %dma_wait3A_153 = arith.constant 0 : i32
      %dma_wait3A_154 = arith.constant 0 : i32
      %dma_wait3A_155 = arith.constant 0 : i32
      %dma_wait3A_156 = tpu.memref_slice %arg6[%dma_wait3A_154, %dma_wait3A_155] : memref<512x128xf32, #tpu.memory_space<vmem>> -> memref<128x128xf32, #tpu.memory_space<vmem>>
      %dma_wait3A_157 = arith.constant 0 : i32
      %dma_wait3A_158 = tpu.memref_slice %arg5[%dma_wait3A_153, %dma_wait3A_157] : memref<200x128xi32, #tpu.memory_space<vmem>> -> memref<1x128xi32, #tpu.memory_space<vmem>>
      %dma_wait3A_159 = tpu.memref_squeeze %dma_wait3A_158 : memref<1x128xi32, #tpu.memory_space<vmem>> -> memref<128xi32, #tpu.memory_space<vmem>>
      %dma_wait3A_160 = arith.constant 0 : i32
      %dma_wait3A_161 = arith.constant 0 : i32
      %dma_wait3A_162 = tpu.memref_slice %arg2[%dma_wait3A_160, %dma_wait3A_161] : memref<50000x128xf32, #tpu.memory_space<hbm>> -> memref<50000x128xf32, #tpu.memory_space<hbm>>
      tpu.wait_indirect_dma semaphore(%arg7 : memref<!tpu.dma_semaphore, #tpu.memory_space<semaphore_mem>>) src(%dma_wait3A_162 : memref<50000x128xf32, #tpu.memory_space<hbm>>) dst(%dma_wait3A_156 : memref<128x128xf32, #tpu.memory_space<vmem>>)
      %dma_wait3A_163 = arith.constant 0 : i32
      %dma_wait3A_164 = arith.constant 0 : i32
      %dma_wait3A_165 = arith.constant 0 : i32
      %dma_wait3A_166 = tpu.memref_slice %arg6[%dma_wait3A_164, %dma_wait3A_165] : memref<512x128xf32, #tpu.memory_space<vmem>> -> memref<128x128xf32, #tpu.memory_space<vmem>>
      %dma_wait3A_167 = arith.constant 0 : i32
      %dma_wait3A_168 = tpu.memref_slice %arg5[%dma_wait3A_163, %dma_wait3A_167] : memref<200x128xi32, #tpu.memory_space<vmem>> -> memref<1x128xi32, #tpu.memory_space<vmem>>
      %dma_wait3A_169 = tpu.memref_squeeze %dma_wait3A_168 : memref<1x128xi32, #tpu.memory_space<vmem>> -> memref<128xi32, #tpu.memory_space<vmem>>
      %dma_wait3A_170 = arith.constant 0 : i32
      %dma_wait3A_171 = arith.constant 0 : i32
      %dma_wait3A_172 = tpu.memref_slice %arg2[%dma_wait3A_170, %dma_wait3A_171] : memref<50000x128xf32, #tpu.memory_space<hbm>> -> memref<50000x128xf32, #tpu.memory_space<hbm>>
      tpu.wait_indirect_dma semaphore(%arg7 : memref<!tpu.dma_semaphore, #tpu.memory_space<semaphore_mem>>) src(%dma_wait3A_172 : memref<50000x128xf32, #tpu.memory_space<hbm>>) dst(%dma_wait3A_166 : memref<128x128xf32, #tpu.memory_space<vmem>>)
      %mul3A_173 = arith.constant 128 : i32
      %mul3A_174 = arith.muli %select_n3A, %mul3A_173 : i32
      %dma_wait3A_175 = arith.constant 0 : i32
      %dma_wait3A_176 = arith.constant 0 : i32
      %dma_wait3A_177 = tpu.memref_slice %arg6[%dma_wait3A_175, %dma_wait3A_176] : memref<512x128xf32, #tpu.memory_space<vmem>> -> memref<128x128xf32, #tpu.memory_space<vmem>>
      %dma_wait3A_178 = arith.constant 0 : i32
      %dma_wait3A_179 = tpu.memref_slice %arg4[%mul3A_174, %dma_wait3A_178] : memref<819200x128xf32, #tpu.memory_space<hbm>> -> memref<128x128xf32, #tpu.memory_space<hbm>>
      %dma_wait3A_180 = arith.constant 0 : i32
      %dma_wait3A_181 = tpu.memref_slice %arg4[%mul3A_174, %dma_wait3A_180] : memref<819200x128xf32, #tpu.memory_space<hbm>> -> memref<128x128xf32, #tpu.memory_space<hbm>>
      %dma_wait3A_182 = arith.constant 0 : i32
      %dma_wait3A_183 = arith.constant 0 : i32
      %dma_wait3A_184 = tpu.memref_slice %arg6[%dma_wait3A_182, %dma_wait3A_183] : memref<512x128xf32, #tpu.memory_space<vmem>> -> memref<128x128xf32, #tpu.memory_space<vmem>>
      tpu.wait_dma2 semaphore(%arg8 : memref<!tpu.dma_semaphore, #tpu.memory_space<semaphore_mem>>) src(%dma_wait3A_184 : memref<128x128xf32, #tpu.memory_space<vmem>>) dst(%dma_wait3A_181 : memref<128x128xf32, #tpu.memory_space<hbm>>)
      %mul3A_185 = arith.constant 128 : i32
      %mul3A_186 = arith.muli %select_n3A, %mul3A_185 : i32
      %dma_wait3A_187 = arith.constant 0 : i32
      %dma_wait3A_188 = arith.constant 0 : i32
      %dma_wait3A_189 = tpu.memref_slice %arg6[%dma_wait3A_187, %dma_wait3A_188] : memref<512x128xf32, #tpu.memory_space<vmem>> -> memref<128x128xf32, #tpu.memory_space<vmem>>
      %dma_wait3A_190 = arith.constant 0 : i32
      %dma_wait3A_191 = tpu.memref_slice %arg4[%mul3A_186, %dma_wait3A_190] : memref<819200x128xf32, #tpu.memory_space<hbm>> -> memref<128x128xf32, #tpu.memory_space<hbm>>
      %dma_wait3A_192 = arith.constant 0 : i32
      %dma_wait3A_193 = tpu.memref_slice %arg4[%mul3A_186, %dma_wait3A_192] : memref<819200x128xf32, #tpu.memory_space<hbm>> -> memref<128x128xf32, #tpu.memory_space<hbm>>
      %dma_wait3A_194 = arith.constant 0 : i32
      %dma_wait3A_195 = arith.constant 0 : i32
      %dma_wait3A_196 = tpu.memref_slice %arg6[%dma_wait3A_194, %dma_wait3A_195] : memref<512x128xf32, #tpu.memory_space<vmem>> -> memref<128x128xf32, #tpu.memory_space<vmem>>
      tpu.wait_dma2 semaphore(%arg8 : memref<!tpu.dma_semaphore, #tpu.memory_space<semaphore_mem>>) src(%dma_wait3A_196 : memref<128x128xf32, #tpu.memory_space<vmem>>) dst(%dma_wait3A_193 : memref<128x128xf32, #tpu.memory_space<hbm>>)
      %sub3A = arith.constant 1 : i32
      %sub3A_197 = arith.subi %select_n3A_8, %sub3A : i32
      %lt3A = arith.cmpi slt, %while3A_68, %sub3A_197 : i32
      %convert_element_type3A_198 = arith.extui %lt3A : i1 to i32
      %cond3A_199 = arith.constant 0 : i32
      %cond3A_200 = arith.cmpi ne, %convert_element_type3A_198, %cond3A_199 : i32
      scf.if %cond3A_200 {
        %add3A_235 = arith.constant 2 : i32
        %add3A_236 = arith.addi %mul3A_70, %add3A_235 : i32
        %mul3A_237 = arith.constant 2 : i32
        %mul3A_238 = arith.muli %add3A_236, %mul3A_237 : i32
        %add3A_239 = arith.constant 0 : i32
        %add3A_240 = arith.addi %mul3A_238, %add3A_239 : i32
        %dma_start3A_241 = arith.constant 0 : i32
        %dma_start3A_242 = arith.constant 0 : i32
        %dma_start3A_243 = tpu.memref_slice %arg6[%dma_start3A_241, %dma_start3A_242] : memref<512x128xf32, #tpu.memory_space<vmem>> -> memref<128x128xf32, #tpu.memory_space<vmem>>
        %dma_start3A_244 = arith.constant 0 : i32
        %dma_start3A_245 = tpu.memref_slice %arg5[%add3A_240, %dma_start3A_244] : memref<200x128xi32, #tpu.memory_space<vmem>> -> memref<1x128xi32, #tpu.memory_space<vmem>>
        %dma_start3A_246 = tpu.memref_squeeze %dma_start3A_245 : memref<1x128xi32, #tpu.memory_space<vmem>> -> memref<128xi32, #tpu.memory_space<vmem>>
        %dma_start3A_247 = arith.constant 0 : i32
        %dma_start3A_248 = arith.constant 0 : i32
        %dma_start3A_249 = tpu.memref_slice %arg2[%dma_start3A_247, %dma_start3A_248] : memref<50000x128xf32, #tpu.memory_space<hbm>> -> memref<50000x128xf32, #tpu.memory_space<hbm>>
        tpu.enqueue_indirect_dma source(%dma_start3A_249 : memref<50000x128xf32, #tpu.memory_space<hbm>>) target(%dma_start3A_243 : memref<128x128xf32, #tpu.memory_space<vmem>>) offsets(%dma_start3A_246 : memref<128xi32, #tpu.memory_space<vmem>>) semaphore(%arg7 : memref<!tpu.dma_semaphore, #tpu.memory_space<semaphore_mem>>)
        %add3A_250 = arith.constant 1 : i32
        %add3A_251 = arith.addi %mul3A_238, %add3A_250 : i32
        %dma_start3A_252 = arith.constant 128 : i32
        %dma_start3A_253 = arith.constant 0 : i32
        %dma_start3A_254 = tpu.memref_slice %arg6[%dma_start3A_252, %dma_start3A_253] : memref<512x128xf32, #tpu.memory_space<vmem>> -> memref<128x128xf32, #tpu.memory_space<vmem>>
        %dma_start3A_255 = arith.constant 0 : i32
        %dma_start3A_256 = tpu.memref_slice %arg5[%add3A_251, %dma_start3A_255] : memref<200x128xi32, #tpu.memory_space<vmem>> -> memref<1x128xi32, #tpu.memory_space<vmem>>
        %dma_start3A_257 = tpu.memref_squeeze %dma_start3A_256 : memref<1x128xi32, #tpu.memory_space<vmem>> -> memref<128xi32, #tpu.memory_space<vmem>>
        %dma_start3A_258 = arith.constant 0 : i32
        %dma_start3A_259 = arith.constant 0 : i32
        %dma_start3A_260 = tpu.memref_slice %arg2[%dma_start3A_258, %dma_start3A_259] : memref<50000x128xf32, #tpu.memory_space<hbm>> -> memref<50000x128xf32, #tpu.memory_space<hbm>>
        tpu.enqueue_indirect_dma source(%dma_start3A_260 : memref<50000x128xf32, #tpu.memory_space<hbm>>) target(%dma_start3A_254 : memref<128x128xf32, #tpu.memory_space<vmem>>) offsets(%dma_start3A_257 : memref<128xi32, #tpu.memory_space<vmem>>) semaphore(%arg7 : memref<!tpu.dma_semaphore, #tpu.memory_space<semaphore_mem>>)
      } else {
      }
      %add3A_201 = arith.constant 1 : i32
      %add3A_202 = arith.addi %mul3A_70, %add3A_201 : i32
      %mul3A_203 = arith.constant 2 : i32
      %mul3A_204 = arith.muli %add3A_202, %mul3A_203 : i32
      %add3A_205 = arith.addi %select_n3A, %mul3A_204 : i32
      %add3A_206 = arith.constant 0 : i32
      %add3A_207 = arith.addi %add3A_205, %add3A_206 : i32
      %mul3A_208 = arith.constant 128 : i32
      %mul3A_209 = arith.muli %add3A_207, %mul3A_208 : i32
      %dma_start3A_210 = arith.constant 256 : i32
      %dma_start3A_211 = arith.constant 0 : i32
      %dma_start3A_212 = tpu.memref_slice %arg6[%dma_start3A_210, %dma_start3A_211] : memref<512x128xf32, #tpu.memory_space<vmem>> -> memref<128x128xf32, #tpu.memory_space<vmem>>
      %dma_start3A_213 = arith.constant 0 : i32
      %dma_start3A_214 = tpu.memref_slice %arg4[%mul3A_209, %dma_start3A_213] : memref<819200x128xf32, #tpu.memory_space<hbm>> -> memref<128x128xf32, #tpu.memory_space<hbm>>
      %dma_start3A_215 = arith.constant 0 : i32
      %dma_start3A_216 = tpu.memref_slice %arg4[%mul3A_209, %dma_start3A_215] : memref<819200x128xf32, #tpu.memory_space<hbm>> -> memref<128x128xf32, #tpu.memory_space<hbm>>
      %dma_start3A_217 = arith.constant 256 : i32
      %dma_start3A_218 = arith.constant 0 : i32
      %dma_start3A_219 = tpu.memref_slice %arg6[%dma_start3A_217, %dma_start3A_218] : memref<512x128xf32, #tpu.memory_space<vmem>> -> memref<128x128xf32, #tpu.memory_space<vmem>>
      tpu.enqueue_dma source(%dma_start3A_219 : memref<128x128xf32, #tpu.memory_space<vmem>>) target(%dma_start3A_216 : memref<128x128xf32, #tpu.memory_space<hbm>>) target_semaphore(%arg8 : memref<!tpu.dma_semaphore, #tpu.memory_space<semaphore_mem>>)
      %add3A_220 = arith.addi %select_n3A, %mul3A_204 : i32
      %add3A_221 = arith.constant 1 : i32
      %add3A_222 = arith.addi %add3A_220, %add3A_221 : i32
      %mul3A_223 = arith.constant 128 : i32
      %mul3A_224 = arith.muli %add3A_222, %mul3A_223 : i32
      %dma_start3A_225 = arith.constant 384 : i32
      %dma_start3A_226 = arith.constant 0 : i32
      %dma_start3A_227 = tpu.memref_slice %arg6[%dma_start3A_225, %dma_start3A_226] : memref<512x128xf32, #tpu.memory_space<vmem>> -> memref<128x128xf32, #tpu.memory_space<vmem>>
      %dma_start3A_228 = arith.constant 0 : i32
      %dma_start3A_229 = tpu.memref_slice %arg4[%mul3A_224, %dma_start3A_228] : memref<819200x128xf32, #tpu.memory_space<hbm>> -> memref<128x128xf32, #tpu.memory_space<hbm>>
      %dma_start3A_230 = arith.constant 0 : i32
      %dma_start3A_231 = tpu.memref_slice %arg4[%mul3A_224, %dma_start3A_230] : memref<819200x128xf32, #tpu.memory_space<hbm>> -> memref<128x128xf32, #tpu.memory_space<hbm>>
      %dma_start3A_232 = arith.constant 384 : i32
      %dma_start3A_233 = arith.constant 0 : i32
      %dma_start3A_234 = tpu.memref_slice %arg6[%dma_start3A_232, %dma_start3A_233] : memref<512x128xf32, #tpu.memory_space<vmem>> -> memref<128x128xf32, #tpu.memory_space<vmem>>
      tpu.enqueue_dma source(%dma_start3A_234 : memref<128x128xf32, #tpu.memory_space<vmem>>) target(%dma_start3A_231 : memref<128x128xf32, #tpu.memory_space<hbm>>) target_semaphore(%arg8 : memref<!tpu.dma_semaphore, #tpu.memory_space<semaphore_mem>>)
    }
    %while3A_44 = arith.constant 1 : i32
    scf.for %while3A_68 = %while3A_42 to %while3A_38 step %while3A_44  : i32 {
      %mul3A_69 = arith.constant 2 : i32
      %mul3A_70 = arith.muli %mul3A_69, %while3A_68 : i32
      %dma_wait3A_71 = arith.constant 0 : i32
      %dma_wait3A_72 = arith.constant 0 : i32
      %dma_wait3A_73 = arith.constant 0 : i32
      %dma_wait3A_74 = tpu.memref_slice %arg6[%dma_wait3A_72, %dma_wait3A_73] : memref<512x128xf32, #tpu.memory_space<vmem>> -> memref<128x128xf32, #tpu.memory_space<vmem>>
      %dma_wait3A_75 = arith.constant 0 : i32
      %dma_wait3A_76 = tpu.memref_slice %arg5[%dma_wait3A_71, %dma_wait3A_75] : memref<200x128xi32, #tpu.memory_space<vmem>> -> memref<1x128xi32, #tpu.memory_space<vmem>>
      %dma_wait3A_77 = tpu.memref_squeeze %dma_wait3A_76 : memref<1x128xi32, #tpu.memory_space<vmem>> -> memref<128xi32, #tpu.memory_space<vmem>>
      %dma_wait3A_78 = arith.constant 0 : i32
      %dma_wait3A_79 = arith.constant 0 : i32
      %dma_wait3A_80 = tpu.memref_slice %arg2[%dma_wait3A_78, %dma_wait3A_79] : memref<50000x128xf32, #tpu.memory_space<hbm>> -> memref<50000x128xf32, #tpu.memory_space<hbm>>
      tpu.wait_indirect_dma semaphore(%arg7 : memref<!tpu.dma_semaphore, #tpu.memory_space<semaphore_mem>>) src(%dma_wait3A_80 : memref<50000x128xf32, #tpu.memory_space<hbm>>) dst(%dma_wait3A_74 : memref<128x128xf32, #tpu.memory_space<vmem>>)
      %dma_wait3A_81 = arith.constant 0 : i32
      %dma_wait3A_82 = arith.constant 0 : i32
      %dma_wait3A_83 = arith.constant 0 : i32
      %dma_wait3A_84 = tpu.memref_slice %arg6[%dma_wait3A_82, %dma_wait3A_83] : memref<512x128xf32, #tpu.memory_space<vmem>> -> memref<128x128xf32, #tpu.memory_space<vmem>>
      %dma_wait3A_85 = arith.constant 0 : i32
      %dma_wait3A_86 = tpu.memref_slice %arg5[%dma_wait3A_81, %dma_wait3A_85] : memref<200x128xi32, #tpu.memory_space<vmem>> -> memref<1x128xi32, #tpu.memory_space<vmem>>
      %dma_wait3A_87 = tpu.memref_squeeze %dma_wait3A_86 : memref<1x128xi32, #tpu.memory_space<vmem>> -> memref<128xi32, #tpu.memory_space<vmem>>
      %dma_wait3A_88 = arith.constant 0 : i32
      %dma_wait3A_89 = arith.constant 0 : i32
      %dma_wait3A_90 = tpu.memref_slice %arg2[%dma_wait3A_88, %dma_wait3A_89] : memref<50000x128xf32, #tpu.memory_space<hbm>> -> memref<50000x128xf32, #tpu.memory_space<hbm>>
      tpu.wait_indirect_dma semaphore(%arg7 : memref<!tpu.dma_semaphore, #tpu.memory_space<semaphore_mem>>) src(%dma_wait3A_90 : memref<50000x128xf32, #tpu.memory_space<hbm>>) dst(%dma_wait3A_84 : memref<128x128xf32, #tpu.memory_space<vmem>>)
      %gt3A = arith.constant 0 : i32
      %gt3A_91 = arith.cmpi sgt, %while3A_68, %gt3A : i32
      %convert_element_type3A_92 = arith.extui %gt3A_91 : i1 to i32
      %cond3A_93 = arith.constant 0 : i32
      %cond3A_94 = arith.cmpi ne, %convert_element_type3A_92, %cond3A_93 : i32
      scf.if %cond3A_94 {
        %mul3A_235 = arith.constant 128 : i32
        %mul3A_236 = arith.muli %select_n3A, %mul3A_235 : i32
        %dma_wait3A_237 = arith.constant 0 : i32
        %dma_wait3A_238 = arith.constant 0 : i32
        %dma_wait3A_239 = tpu.memref_slice %arg6[%dma_wait3A_237, %dma_wait3A_238] : memref<512x128xf32, #tpu.memory_space<vmem>> -> memref<128x128xf32, #tpu.memory_space<vmem>>
        %dma_wait3A_240 = arith.constant 0 : i32
        %dma_wait3A_241 = tpu.memref_slice %arg4[%mul3A_236, %dma_wait3A_240] : memref<819200x128xf32, #tpu.memory_space<hbm>> -> memref<128x128xf32, #tpu.memory_space<hbm>>
        %dma_wait3A_242 = arith.constant 0 : i32
        %dma_wait3A_243 = tpu.memref_slice %arg4[%mul3A_236, %dma_wait3A_242] : memref<819200x128xf32, #tpu.memory_space<hbm>> -> memref<128x128xf32, #tpu.memory_space<hbm>>
        %dma_wait3A_244 = arith.constant 0 : i32
        %dma_wait3A_245 = arith.constant 0 : i32
        %dma_wait3A_246 = tpu.memref_slice %arg6[%dma_wait3A_244, %dma_wait3A_245] : memref<512x128xf32, #tpu.memory_space<vmem>> -> memref<128x128xf32, #tpu.memory_space<vmem>>
        tpu.wait_dma2 semaphore(%arg8 : memref<!tpu.dma_semaphore, #tpu.memory_space<semaphore_mem>>) src(%dma_wait3A_246 : memref<128x128xf32, #tpu.memory_space<vmem>>) dst(%dma_wait3A_243 : memref<128x128xf32, #tpu.memory_space<hbm>>)
        %mul3A_247 = arith.constant 128 : i32
        %mul3A_248 = arith.muli %select_n3A, %mul3A_247 : i32
        %dma_wait3A_249 = arith.constant 0 : i32
        %dma_wait3A_250 = arith.constant 0 : i32
        %dma_wait3A_251 = tpu.memref_slice %arg6[%dma_wait3A_249, %dma_wait3A_250] : memref<512x128xf32, #tpu.memory_space<vmem>> -> memref<128x128xf32, #tpu.memory_space<vmem>>
        %dma_wait3A_252 = arith.constant 0 : i32
        %dma_wait3A_253 = tpu.memref_slice %arg4[%mul3A_248, %dma_wait3A_252] : memref<819200x128xf32, #tpu.memory_space<hbm>> -> memref<128x128xf32, #tpu.memory_space<hbm>>
        %dma_wait3A_254 = arith.constant 0 : i32
        %dma_wait3A_255 = tpu.memref_slice %arg4[%mul3A_248, %dma_wait3A_254] : memref<819200x128xf32, #tpu.memory_space<hbm>> -> memref<128x128xf32, #tpu.memory_space<hbm>>
        %dma_wait3A_256 = arith.constant 0 : i32
        %dma_wait3A_257 = arith.constant 0 : i32
        %dma_wait3A_258 = tpu.memref_slice %arg6[%dma_wait3A_256, %dma_wait3A_257] : memref<512x128xf32, #tpu.memory_space<vmem>> -> memref<128x128xf32, #tpu.memory_space<vmem>>
        tpu.wait_dma2 semaphore(%arg8 : memref<!tpu.dma_semaphore, #tpu.memory_space<semaphore_mem>>) src(%dma_wait3A_258 : memref<128x128xf32, #tpu.memory_space<vmem>>) dst(%dma_wait3A_255 : memref<128x128xf32, #tpu.memory_space<hbm>>)
      } else {
      }
      %add3A_95 = arith.constant 1 : i32
      %add3A_96 = arith.addi %mul3A_70, %add3A_95 : i32
      %mul3A_97 = arith.constant 2 : i32
      %mul3A_98 = arith.muli %add3A_96, %mul3A_97 : i32
      %add3A_99 = arith.constant 0 : i32
      %add3A_100 = arith.addi %mul3A_98, %add3A_99 : i32
      %dma_start3A_101 = arith.constant 256 : i32
      %dma_start3A_102 = arith.constant 0 : i32
      %dma_start3A_103 = tpu.memref_slice %arg6[%dma_start3A_101, %dma_start3A_102] : memref<512x128xf32, #tpu.memory_space<vmem>> -> memref<128x128xf32, #tpu.memory_space<vmem>>
      %dma_start3A_104 = arith.constant 0 : i32
      %dma_start3A_105 = tpu.memref_slice %arg5[%add3A_100, %dma_start3A_104] : memref<200x128xi32, #tpu.memory_space<vmem>> -> memref<1x128xi32, #tpu.memory_space<vmem>>
      %dma_start3A_106 = tpu.memref_squeeze %dma_start3A_105 : memref<1x128xi32, #tpu.memory_space<vmem>> -> memref<128xi32, #tpu.memory_space<vmem>>
      %dma_start3A_107 = arith.constant 0 : i32
      %dma_start3A_108 = arith.constant 0 : i32
      %dma_start3A_109 = tpu.memref_slice %arg2[%dma_start3A_107, %dma_start3A_108] : memref<50000x128xf32, #tpu.memory_space<hbm>> -> memref<50000x128xf32, #tpu.memory_space<hbm>>
      tpu.enqueue_indirect_dma source(%dma_start3A_109 : memref<50000x128xf32, #tpu.memory_space<hbm>>) target(%dma_start3A_103 : memref<128x128xf32, #tpu.memory_space<vmem>>) offsets(%dma_start3A_106 : memref<128xi32, #tpu.memory_space<vmem>>) semaphore(%arg7 : memref<!tpu.dma_semaphore, #tpu.memory_space<semaphore_mem>>)
      %add3A_110 = arith.constant 1 : i32
      %add3A_111 = arith.addi %mul3A_98, %add3A_110 : i32
      %dma_start3A_112 = arith.constant 384 : i32
      %dma_start3A_113 = arith.constant 0 : i32
      %dma_start3A_114 = tpu.memref_slice %arg6[%dma_start3A_112, %dma_start3A_113] : memref<512x128xf32, #tpu.memory_space<vmem>> -> memref<128x128xf32, #tpu.memory_space<vmem>>
      %dma_start3A_115 = arith.constant 0 : i32
      %dma_start3A_116 = tpu.memref_slice %arg5[%add3A_111, %dma_start3A_115] : memref<200x128xi32, #tpu.memory_space<vmem>> -> memref<1x128xi32, #tpu.memory_space<vmem>>
      %dma_start3A_117 = tpu.memref_squeeze %dma_start3A_116 : memref<1x128xi32, #tpu.memory_space<vmem>> -> memref<128xi32, #tpu.memory_space<vmem>>
      %dma_start3A_118 = arith.constant 0 : i32
      %dma_start3A_119 = arith.constant 0 : i32
      %dma_start3A_120 = tpu.memref_slice %arg2[%dma_start3A_118, %dma_start3A_119] : memref<50000x128xf32, #tpu.memory_space<hbm>> -> memref<50000x128xf32, #tpu.memory_space<hbm>>
      tpu.enqueue_indirect_dma source(%dma_start3A_120 : memref<50000x128xf32, #tpu.memory_space<hbm>>) target(%dma_start3A_114 : memref<128x128xf32, #tpu.memory_space<vmem>>) offsets(%dma_start3A_117 : memref<128xi32, #tpu.memory_space<vmem>>) semaphore(%arg7 : memref<!tpu.dma_semaphore, #tpu.memory_space<semaphore_mem>>)
      %mul3A_121 = arith.constant 2 : i32
      %mul3A_122 = arith.muli %mul3A_70, %mul3A_121 : i32
      %add3A_123 = arith.addi %select_n3A, %mul3A_122 : i32
      %add3A_124 = arith.constant 0 : i32
      %add3A_125 = arith.addi %add3A_123, %add3A_124 : i32
      %mul3A_126 = arith.constant 128 : i32
      %mul3A_127 = arith.muli %add3A_125, %mul3A_126 : i32
      %dma_start3A_128 = arith.constant 0 : i32
      %dma_start3A_129 = arith.constant 0 : i32
      %dma_start3A_130 = tpu.memref_slice %arg6[%dma_start3A_128, %dma_start3A_129] : memref<512x128xf32, #tpu.memory_space<vmem>> -> memref<128x128xf32, #tpu.memory_space<vmem>>
      %dma_start3A_131 = arith.constant 0 : i32
      %dma_start3A_132 = tpu.memref_slice %arg4[%mul3A_127, %dma_start3A_131] : memref<819200x128xf32, #tpu.memory_space<hbm>> -> memref<128x128xf32, #tpu.memory_space<hbm>>
      %dma_start3A_133 = arith.constant 0 : i32
      %dma_start3A_134 = tpu.memref_slice %arg4[%mul3A_127, %dma_start3A_133] : memref<819200x128xf32, #tpu.memory_space<hbm>> -> memref<128x128xf32, #tpu.memory_space<hbm>>
      %dma_start3A_135 = arith.constant 0 : i32
      %dma_start3A_136 = arith.constant 0 : i32
      %dma_start3A_137 = tpu.memref_slice %arg6[%dma_start3A_135, %dma_start3A_136] : memref<512x128xf32, #tpu.memory_space<vmem>> -> memref<128x128xf32, #tpu.memory_space<vmem>>
      tpu.enqueue_dma source(%dma_start3A_137 : memref<128x128xf32, #tpu.memory_space<vmem>>) target(%dma_start3A_134 : memref<128x128xf32, #tpu.memory_space<hbm>>) target_semaphore(%arg8 : memref<!tpu.dma_semaphore, #tpu.memory_space<semaphore_mem>>)
      %add3A_138 = arith.addi %select_n3A, %mul3A_122 : i32
      %add3A_139 = arith.constant 1 : i32
      %add3A_140 = arith.addi %add3A_138, %add3A_139 : i32
      %mul3A_141 = arith.constant 128 : i32
      %mul3A_142 = arith.muli %add3A_140, %mul3A_141 : i32
      %dma_start3A_143 = arith.constant 128 : i32
      %dma_start3A_144 = arith.constant 0 : i32
      %dma_start3A_145 = tpu.memref_slice %arg6[%dma_start3A_143, %dma_start3A_144] : memref<512x128xf32, #tpu.memory_space<vmem>> -> memref<128x128xf32, #tpu.memory_space<vmem>>
      %dma_start3A_146 = arith.constant 0 : i32
      %dma_start3A_147 = tpu.memref_slice %arg4[%mul3A_142, %dma_start3A_146] : memref<819200x128xf32, #tpu.memory_space<hbm>> -> memref<128x128xf32, #tpu.memory_space<hbm>>
      %dma_start3A_148 = arith.constant 0 : i32
      %dma_start3A_149 = tpu.memref_slice %arg4[%mul3A_142, %dma_start3A_148] : memref<819200x128xf32, #tpu.memory_space<hbm>> -> memref<128x128xf32, #tpu.memory_space<hbm>>
      %dma_start3A_150 = arith.constant 128 : i32
      %dma_start3A_151 = arith.constant 0 : i32
      %dma_start3A_152 = tpu.memref_slice %arg6[%dma_start3A_150, %dma_start3A_151] : memref<512x128xf32, #tpu.memory_space<vmem>> -> memref<128x128xf32, #tpu.memory_space<vmem>>
      tpu.enqueue_dma source(%dma_start3A_152 : memref<128x128xf32, #tpu.memory_space<vmem>>) target(%dma_start3A_149 : memref<128x128xf32, #tpu.memory_space<hbm>>) target_semaphore(%arg8 : memref<!tpu.dma_semaphore, #tpu.memory_space<semaphore_mem>>)
      %dma_wait3A_153 = arith.constant 0 : i32
      %dma_wait3A_154 = arith.constant 0 : i32
      %dma_wait3A_155 = arith.constant 0 : i32
      %dma_wait3A_156 = tpu.memref_slice %arg6[%dma_wait3A_154, %dma_wait3A_155] : memref<512x128xf32, #tpu.memory_space<vmem>> -> memref<128x128xf32, #tpu.memory_space<vmem>>
      %dma_wait3A_157 = arith.constant 0 : i32
      %dma_wait3A_158 = tpu.memref_slice %arg5[%dma_wait3A_153, %dma_wait3A_157] : memref<200x128xi32, #tpu.memory_space<vmem>> -> memref<1x128xi32, #tpu.memory_space<vmem>>
      %dma_wait3A_159 = tpu.memref_squeeze %dma_wait3A_158 : memref<1x128xi32, #tpu.memory_space<vmem>> -> memref<128xi32, #tpu.memory_space<vmem>>
      %dma_wait3A_160 = arith.constant 0 : i32
      %dma_wait3A_161 = arith.constant 0 : i32
      %dma_wait3A_162 = tpu.memref_slice %arg2[%dma_wait3A_160, %dma_wait3A_161] : memref<50000x128xf32, #tpu.memory_space<hbm>> -> memref<50000x128xf32, #tpu.memory_space<hbm>>
      tpu.wait_indirect_dma semaphore(%arg7 : memref<!tpu.dma_semaphore, #tpu.memory_space<semaphore_mem>>) src(%dma_wait3A_162 : memref<50000x128xf32, #tpu.memory_space<hbm>>) dst(%dma_wait3A_156 : memref<128x128xf32, #tpu.memory_space<vmem>>)
      %dma_wait3A_163 = arith.constant 0 : i32
      %dma_wait3A_164 = arith.constant 0 : i32
      %dma_wait3A_165 = arith.constant 0 : i32
      %dma_wait3A_166 = tpu.memref_slice %arg6[%dma_wait3A_164, %dma_wait3A_165] : memref<512x128xf32, #tpu.memory_space<vmem>> -> memref<128x128xf32, #tpu.memory_space<vmem>>
      %dma_wait3A_167 = arith.constant 0 : i32
      %dma_wait3A_168 = tpu.memref_slice %arg5[%dma_wait3A_163, %dma_wait3A_167] : memref<200x128xi32, #tpu.memory_space<vmem>> -> memref<1x128xi32, #tpu.memory_space<vmem>>
      %dma_wait3A_169 = tpu.memref_squeeze %dma_wait3A_168 : memref<1x128xi32, #tpu.memory_space<vmem>> -> memref<128xi32, #tpu.memory_space<vmem>>
      %dma_wait3A_170 = arith.constant 0 : i32
      %dma_wait3A_171 = arith.constant 0 : i32
      %dma_wait3A_172 = tpu.memref_slice %arg2[%dma_wait3A_170, %dma_wait3A_171] : memref<50000x128xf32, #tpu.memory_space<hbm>> -> memref<50000x128xf32, #tpu.memory_space<hbm>>
      tpu.wait_indirect_dma semaphore(%arg7 : memref<!tpu.dma_semaphore, #tpu.memory_space<semaphore_mem>>) src(%dma_wait3A_172 : memref<50000x128xf32, #tpu.memory_space<hbm>>) dst(%dma_wait3A_166 : memref<128x128xf32, #tpu.memory_space<vmem>>)
      %mul3A_173 = arith.constant 128 : i32
      %mul3A_174 = arith.muli %select_n3A, %mul3A_173 : i32
      %dma_wait3A_175 = arith.constant 0 : i32
      %dma_wait3A_176 = arith.constant 0 : i32
      %dma_wait3A_177 = tpu.memref_slice %arg6[%dma_wait3A_175, %dma_wait3A_176] : memref<512x128xf32, #tpu.memory_space<vmem>> -> memref<128x128xf32, #tpu.memory_space<vmem>>
      %dma_wait3A_178 = arith.constant 0 : i32
      %dma_wait3A_179 = tpu.memref_slice %arg4[%mul3A_174, %dma_wait3A_178] : memref<819200x128xf32, #tpu.memory_space<hbm>> -> memref<128x128xf32, #tpu.memory_space<hbm>>
      %dma_wait3A_180 = arith.constant 0 : i32
      %dma_wait3A_181 = tpu.memref_slice %arg4[%mul3A_174, %dma_wait3A_180] : memref<819200x128xf32, #tpu.memory_space<hbm>> -> memref<128x128xf32, #tpu.memory_space<hbm>>
      %dma_wait3A_182 = arith.constant 0 : i32
      %dma_wait3A_183 = arith.constant 0 : i32
      %dma_wait3A_184 = tpu.memref_slice %arg6[%dma_wait3A_182, %dma_wait3A_183] : memref<512x128xf32, #tpu.memory_space<vmem>> -> memref<128x128xf32, #tpu.memory_space<vmem>>
      tpu.wait_dma2 semaphore(%arg8 : memref<!tpu.dma_semaphore, #tpu.memory_space<semaphore_mem>>) src(%dma_wait3A_184 : memref<128x128xf32, #tpu.memory_space<vmem>>) dst(%dma_wait3A_181 : memref<128x128xf32, #tpu.memory_space<hbm>>)
      %mul3A_185 = arith.constant 128 : i32
      %mul3A_186 = arith.muli %select_n3A, %mul3A_185 : i32
      %dma_wait3A_187 = arith.constant 0 : i32
      %dma_wait3A_188 = arith.constant 0 : i32
      %dma_wait3A_189 = tpu.memref_slice %arg6[%dma_wait3A_187, %dma_wait3A_188] : memref<512x128xf32, #tpu.memory_space<vmem>> -> memref<128x128xf32, #tpu.memory_space<vmem>>
      %dma_wait3A_190 = arith.constant 0 : i32
      %dma_wait3A_191 = tpu.memref_slice %arg4[%mul3A_186, %dma_wait3A_190] : memref<819200x128xf32, #tpu.memory_space<hbm>> -> memref<128x128xf32, #tpu.memory_space<hbm>>
      %dma_wait3A_192 = arith.constant 0 : i32
      %dma_wait3A_193 = tpu.memref_slice %arg4[%mul3A_186, %dma_wait3A_192] : memref<819200x128xf32, #tpu.memory_space<hbm>> -> memref<128x128xf32, #tpu.memory_space<hbm>>
      %dma_wait3A_194 = arith.constant 0 : i32
      %dma_wait3A_195 = arith.constant 0 : i32
      %dma_wait3A_196 = tpu.memref_slice %arg6[%dma_wait3A_194, %dma_wait3A_195] : memref<512x128xf32, #tpu.memory_space<vmem>> -> memref<128x128xf32, #tpu.memory_space<vmem>>
      tpu.wait_dma2 semaphore(%arg8 : memref<!tpu.dma_semaphore, #tpu.memory_space<semaphore_mem>>) src(%dma_wait3A_196 : memref<128x128xf32, #tpu.memory_space<vmem>>) dst(%dma_wait3A_193 : memref<128x128xf32, #tpu.memory_space<hbm>>)
      %sub3A = arith.constant 1 : i32
      %sub3A_197 = arith.subi %select_n3A_8, %sub3A : i32
      %lt3A = arith.cmpi slt, %while3A_68, %sub3A_197 : i32
      %convert_element_type3A_198 = arith.extui %lt3A : i1 to i32
      %cond3A_199 = arith.constant 0 : i32
      %cond3A_200 = arith.cmpi ne, %convert_element_type3A_198, %cond3A_199 : i32
      scf.if %cond3A_200 {
        %add3A_235 = arith.constant 2 : i32
        %add3A_236 = arith.addi %mul3A_70, %add3A_235 : i32
        %mul3A_237 = arith.constant 2 : i32
        %mul3A_238 = arith.muli %add3A_236, %mul3A_237 : i32
        %add3A_239 = arith.constant 0 : i32
        %add3A_240 = arith.addi %mul3A_238, %add3A_239 : i32
        %dma_start3A_241 = arith.constant 0 : i32
        %dma_start3A_242 = arith.constant 0 : i32
        %dma_start3A_243 = tpu.memref_slice %arg6[%dma_start3A_241, %dma_start3A_242] : memref<512x128xf32, #tpu.memory_space<vmem>> -> memref<128x128xf32, #tpu.memory_space<vmem>>
        %dma_start3A_244 = arith.constant 0 : i32
        %dma_start3A_245 = tpu.memref_slice %arg5[%add3A_240, %dma_start3A_244] : memref<200x128xi32, #tpu.memory_space<vmem>> -> memref<1x128xi32, #tpu.memory_space<vmem>>
        %dma_start3A_246 = tpu.memref_squeeze %dma_start3A_245 : memref<1x128xi32, #tpu.memory_space<vmem>> -> memref<128xi32, #tpu.memory_space<vmem>>
        %dma_start3A_247 = arith.constant 0 : i32
        %dma_start3A_248 = arith.constant 0 : i32
        %dma_start3A_249 = tpu.memref_slice %arg2[%dma_start3A_247, %dma_start3A_248] : memref<50000x128xf32, #tpu.memory_space<hbm>> -> memref<50000x128xf32, #tpu.memory_space<hbm>>
        tpu.enqueue_indirect_dma source(%dma_start3A_249 : memref<50000x128xf32, #tpu.memory_space<hbm>>) target(%dma_start3A_243 : memref<128x128xf32, #tpu.memory_space<vmem>>) offsets(%dma_start3A_246 : memref<128xi32, #tpu.memory_space<vmem>>) semaphore(%arg7 : memref<!tpu.dma_semaphore, #tpu.memory_space<semaphore_mem>>)
        %add3A_250 = arith.constant 1 : i32
        %add3A_251 = arith.addi %mul3A_238, %add3A_250 : i32
        %dma_start3A_252 = arith.constant 128 : i32
        %dma_start3A_253 = arith.constant 0 : i32
        %dma_start3A_254 = tpu.memref_slice %arg6[%dma_start3A_252, %dma_start3A_253] : memref<512x128xf32, #tpu.memory_space<vmem>> -> memref<128x128xf32, #tpu.memory_space<vmem>>
        %dma_start3A_255 = arith.constant 0 : i32
        %dma_start3A_256 = tpu.memref_slice %arg5[%add3A_251, %dma_start3A_255] : memref<200x128xi32, #tpu.memory_space<vmem>> -> memref<1x128xi32, #tpu.memory_space<vmem>>
        %dma_start3A_257 = tpu.memref_squeeze %dma_start3A_256 : memref<1x128xi32, #tpu.memory_space<vmem>> -> memref<128xi32, #tpu.memory_space<vmem>>
        %dma_start3A_258 = arith.constant 0 : i32
        %dma_start3A_259 = arith.constant 0 : i32
        %dma_start3A_260 = tpu.memref_slice %arg2[%dma_start3A_258, %dma_start3A_259] : memref<50000x128xf32, #tpu.memory_space<hbm>> -> memref<50000x128xf32, #tpu.memory_space<hbm>>
        tpu.enqueue_indirect_dma source(%dma_start3A_260 : memref<50000x128xf32, #tpu.memory_space<hbm>>) target(%dma_start3A_254 : memref<128x128xf32, #tpu.memory_space<vmem>>) offsets(%dma_start3A_257 : memref<128xi32, #tpu.memory_space<vmem>>) semaphore(%arg7 : memref<!tpu.dma_semaphore, #tpu.memory_space<semaphore_mem>>)
      } else {
      }
      %add3A_201 = arith.constant 1 : i32
      %add3A_202 = arith.addi %mul3A_70, %add3A_201 : i32
      %mul3A_203 = arith.constant 2 : i32
      %mul3A_204 = arith.muli %add3A_202, %mul3A_203 : i32
      %add3A_205 = arith.addi %select_n3A, %mul3A_204 : i32
      %add3A_206 = arith.constant 0 : i32
      %add3A_207 = arith.addi %add3A_205, %add3A_206 : i32
      %mul3A_208 = arith.constant 128 : i32
      %mul3A_209 = arith.muli %add3A_207, %mul3A_208 : i32
      %dma_start3A_210 = arith.constant 256 : i32
      %dma_start3A_211 = arith.constant 0 : i32
      %dma_start3A_212 = tpu.memref_slice %arg6[%dma_start3A_210, %dma_start3A_211] : memref<512x128xf32, #tpu.memory_space<vmem>> -> memref<128x128xf32, #tpu.memory_space<vmem>>
      %dma_start3A_213 = arith.constant 0 : i32
      %dma_start3A_214 = tpu.memref_slice %arg4[%mul3A_209, %dma_start3A_213] : memref<819200x128xf32, #tpu.memory_space<hbm>> -> memref<128x128xf32, #tpu.memory_space<hbm>>
      %dma_start3A_215 = arith.constant 0 : i32
      %dma_start3A_216 = tpu.memref_slice %arg4[%mul3A_209, %dma_start3A_215] : memref<819200x128xf32, #tpu.memory_space<hbm>> -> memref<128x128xf32, #tpu.memory_space<hbm>>
      %dma_start3A_217 = arith.constant 256 : i32
      %dma_start3A_218 = arith.constant 0 : i32
      %dma_start3A_219 = tpu.memref_slice %arg6[%dma_start3A_217, %dma_start3A_218] : memref<512x128xf32, #tpu.memory_space<vmem>> -> memref<128x128xf32, #tpu.memory_space<vmem>>
      tpu.enqueue_dma source(%dma_start3A_219 : memref<128x128xf32, #tpu.memory_space<vmem>>) target(%dma_start3A_216 : memref<128x128xf32, #tpu.memory_space<hbm>>) target_semaphore(%arg8 : memref<!tpu.dma_semaphore, #tpu.memory_space<semaphore_mem>>)
      %add3A_220 = arith.addi %select_n3A, %mul3A_204 : i32
      %add3A_221 = arith.constant 1 : i32
      %add3A_222 = arith.addi %add3A_220, %add3A_221 : i32
      %mul3A_223 = arith.constant 128 : i32
      %mul3A_224 = arith.muli %add3A_222, %mul3A_223 : i32
      %dma_start3A_225 = arith.constant 384 : i32
      %dma_start3A_226 = arith.constant 0 : i32
      %dma_start3A_227 = tpu.memref_slice %arg6[%dma_start3A_225, %dma_start3A_226] : memref<512x128xf32, #tpu.memory_space<vmem>> -> memref<128x128xf32, #tpu.memory_space<vmem>>
      %dma_start3A_228 = arith.constant 0 : i32
      %dma_start3A_229 = tpu.memref_slice %arg4[%mul3A_224, %dma_start3A_228] : memref<819200x128xf32, #tpu.memory_space<hbm>> -> memref<128x128xf32, #tpu.memory_space<hbm>>
      %dma_start3A_230 = arith.constant 0 : i32
      %dma_start3A_231 = tpu.memref_slice %arg4[%mul3A_224, %dma_start3A_230] : memref<819200x128xf32, #tpu.memory_space<hbm>> -> memref<128x128xf32, #tpu.memory_space<hbm>>
      %dma_start3A_232 = arith.constant 384 : i32
      %dma_start3A_233 = arith.constant 0 : i32
      %dma_start3A_234 = tpu.memref_slice %arg6[%dma_start3A_232, %dma_start3A_233] : memref<512x128xf32, #tpu.memory_space<vmem>> -> memref<128x128xf32, #tpu.memory_space<vmem>>
      tpu.enqueue_dma source(%dma_start3A_234 : memref<128x128xf32, #tpu.memory_space<vmem>>) target(%dma_start3A_231 : memref<128x128xf32, #tpu.memory_space<hbm>>) target_semaphore(%arg8 : memref<!tpu.dma_semaphore, #tpu.memory_space<semaphore_mem>>)
    }
    %mul3A_45 = arith.constant 128 : i32
    %mul3A_46 = arith.muli %select_n3A, %mul3A_45 : i32
    %dma_wait3A = arith.constant 0 : i32
    %dma_wait3A_47 = arith.constant 0 : i32
    %dma_wait3A_48 = tpu.memref_slice %arg6[%dma_wait3A, %dma_wait3A_47] : memref<512x128xf32, #tpu.memory_space<vmem>> -> memref<128x128xf32, #tpu.memory_space<vmem>>
    %dma_wait3A_49 = arith.constant 0 : i32
    %dma_wait3A_50 = tpu.memref_slice %arg4[%mul3A_46, %dma_wait3A_49] : memref<819200x128xf32, #tpu.memory_space<hbm>> -> memref<128x128xf32, #tpu.memory_space<hbm>>
    %dma_wait3A_51 = arith.constant 0 : i32
    %dma_wait3A_52 = tpu.memref_slice %arg4[%mul3A_46, %dma_wait3A_51] : memref<819200x128xf32, #tpu.memory_space<hbm>> -> memref<128x128xf32, #tpu.memory_space<hbm>>
    %dma_wait3A_53 = arith.constant 0 : i32
    %dma_wait3A_54 = arith.constant 0 : i32
    %dma_wait3A_55 = tpu.memref_slice %arg6[%dma_wait3A_53, %dma_wait3A_54] : memref<512x128xf32, #tpu.memory_space<vmem>> -> memref<128x128xf32, #tpu.memory_space<vmem>>
    tpu.wait_dma2 semaphore(%arg8 : memref<!tpu.dma_semaphore, #tpu.memory_space<semaphore_mem>>) src(%dma_wait3A_55 : memref<128x128xf32, #tpu.memory_space<vmem>>) dst(%dma_wait3A_52 : memref<128x128xf32, #tpu.memory_space<hbm>>)
    %mul3A_56 = arith.constant 128 : i32
    %mul3A_57 = arith.muli %select_n3A, %mul3A_56 : i32
    %dma_wait3A_58 = arith.constant 0 : i32
    %dma_wait3A_59 = arith.constant 0 : i32
    %dma_wait3A_60 = tpu.memref_slice %arg6[%dma_wait3A_58, %dma_wait3A_59] : memref<512x128xf32, #tpu.memory_space<vmem>> -> memref<128x128xf32, #tpu.memory_space<vmem>>
    %dma_wait3A_61 = arith.constant 0 : i32
    %dma_wait3A_62 = tpu.memref_slice %arg4[%mul3A_57, %dma_wait3A_61] : memref<819200x128xf32, #tpu.memory_space<hbm>> -> memref<128x128xf32, #tpu.memory_space<hbm>>
    %dma_wait3A_63 = arith.constant 0 : i32
    %dma_wait3A_64 = tpu.memref_slice %arg4[%mul3A_57, %dma_wait3A_63] : memref<819200x128xf32, #tpu.memory_space<hbm>> -> memref<128x128xf32, #tpu.memory_space<hbm>>
    %dma_wait3A_65 = arith.constant 0 : i32
    %dma_wait3A_66 = arith.constant 0 : i32
    %dma_wait3A_67 = tpu.memref_slice %arg6[%dma_wait3A_65, %dma_wait3A_66] : memref<512x128xf32, #tpu.memory_space<vmem>> -> memref<128x128xf32, #tpu.memory_space<vmem>>
    tpu.wait_dma2 semaphore(%arg8 : memref<!tpu.dma_semaphore, #tpu.memory_space<semaphore_mem>>) src(%dma_wait3A_67 : memref<128x128xf32, #tpu.memory_space<vmem>>) dst(%dma_wait3A_64 : memref<128x128xf32, #tpu.memory_space<hbm>>)
    return
  }
}

#map = affine_map<(d0, d1) -> (0, 0)>
module attributes {stable_mosaic.version = 14 : i64} {
  func.func @body(%arg0: i32, %arg1: i32, %arg2: memref<50000x128xf32, #tpu.memory_space<hbm>>, %arg3: memref<6400x128xi32, #tpu.memory_space<hbm>>, %arg4: memref<819200x128xf32, #tpu.memory_space<hbm>>, %arg5: memref<200x128xi32, #tpu.memory_space<vmem>>, %arg6: memref<512x128xf32, #tpu.memory_space<vmem>>, %arg7: memref<!tpu.dma_semaphore, #tpu.memory_space<semaphore_mem>>, %arg8: memref<!tpu.dma_semaphore, #tpu.memory_space<semaphore_mem>>) attributes {dimension_semantics = [#tpu.dimension_semantics<core_parallel>, #tpu.dimension_semantics<subcore_parallel>], iteration_bounds = array<i64: 2, 16>, scalar_prefetch = 0 : i64, scratch_operands = 4 : i64, tpu.core_type = #tpu.core_type<sc_vector_subcore>, window_params = [{transform_indices = #map}, {transform_indices = #map}, {transform_indices = #map}]} {
    %eq3A = arith.constant 0 : i32
    %eq3A_0 = arith.cmpi eq, %arg0, %eq3A : i32
    %mul3A = arith.constant 200 : i32
    %mul3A_1 = arith.muli %arg1, %mul3A : i32
    %mul3A_2 = arith.constant 200 : i32
    %mul3A_3 = arith.muli %arg1, %mul3A_2 : i32
    %add3A = arith.constant 3200 : i32
    %add3A_4 = arith.addi %add3A, %mul3A_3 : i32
    %select_n3A = arith.select %eq3A_0, %mul3A_1, %add3A_4 : i32
    %eq3A_5 = arith.constant 0 : i32
    %eq3A_6 = arith.cmpi eq, %arg0, %eq3A_5 : i32
    %jit3A = arith.constant 50 : i32
    %jit3A_7 = arith.constant 50 : i32
    %select_n3A_8 = arith.select %eq3A_6, %jit3A, %jit3A_7 : i32
    %eq3A_9 = arith.constant 0 : i32
    %eq3A_10 = arith.cmpi eq, %arg0, %eq3A_9 : i32
    %convert_element_type3A = arith.extui %eq3A_10 : i1 to i32
    %cond3A = arith.constant 0 : i32
    %cond3A_11 = arith.cmpi ne, %convert_element_type3A, %cond3A : i32
    scf.if %cond3A_11 {
      "tpu.region"() ({
        %run_scoped3A = tpu.sem_alloc : memref<!tpu.dma_semaphore, #tpu.memory_space<semaphore_mem>>
        %dma_start3A_68 = arith.constant 0 : i32
        %dma_start3A_69 = tpu.memref_slice %arg3[%select_n3A, %dma_start3A_68] : memref<6400x128xi32, #tpu.memory_space<hbm>> -> memref<200x128xi32, #tpu.memory_space<hbm>>
        %dma_start3A_70 = arith.constant 0 : i32
        %dma_start3A_71 = tpu.memref_slice %arg3[%select_n3A, %dma_start3A_70] : memref<6400x128xi32, #tpu.memory_space<hbm>> -> memref<200x128xi32, #tpu.memory_space<hbm>>
        tpu.enqueue_dma source(%dma_start3A_71 : memref<200x128xi32, #tpu.memory_space<hbm>>) target(%arg5 : memref<200x128xi32, #tpu.memory_space<vmem>>) target_semaphore(%run_scoped3A : memref<!tpu.dma_semaphore, #tpu.memory_space<semaphore_mem>>)
        %dma_wait3A_72 = arith.constant 0 : i32
        %dma_wait3A_73 = tpu.memref_slice %arg3[%select_n3A, %dma_wait3A_72] : memref<6400x128xi32, #tpu.memory_space<hbm>> -> memref<200x128xi32, #tpu.memory_space<hbm>>
        %dma_wait3A_74 = arith.constant 0 : i32
        %dma_wait3A_75 = tpu.memref_slice %arg3[%select_n3A, %dma_wait3A_74] : memref<6400x128xi32, #tpu.memory_space<hbm>> -> memref<200x128xi32, #tpu.memory_space<hbm>>
        tpu.wait_dma2 semaphore(%run_scoped3A : memref<!tpu.dma_semaphore, #tpu.memory_space<semaphore_mem>>) src(%dma_wait3A_75 : memref<200x128xi32, #tpu.memory_space<hbm>>) dst(%arg5 : memref<200x128xi32, #tpu.memory_space<vmem>>)
        tpu.yield
      }) : () -> ()
    } else {
    }
    %eq3A_12 = arith.constant 1 : i32
    %eq3A_13 = arith.cmpi eq, %arg0, %eq3A_12 : i32
    %convert_element_type3A_14 = arith.extui %eq3A_13 : i1 to i32
    %cond3A_15 = arith.constant 0 : i32
    %cond3A_16 = arith.cmpi ne, %convert_element_type3A_14, %cond3A_15 : i32
    scf.if %cond3A_16 {
      "tpu.region"() ({
        %run_scoped3A = tpu.sem_alloc : memref<!tpu.dma_semaphore, #tpu.memory_space<semaphore_mem>>
        %dma_start3A_68 = arith.constant 0 : i32
        %dma_start3A_69 = arith.constant 0 : i32
        %dma_start3A_70 = tpu.memref_slice %arg5[%dma_start3A_68, %dma_start3A_69] : memref<200x128xi32, #tpu.memory_space<vmem>> -> memref<200x128xi32, #tpu.memory_space<vmem>>
        %dma_start3A_71 = arith.constant 0 : i32
        %dma_start3A_72 = tpu.memref_slice %arg3[%select_n3A, %dma_start3A_71] : memref<6400x128xi32, #tpu.memory_space<hbm>> -> memref<200x128xi32, #tpu.memory_space<hbm>>
        %dma_start3A_73 = arith.constant 0 : i32
        %dma_start3A_74 = arith.constant 0 : i32
        %dma_start3A_75 = tpu.memref_slice %arg5[%dma_start3A_73, %dma_start3A_74] : memref<200x128xi32, #tpu.memory_space<vmem>> -> memref<200x128xi32, #tpu.memory_space<vmem>>
        %dma_start3A_76 = arith.constant 0 : i32
        %dma_start3A_77 = tpu.memref_slice %arg3[%select_n3A, %dma_start3A_76] : memref<6400x128xi32, #tpu.memory_space<hbm>> -> memref<200x128xi32, #tpu.memory_space<hbm>>
        tpu.enqueue_dma source(%dma_start3A_77 : memref<200x128xi32, #tpu.memory_space<hbm>>) target(%dma_start3A_75 : memref<200x128xi32, #tpu.memory_space<vmem>>) target_semaphore(%run_scoped3A : memref<!tpu.dma_semaphore, #tpu.memory_space<semaphore_mem>>)
        %dma_wait3A_78 = arith.constant 0 : i32
        %dma_wait3A_79 = arith.constant 0 : i32
        %dma_wait3A_80 = tpu.memref_slice %arg5[%dma_wait3A_78, %dma_wait3A_79] : memref<200x128xi32, #tpu.memory_space<vmem>> -> memref<200x128xi32, #tpu.memory_space<vmem>>
        %dma_wait3A_81 = arith.constant 0 : i32
        %dma_wait3A_82 = tpu.memref_slice %arg3[%select_n3A, %dma_wait3A_81] : memref<6400x128xi32, #tpu.memory_space<hbm>> -> memref<200x128xi32, #tpu.memory_space<hbm>>
        %dma_wait3A_83 = arith.constant 0 : i32
        %dma_wait3A_84 = arith.constant 0 : i32
        %dma_wait3A_85 = tpu.memref_slice %arg5[%dma_wait3A_83, %dma_wait3A_84] : memref<200x128xi32, #tpu.memory_space<vmem>> -> memref<200x128xi32, #tpu.memory_space<vmem>>
        %dma_wait3A_86 = arith.constant 0 : i32
        %dma_wait3A_87 = tpu.memref_slice %arg3[%select_n3A, %dma_wait3A_86] : memref<6400x128xi32, #tpu.memory_space<hbm>> -> memref<200x128xi32, #tpu.memory_space<hbm>>
        tpu.wait_dma2 semaphore(%run_scoped3A : memref<!tpu.dma_semaphore, #tpu.memory_space<semaphore_mem>>) src(%dma_wait3A_87 : memref<200x128xi32, #tpu.memory_space<hbm>>) dst(%dma_wait3A_85 : memref<200x128xi32, #tpu.memory_space<vmem>>)
        tpu.yield
      }) : () -> ()
    } else {
    }
    %dma_start3A = arith.constant 0 : i32
    %dma_start3A_17 = arith.constant 0 : i32
    %dma_start3A_18 = arith.constant 0 : i32
    %dma_start3A_19 = tpu.memref_slice %arg6[%dma_start3A_17, %dma_start3A_18] : memref<512x128xf32, #tpu.memory_space<vmem>> -> memref<128x128xf32, #tpu.memory_space<vmem>>
    %dma_start3A_20 = arith.constant 0 : i32
    %dma_start3A_21 = tpu.memref_slice %arg5[%dma_start3A, %dma_start3A_20] : memref<200x128xi32, #tpu.memory_space<vmem>> -> memref<1x128xi32, #tpu.memory_space<vmem>>
    %dma_start3A_22 = tpu.memref_squeeze %dma_start3A_21 : memref<1x128xi32, #tpu.memory_space<vmem>> -> memref<128xi32, #tpu.memory_space<vmem>>
    %dma_start3A_23 = arith.constant 0 : i32
    %dma_start3A_24 = arith.constant 0 : i32
    %dma_start3A_25 = tpu.memref_slice %arg2[%dma_start3A_23, %dma_start3A_24] : memref<50000x128xf32, #tpu.memory_space<hbm>> -> memref<50000x128xf32, #tpu.memory_space<hbm>>
    tpu.enqueue_indirect_dma source(%dma_start3A_25 : memref<50000x128xf32, #tpu.memory_space<hbm>>) target(%dma_start3A_19 : memref<128x128xf32, #tpu.memory_space<vmem>>) offsets(%dma_start3A_22 : memref<128xi32, #tpu.memory_space<vmem>>) semaphore(%arg7 : memref<!tpu.dma_semaphore, #tpu.memory_space<semaphore_mem>>)
    %dma_start3A_26 = arith.constant 1 : i32
    %dma_start3A_27 = arith.constant 128 : i32
    %dma_start3A_28 = arith.constant 0 : i32
    %dma_start3A_29 = tpu.memref_slice %arg6[%dma_start3A_27, %dma_start3A_28] : memref<512x128xf32, #tpu.memory_space<vmem>> -> memref<128x128xf32, #tpu.memory_space<vmem>>
    %dma_start3A_30 = arith.constant 0 : i32
    %dma_start3A_31 = tpu.memref_slice %arg5[%dma_start3A_26, %dma_start3A_30] : memref<200x128xi32, #tpu.memory_space<vmem>> -> memref<1x128xi32, #tpu.memory_space<vmem>>
    %dma_start3A_32 = tpu.memref_squeeze %dma_start3A_31 : memref<1x128xi32, #tpu.memory_space<vmem>> -> memref<128xi32, #tpu.memory_space<vmem>>
    %dma_start3A_33 = arith.constant 0 : i32
    %dma_start3A_34 = arith.constant 0 : i32
    %dma_start3A_35 = tpu.memref_slice %arg2[%dma_start3A_33, %dma_start3A_34] : memref<50000x128xf32, #tpu.memory_space<hbm>> -> memref<50000x128xf32, #tpu.memory_space<hbm>>
    tpu.enqueue_indirect_dma source(%dma_start3A_35 : memref<50000x128xf32, #tpu.memory_space<hbm>>) target(%dma_start3A_29 : memref<128x128xf32, #tpu.memory_space<vmem>>) offsets(%dma_start3A_32 : memref<128xi32, #tpu.memory_space<vmem>>) semaphore(%arg7 : memref<!tpu.dma_semaphore, #tpu.memory_space<semaphore_mem>>)
    %while3A = arith.constant 0 : i32
    %while3A_36 = arith.constant 0 : i32
    %while3A_37 = arith.subi %select_n3A_8, %while3A_36 : i32
    %while3A_38 = arith.addi %while3A_36, %while3A_37 : i32
    %while3A_39 = arith.constant 1 : i32
    %while3A_40 = arith.divsi %while3A_37, %while3A_39 : i32
    %while3A_41 = arith.muli %while3A_40, %while3A_39 : i32
    %while3A_42 = arith.addi %while3A_36, %while3A_41 : i32
    %while3A_43 = arith.constant 1 : i32
    scf.for %while3A_68 = %while3A_36 to %while3A_42 step %while3A_43  : i32 {
      %mul3A_69 = arith.constant 2 : i32
      %mul3A_70 = arith.muli %mul3A_69, %while3A_68 : i32
      %dma_wait3A_71 = arith.constant 0 : i32
      %dma_wait3A_72 = arith.constant 0 : i32
      %dma_wait3A_73 = arith.constant 0 : i32
      %dma_wait3A_74 = tpu.memref_slice %arg6[%dma_wait3A_72, %dma_wait3A_73] : memref<512x128xf32, #tpu.memory_space<vmem>> -> memref<128x128xf32, #tpu.memory_space<vmem>>
      %dma_wait3A_75 = arith.constant 0 : i32
      %dma_wait3A_76 = tpu.memref_slice %arg5[%dma_wait3A_71, %dma_wait3A_75] : memref<200x128xi32, #tpu.memory_space<vmem>> -> memref<1x128xi32, #tpu.memory_space<vmem>>
      %dma_wait3A_77 = tpu.memref_squeeze %dma_wait3A_76 : memref<1x128xi32, #tpu.memory_space<vmem>> -> memref<128xi32, #tpu.memory_space<vmem>>
      %dma_wait3A_78 = arith.constant 0 : i32
      %dma_wait3A_79 = arith.constant 0 : i32
      %dma_wait3A_80 = tpu.memref_slice %arg2[%dma_wait3A_78, %dma_wait3A_79] : memref<50000x128xf32, #tpu.memory_space<hbm>> -> memref<50000x128xf32, #tpu.memory_space<hbm>>
      tpu.wait_indirect_dma semaphore(%arg7 : memref<!tpu.dma_semaphore, #tpu.memory_space<semaphore_mem>>) src(%dma_wait3A_80 : memref<50000x128xf32, #tpu.memory_space<hbm>>) dst(%dma_wait3A_74 : memref<128x128xf32, #tpu.memory_space<vmem>>)
      %dma_wait3A_81 = arith.constant 0 : i32
      %dma_wait3A_82 = arith.constant 0 : i32
      %dma_wait3A_83 = arith.constant 0 : i32
      %dma_wait3A_84 = tpu.memref_slice %arg6[%dma_wait3A_82, %dma_wait3A_83] : memref<512x128xf32, #tpu.memory_space<vmem>> -> memref<128x128xf32, #tpu.memory_space<vmem>>
      %dma_wait3A_85 = arith.constant 0 : i32
      %dma_wait3A_86 = tpu.memref_slice %arg5[%dma_wait3A_81, %dma_wait3A_85] : memref<200x128xi32, #tpu.memory_space<vmem>> -> memref<1x128xi32, #tpu.memory_space<vmem>>
      %dma_wait3A_87 = tpu.memref_squeeze %dma_wait3A_86 : memref<1x128xi32, #tpu.memory_space<vmem>> -> memref<128xi32, #tpu.memory_space<vmem>>
      %dma_wait3A_88 = arith.constant 0 : i32
      %dma_wait3A_89 = arith.constant 0 : i32
      %dma_wait3A_90 = tpu.memref_slice %arg2[%dma_wait3A_88, %dma_wait3A_89] : memref<50000x128xf32, #tpu.memory_space<hbm>> -> memref<50000x128xf32, #tpu.memory_space<hbm>>
      tpu.wait_indirect_dma semaphore(%arg7 : memref<!tpu.dma_semaphore, #tpu.memory_space<semaphore_mem>>) src(%dma_wait3A_90 : memref<50000x128xf32, #tpu.memory_space<hbm>>) dst(%dma_wait3A_84 : memref<128x128xf32, #tpu.memory_space<vmem>>)
      %gt3A = arith.constant 0 : i32
      %gt3A_91 = arith.cmpi sgt, %while3A_68, %gt3A : i32
      %convert_element_type3A_92 = arith.extui %gt3A_91 : i1 to i32
      %cond3A_93 = arith.constant 0 : i32
      %cond3A_94 = arith.cmpi ne, %convert_element_type3A_92, %cond3A_93 : i32
      scf.if %cond3A_94 {
        %mul3A_235 = arith.constant 128 : i32
        %mul3A_236 = arith.muli %select_n3A, %mul3A_235 : i32
        %dma_wait3A_237 = arith.constant 0 : i32
        %dma_wait3A_238 = arith.constant 0 : i32
        %dma_wait3A_239 = tpu.memref_slice %arg6[%dma_wait3A_237, %dma_wait3A_238] : memref<512x128xf32, #tpu.memory_space<vmem>> -> memref<128x128xf32, #tpu.memory_space<vmem>>
        %dma_wait3A_240 = arith.constant 0 : i32
        %dma_wait3A_241 = tpu.memref_slice %arg4[%mul3A_236, %dma_wait3A_240] : memref<819200x128xf32, #tpu.memory_space<hbm>> -> memref<128x128xf32, #tpu.memory_space<hbm>>
        %dma_wait3A_242 = arith.constant 0 : i32
        %dma_wait3A_243 = tpu.memref_slice %arg4[%mul3A_236, %dma_wait3A_242] : memref<819200x128xf32, #tpu.memory_space<hbm>> -> memref<128x128xf32, #tpu.memory_space<hbm>>
        %dma_wait3A_244 = arith.constant 0 : i32
        %dma_wait3A_245 = arith.constant 0 : i32
        %dma_wait3A_246 = tpu.memref_slice %arg6[%dma_wait3A_244, %dma_wait3A_245] : memref<512x128xf32, #tpu.memory_space<vmem>> -> memref<128x128xf32, #tpu.memory_space<vmem>>
        tpu.wait_dma2 semaphore(%arg8 : memref<!tpu.dma_semaphore, #tpu.memory_space<semaphore_mem>>) src(%dma_wait3A_246 : memref<128x128xf32, #tpu.memory_space<vmem>>) dst(%dma_wait3A_243 : memref<128x128xf32, #tpu.memory_space<hbm>>)
        %mul3A_247 = arith.constant 128 : i32
        %mul3A_248 = arith.muli %select_n3A, %mul3A_247 : i32
        %dma_wait3A_249 = arith.constant 0 : i32
        %dma_wait3A_250 = arith.constant 0 : i32
        %dma_wait3A_251 = tpu.memref_slice %arg6[%dma_wait3A_249, %dma_wait3A_250] : memref<512x128xf32, #tpu.memory_space<vmem>> -> memref<128x128xf32, #tpu.memory_space<vmem>>
        %dma_wait3A_252 = arith.constant 0 : i32
        %dma_wait3A_253 = tpu.memref_slice %arg4[%mul3A_248, %dma_wait3A_252] : memref<819200x128xf32, #tpu.memory_space<hbm>> -> memref<128x128xf32, #tpu.memory_space<hbm>>
        %dma_wait3A_254 = arith.constant 0 : i32
        %dma_wait3A_255 = tpu.memref_slice %arg4[%mul3A_248, %dma_wait3A_254] : memref<819200x128xf32, #tpu.memory_space<hbm>> -> memref<128x128xf32, #tpu.memory_space<hbm>>
        %dma_wait3A_256 = arith.constant 0 : i32
        %dma_wait3A_257 = arith.constant 0 : i32
        %dma_wait3A_258 = tpu.memref_slice %arg6[%dma_wait3A_256, %dma_wait3A_257] : memref<512x128xf32, #tpu.memory_space<vmem>> -> memref<128x128xf32, #tpu.memory_space<vmem>>
        tpu.wait_dma2 semaphore(%arg8 : memref<!tpu.dma_semaphore, #tpu.memory_space<semaphore_mem>>) src(%dma_wait3A_258 : memref<128x128xf32, #tpu.memory_space<vmem>>) dst(%dma_wait3A_255 : memref<128x128xf32, #tpu.memory_space<hbm>>)
      } else {
      }
      %add3A_95 = arith.constant 1 : i32
      %add3A_96 = arith.addi %mul3A_70, %add3A_95 : i32
      %mul3A_97 = arith.constant 2 : i32
      %mul3A_98 = arith.muli %add3A_96, %mul3A_97 : i32
      %add3A_99 = arith.constant 0 : i32
      %add3A_100 = arith.addi %mul3A_98, %add3A_99 : i32
      %dma_start3A_101 = arith.constant 256 : i32
      %dma_start3A_102 = arith.constant 0 : i32
      %dma_start3A_103 = tpu.memref_slice %arg6[%dma_start3A_101, %dma_start3A_102] : memref<512x128xf32, #tpu.memory_space<vmem>> -> memref<128x128xf32, #tpu.memory_space<vmem>>
      %dma_start3A_104 = arith.constant 0 : i32
      %dma_start3A_105 = tpu.memref_slice %arg5[%add3A_100, %dma_start3A_104] : memref<200x128xi32, #tpu.memory_space<vmem>> -> memref<1x128xi32, #tpu.memory_space<vmem>>
      %dma_start3A_106 = tpu.memref_squeeze %dma_start3A_105 : memref<1x128xi32, #tpu.memory_space<vmem>> -> memref<128xi32, #tpu.memory_space<vmem>>
      %dma_start3A_107 = arith.constant 0 : i32
      %dma_start3A_108 = arith.constant 0 : i32
      %dma_start3A_109 = tpu.memref_slice %arg2[%dma_start3A_107, %dma_start3A_108] : memref<50000x128xf32, #tpu.memory_space<hbm>> -> memref<50000x128xf32, #tpu.memory_space<hbm>>
      tpu.enqueue_indirect_dma source(%dma_start3A_109 : memref<50000x128xf32, #tpu.memory_space<hbm>>) target(%dma_start3A_103 : memref<128x128xf32, #tpu.memory_space<vmem>>) offsets(%dma_start3A_106 : memref<128xi32, #tpu.memory_space<vmem>>) semaphore(%arg7 : memref<!tpu.dma_semaphore, #tpu.memory_space<semaphore_mem>>)
      %add3A_110 = arith.constant 1 : i32
      %add3A_111 = arith.addi %mul3A_98, %add3A_110 : i32
      %dma_start3A_112 = arith.constant 384 : i32
      %dma_start3A_113 = arith.constant 0 : i32
      %dma_start3A_114 = tpu.memref_slice %arg6[%dma_start3A_112, %dma_start3A_113] : memref<512x128xf32, #tpu.memory_space<vmem>> -> memref<128x128xf32, #tpu.memory_space<vmem>>
      %dma_start3A_115 = arith.constant 0 : i32
      %dma_start3A_116 = tpu.memref_slice %arg5[%add3A_111, %dma_start3A_115] : memref<200x128xi32, #tpu.memory_space<vmem>> -> memref<1x128xi32, #tpu.memory_space<vmem>>
      %dma_start3A_117 = tpu.memref_squeeze %dma_start3A_116 : memref<1x128xi32, #tpu.memory_space<vmem>> -> memref<128xi32, #tpu.memory_space<vmem>>
      %dma_start3A_118 = arith.constant 0 : i32
      %dma_start3A_119 = arith.constant 0 : i32
      %dma_start3A_120 = tpu.memref_slice %arg2[%dma_start3A_118, %dma_start3A_119] : memref<50000x128xf32, #tpu.memory_space<hbm>> -> memref<50000x128xf32, #tpu.memory_space<hbm>>
      tpu.enqueue_indirect_dma source(%dma_start3A_120 : memref<50000x128xf32, #tpu.memory_space<hbm>>) target(%dma_start3A_114 : memref<128x128xf32, #tpu.memory_space<vmem>>) offsets(%dma_start3A_117 : memref<128xi32, #tpu.memory_space<vmem>>) semaphore(%arg7 : memref<!tpu.dma_semaphore, #tpu.memory_space<semaphore_mem>>)
      %mul3A_121 = arith.constant 2 : i32
      %mul3A_122 = arith.muli %mul3A_70, %mul3A_121 : i32
      %add3A_123 = arith.addi %select_n3A, %mul3A_122 : i32
      %add3A_124 = arith.constant 0 : i32
      %add3A_125 = arith.addi %add3A_123, %add3A_124 : i32
      %mul3A_126 = arith.constant 128 : i32
      %mul3A_127 = arith.muli %add3A_125, %mul3A_126 : i32
      %dma_start3A_128 = arith.constant 0 : i32
      %dma_start3A_129 = arith.constant 0 : i32
      %dma_start3A_130 = tpu.memref_slice %arg6[%dma_start3A_128, %dma_start3A_129] : memref<512x128xf32, #tpu.memory_space<vmem>> -> memref<128x128xf32, #tpu.memory_space<vmem>>
      %dma_start3A_131 = arith.constant 0 : i32
      %dma_start3A_132 = tpu.memref_slice %arg4[%mul3A_127, %dma_start3A_131] : memref<819200x128xf32, #tpu.memory_space<hbm>> -> memref<128x128xf32, #tpu.memory_space<hbm>>
      %dma_start3A_133 = arith.constant 0 : i32
      %dma_start3A_134 = tpu.memref_slice %arg4[%mul3A_127, %dma_start3A_133] : memref<819200x128xf32, #tpu.memory_space<hbm>> -> memref<128x128xf32, #tpu.memory_space<hbm>>
      %dma_start3A_135 = arith.constant 0 : i32
      %dma_start3A_136 = arith.constant 0 : i32
      %dma_start3A_137 = tpu.memref_slice %arg6[%dma_start3A_135, %dma_start3A_136] : memref<512x128xf32, #tpu.memory_space<vmem>> -> memref<128x128xf32, #tpu.memory_space<vmem>>
      tpu.enqueue_dma source(%dma_start3A_137 : memref<128x128xf32, #tpu.memory_space<vmem>>) target(%dma_start3A_134 : memref<128x128xf32, #tpu.memory_space<hbm>>) target_semaphore(%arg8 : memref<!tpu.dma_semaphore, #tpu.memory_space<semaphore_mem>>)
      %add3A_138 = arith.addi %select_n3A, %mul3A_122 : i32
      %add3A_139 = arith.constant 1 : i32
      %add3A_140 = arith.addi %add3A_138, %add3A_139 : i32
      %mul3A_141 = arith.constant 128 : i32
      %mul3A_142 = arith.muli %add3A_140, %mul3A_141 : i32
      %dma_start3A_143 = arith.constant 128 : i32
      %dma_start3A_144 = arith.constant 0 : i32
      %dma_start3A_145 = tpu.memref_slice %arg6[%dma_start3A_143, %dma_start3A_144] : memref<512x128xf32, #tpu.memory_space<vmem>> -> memref<128x128xf32, #tpu.memory_space<vmem>>
      %dma_start3A_146 = arith.constant 0 : i32
      %dma_start3A_147 = tpu.memref_slice %arg4[%mul3A_142, %dma_start3A_146] : memref<819200x128xf32, #tpu.memory_space<hbm>> -> memref<128x128xf32, #tpu.memory_space<hbm>>
      %dma_start3A_148 = arith.constant 0 : i32
      %dma_start3A_149 = tpu.memref_slice %arg4[%mul3A_142, %dma_start3A_148] : memref<819200x128xf32, #tpu.memory_space<hbm>> -> memref<128x128xf32, #tpu.memory_space<hbm>>
      %dma_start3A_150 = arith.constant 128 : i32
      %dma_start3A_151 = arith.constant 0 : i32
      %dma_start3A_152 = tpu.memref_slice %arg6[%dma_start3A_150, %dma_start3A_151] : memref<512x128xf32, #tpu.memory_space<vmem>> -> memref<128x128xf32, #tpu.memory_space<vmem>>
      tpu.enqueue_dma source(%dma_start3A_152 : memref<128x128xf32, #tpu.memory_space<vmem>>) target(%dma_start3A_149 : memref<128x128xf32, #tpu.memory_space<hbm>>) target_semaphore(%arg8 : memref<!tpu.dma_semaphore, #tpu.memory_space<semaphore_mem>>)
      %dma_wait3A_153 = arith.constant 0 : i32
      %dma_wait3A_154 = arith.constant 0 : i32
      %dma_wait3A_155 = arith.constant 0 : i32
      %dma_wait3A_156 = tpu.memref_slice %arg6[%dma_wait3A_154, %dma_wait3A_155] : memref<512x128xf32, #tpu.memory_space<vmem>> -> memref<128x128xf32, #tpu.memory_space<vmem>>
      %dma_wait3A_157 = arith.constant 0 : i32
      %dma_wait3A_158 = tpu.memref_slice %arg5[%dma_wait3A_153, %dma_wait3A_157] : memref<200x128xi32, #tpu.memory_space<vmem>> -> memref<1x128xi32, #tpu.memory_space<vmem>>
      %dma_wait3A_159 = tpu.memref_squeeze %dma_wait3A_158 : memref<1x128xi32, #tpu.memory_space<vmem>> -> memref<128xi32, #tpu.memory_space<vmem>>
      %dma_wait3A_160 = arith.constant 0 : i32
      %dma_wait3A_161 = arith.constant 0 : i32
      %dma_wait3A_162 = tpu.memref_slice %arg2[%dma_wait3A_160, %dma_wait3A_161] : memref<50000x128xf32, #tpu.memory_space<hbm>> -> memref<50000x128xf32, #tpu.memory_space<hbm>>
      tpu.wait_indirect_dma semaphore(%arg7 : memref<!tpu.dma_semaphore, #tpu.memory_space<semaphore_mem>>) src(%dma_wait3A_162 : memref<50000x128xf32, #tpu.memory_space<hbm>>) dst(%dma_wait3A_156 : memref<128x128xf32, #tpu.memory_space<vmem>>)
      %dma_wait3A_163 = arith.constant 0 : i32
      %dma_wait3A_164 = arith.constant 0 : i32
      %dma_wait3A_165 = arith.constant 0 : i32
      %dma_wait3A_166 = tpu.memref_slice %arg6[%dma_wait3A_164, %dma_wait3A_165] : memref<512x128xf32, #tpu.memory_space<vmem>> -> memref<128x128xf32, #tpu.memory_space<vmem>>
      %dma_wait3A_167 = arith.constant 0 : i32
      %dma_wait3A_168 = tpu.memref_slice %arg5[%dma_wait3A_163, %dma_wait3A_167] : memref<200x128xi32, #tpu.memory_space<vmem>> -> memref<1x128xi32, #tpu.memory_space<vmem>>
      %dma_wait3A_169 = tpu.memref_squeeze %dma_wait3A_168 : memref<1x128xi32, #tpu.memory_space<vmem>> -> memref<128xi32, #tpu.memory_space<vmem>>
      %dma_wait3A_170 = arith.constant 0 : i32
      %dma_wait3A_171 = arith.constant 0 : i32
      %dma_wait3A_172 = tpu.memref_slice %arg2[%dma_wait3A_170, %dma_wait3A_171] : memref<50000x128xf32, #tpu.memory_space<hbm>> -> memref<50000x128xf32, #tpu.memory_space<hbm>>
      tpu.wait_indirect_dma semaphore(%arg7 : memref<!tpu.dma_semaphore, #tpu.memory_space<semaphore_mem>>) src(%dma_wait3A_172 : memref<50000x128xf32, #tpu.memory_space<hbm>>) dst(%dma_wait3A_166 : memref<128x128xf32, #tpu.memory_space<vmem>>)
      %mul3A_173 = arith.constant 128 : i32
      %mul3A_174 = arith.muli %select_n3A, %mul3A_173 : i32
      %dma_wait3A_175 = arith.constant 0 : i32
      %dma_wait3A_176 = arith.constant 0 : i32
      %dma_wait3A_177 = tpu.memref_slice %arg6[%dma_wait3A_175, %dma_wait3A_176] : memref<512x128xf32, #tpu.memory_space<vmem>> -> memref<128x128xf32, #tpu.memory_space<vmem>>
      %dma_wait3A_178 = arith.constant 0 : i32
      %dma_wait3A_179 = tpu.memref_slice %arg4[%mul3A_174, %dma_wait3A_178] : memref<819200x128xf32, #tpu.memory_space<hbm>> -> memref<128x128xf32, #tpu.memory_space<hbm>>
      %dma_wait3A_180 = arith.constant 0 : i32
      %dma_wait3A_181 = tpu.memref_slice %arg4[%mul3A_174, %dma_wait3A_180] : memref<819200x128xf32, #tpu.memory_space<hbm>> -> memref<128x128xf32, #tpu.memory_space<hbm>>
      %dma_wait3A_182 = arith.constant 0 : i32
      %dma_wait3A_183 = arith.constant 0 : i32
      %dma_wait3A_184 = tpu.memref_slice %arg6[%dma_wait3A_182, %dma_wait3A_183] : memref<512x128xf32, #tpu.memory_space<vmem>> -> memref<128x128xf32, #tpu.memory_space<vmem>>
      tpu.wait_dma2 semaphore(%arg8 : memref<!tpu.dma_semaphore, #tpu.memory_space<semaphore_mem>>) src(%dma_wait3A_184 : memref<128x128xf32, #tpu.memory_space<vmem>>) dst(%dma_wait3A_181 : memref<128x128xf32, #tpu.memory_space<hbm>>)
      %mul3A_185 = arith.constant 128 : i32
      %mul3A_186 = arith.muli %select_n3A, %mul3A_185 : i32
      %dma_wait3A_187 = arith.constant 0 : i32
      %dma_wait3A_188 = arith.constant 0 : i32
      %dma_wait3A_189 = tpu.memref_slice %arg6[%dma_wait3A_187, %dma_wait3A_188] : memref<512x128xf32, #tpu.memory_space<vmem>> -> memref<128x128xf32, #tpu.memory_space<vmem>>
      %dma_wait3A_190 = arith.constant 0 : i32
      %dma_wait3A_191 = tpu.memref_slice %arg4[%mul3A_186, %dma_wait3A_190] : memref<819200x128xf32, #tpu.memory_space<hbm>> -> memref<128x128xf32, #tpu.memory_space<hbm>>
      %dma_wait3A_192 = arith.constant 0 : i32
      %dma_wait3A_193 = tpu.memref_slice %arg4[%mul3A_186, %dma_wait3A_192] : memref<819200x128xf32, #tpu.memory_space<hbm>> -> memref<128x128xf32, #tpu.memory_space<hbm>>
      %dma_wait3A_194 = arith.constant 0 : i32
      %dma_wait3A_195 = arith.constant 0 : i32
      %dma_wait3A_196 = tpu.memref_slice %arg6[%dma_wait3A_194, %dma_wait3A_195] : memref<512x128xf32, #tpu.memory_space<vmem>> -> memref<128x128xf32, #tpu.memory_space<vmem>>
      tpu.wait_dma2 semaphore(%arg8 : memref<!tpu.dma_semaphore, #tpu.memory_space<semaphore_mem>>) src(%dma_wait3A_196 : memref<128x128xf32, #tpu.memory_space<vmem>>) dst(%dma_wait3A_193 : memref<128x128xf32, #tpu.memory_space<hbm>>)
      %sub3A = arith.constant 1 : i32
      %sub3A_197 = arith.subi %select_n3A_8, %sub3A : i32
      %lt3A = arith.cmpi slt, %while3A_68, %sub3A_197 : i32
      %convert_element_type3A_198 = arith.extui %lt3A : i1 to i32
      %cond3A_199 = arith.constant 0 : i32
      %cond3A_200 = arith.cmpi ne, %convert_element_type3A_198, %cond3A_199 : i32
      scf.if %cond3A_200 {
        %add3A_235 = arith.constant 2 : i32
        %add3A_236 = arith.addi %mul3A_70, %add3A_235 : i32
        %mul3A_237 = arith.constant 2 : i32
        %mul3A_238 = arith.muli %add3A_236, %mul3A_237 : i32
        %add3A_239 = arith.constant 0 : i32
        %add3A_240 = arith.addi %mul3A_238, %add3A_239 : i32
        %dma_start3A_241 = arith.constant 0 : i32
        %dma_start3A_242 = arith.constant 0 : i32
        %dma_start3A_243 = tpu.memref_slice %arg6[%dma_start3A_241, %dma_start3A_242] : memref<512x128xf32, #tpu.memory_space<vmem>> -> memref<128x128xf32, #tpu.memory_space<vmem>>
        %dma_start3A_244 = arith.constant 0 : i32
        %dma_start3A_245 = tpu.memref_slice %arg5[%add3A_240, %dma_start3A_244] : memref<200x128xi32, #tpu.memory_space<vmem>> -> memref<1x128xi32, #tpu.memory_space<vmem>>
        %dma_start3A_246 = tpu.memref_squeeze %dma_start3A_245 : memref<1x128xi32, #tpu.memory_space<vmem>> -> memref<128xi32, #tpu.memory_space<vmem>>
        %dma_start3A_247 = arith.constant 0 : i32
        %dma_start3A_248 = arith.constant 0 : i32
        %dma_start3A_249 = tpu.memref_slice %arg2[%dma_start3A_247, %dma_start3A_248] : memref<50000x128xf32, #tpu.memory_space<hbm>> -> memref<50000x128xf32, #tpu.memory_space<hbm>>
        tpu.enqueue_indirect_dma source(%dma_start3A_249 : memref<50000x128xf32, #tpu.memory_space<hbm>>) target(%dma_start3A_243 : memref<128x128xf32, #tpu.memory_space<vmem>>) offsets(%dma_start3A_246 : memref<128xi32, #tpu.memory_space<vmem>>) semaphore(%arg7 : memref<!tpu.dma_semaphore, #tpu.memory_space<semaphore_mem>>)
        %add3A_250 = arith.constant 1 : i32
        %add3A_251 = arith.addi %mul3A_238, %add3A_250 : i32
        %dma_start3A_252 = arith.constant 128 : i32
        %dma_start3A_253 = arith.constant 0 : i32
        %dma_start3A_254 = tpu.memref_slice %arg6[%dma_start3A_252, %dma_start3A_253] : memref<512x128xf32, #tpu.memory_space<vmem>> -> memref<128x128xf32, #tpu.memory_space<vmem>>
        %dma_start3A_255 = arith.constant 0 : i32
        %dma_start3A_256 = tpu.memref_slice %arg5[%add3A_251, %dma_start3A_255] : memref<200x128xi32, #tpu.memory_space<vmem>> -> memref<1x128xi32, #tpu.memory_space<vmem>>
        %dma_start3A_257 = tpu.memref_squeeze %dma_start3A_256 : memref<1x128xi32, #tpu.memory_space<vmem>> -> memref<128xi32, #tpu.memory_space<vmem>>
        %dma_start3A_258 = arith.constant 0 : i32
        %dma_start3A_259 = arith.constant 0 : i32
        %dma_start3A_260 = tpu.memref_slice %arg2[%dma_start3A_258, %dma_start3A_259] : memref<50000x128xf32, #tpu.memory_space<hbm>> -> memref<50000x128xf32, #tpu.memory_space<hbm>>
        tpu.enqueue_indirect_dma source(%dma_start3A_260 : memref<50000x128xf32, #tpu.memory_space<hbm>>) target(%dma_start3A_254 : memref<128x128xf32, #tpu.memory_space<vmem>>) offsets(%dma_start3A_257 : memref<128xi32, #tpu.memory_space<vmem>>) semaphore(%arg7 : memref<!tpu.dma_semaphore, #tpu.memory_space<semaphore_mem>>)
      } else {
      }
      %add3A_201 = arith.constant 1 : i32
      %add3A_202 = arith.addi %mul3A_70, %add3A_201 : i32
      %mul3A_203 = arith.constant 2 : i32
      %mul3A_204 = arith.muli %add3A_202, %mul3A_203 : i32
      %add3A_205 = arith.addi %select_n3A, %mul3A_204 : i32
      %add3A_206 = arith.constant 0 : i32
      %add3A_207 = arith.addi %add3A_205, %add3A_206 : i32
      %mul3A_208 = arith.constant 128 : i32
      %mul3A_209 = arith.muli %add3A_207, %mul3A_208 : i32
      %dma_start3A_210 = arith.constant 256 : i32
      %dma_start3A_211 = arith.constant 0 : i32
      %dma_start3A_212 = tpu.memref_slice %arg6[%dma_start3A_210, %dma_start3A_211] : memref<512x128xf32, #tpu.memory_space<vmem>> -> memref<128x128xf32, #tpu.memory_space<vmem>>
      %dma_start3A_213 = arith.constant 0 : i32
      %dma_start3A_214 = tpu.memref_slice %arg4[%mul3A_209, %dma_start3A_213] : memref<819200x128xf32, #tpu.memory_space<hbm>> -> memref<128x128xf32, #tpu.memory_space<hbm>>
      %dma_start3A_215 = arith.constant 0 : i32
      %dma_start3A_216 = tpu.memref_slice %arg4[%mul3A_209, %dma_start3A_215] : memref<819200x128xf32, #tpu.memory_space<hbm>> -> memref<128x128xf32, #tpu.memory_space<hbm>>
      %dma_start3A_217 = arith.constant 256 : i32
      %dma_start3A_218 = arith.constant 0 : i32
      %dma_start3A_219 = tpu.memref_slice %arg6[%dma_start3A_217, %dma_start3A_218] : memref<512x128xf32, #tpu.memory_space<vmem>> -> memref<128x128xf32, #tpu.memory_space<vmem>>
      tpu.enqueue_dma source(%dma_start3A_219 : memref<128x128xf32, #tpu.memory_space<vmem>>) target(%dma_start3A_216 : memref<128x128xf32, #tpu.memory_space<hbm>>) target_semaphore(%arg8 : memref<!tpu.dma_semaphore, #tpu.memory_space<semaphore_mem>>)
      %add3A_220 = arith.addi %select_n3A, %mul3A_204 : i32
      %add3A_221 = arith.constant 1 : i32
      %add3A_222 = arith.addi %add3A_220, %add3A_221 : i32
      %mul3A_223 = arith.constant 128 : i32
      %mul3A_224 = arith.muli %add3A_222, %mul3A_223 : i32
      %dma_start3A_225 = arith.constant 384 : i32
      %dma_start3A_226 = arith.constant 0 : i32
      %dma_start3A_227 = tpu.memref_slice %arg6[%dma_start3A_225, %dma_start3A_226] : memref<512x128xf32, #tpu.memory_space<vmem>> -> memref<128x128xf32, #tpu.memory_space<vmem>>
      %dma_start3A_228 = arith.constant 0 : i32
      %dma_start3A_229 = tpu.memref_slice %arg4[%mul3A_224, %dma_start3A_228] : memref<819200x128xf32, #tpu.memory_space<hbm>> -> memref<128x128xf32, #tpu.memory_space<hbm>>
      %dma_start3A_230 = arith.constant 0 : i32
      %dma_start3A_231 = tpu.memref_slice %arg4[%mul3A_224, %dma_start3A_230] : memref<819200x128xf32, #tpu.memory_space<hbm>> -> memref<128x128xf32, #tpu.memory_space<hbm>>
      %dma_start3A_232 = arith.constant 384 : i32
      %dma_start3A_233 = arith.constant 0 : i32
      %dma_start3A_234 = tpu.memref_slice %arg6[%dma_start3A_232, %dma_start3A_233] : memref<512x128xf32, #tpu.memory_space<vmem>> -> memref<128x128xf32, #tpu.memory_space<vmem>>
      tpu.enqueue_dma source(%dma_start3A_234 : memref<128x128xf32, #tpu.memory_space<vmem>>) target(%dma_start3A_231 : memref<128x128xf32, #tpu.memory_space<hbm>>) target_semaphore(%arg8 : memref<!tpu.dma_semaphore, #tpu.memory_space<semaphore_mem>>)
    }
    %while3A_44 = arith.constant 1 : i32
    scf.for %while3A_68 = %while3A_42 to %while3A_38 step %while3A_44  : i32 {
      %mul3A_69 = arith.constant 2 : i32
      %mul3A_70 = arith.muli %mul3A_69, %while3A_68 : i32
      %dma_wait3A_71 = arith.constant 0 : i32
      %dma_wait3A_72 = arith.constant 0 : i32
      %dma_wait3A_73 = arith.constant 0 : i32
      %dma_wait3A_74 = tpu.memref_slice %arg6[%dma_wait3A_72, %dma_wait3A_73] : memref<512x128xf32, #tpu.memory_space<vmem>> -> memref<128x128xf32, #tpu.memory_space<vmem>>
      %dma_wait3A_75 = arith.constant 0 : i32
      %dma_wait3A_76 = tpu.memref_slice %arg5[%dma_wait3A_71, %dma_wait3A_75] : memref<200x128xi32, #tpu.memory_space<vmem>> -> memref<1x128xi32, #tpu.memory_space<vmem>>
      %dma_wait3A_77 = tpu.memref_squeeze %dma_wait3A_76 : memref<1x128xi32, #tpu.memory_space<vmem>> -> memref<128xi32, #tpu.memory_space<vmem>>
      %dma_wait3A_78 = arith.constant 0 : i32
      %dma_wait3A_79 = arith.constant 0 : i32
      %dma_wait3A_80 = tpu.memref_slice %arg2[%dma_wait3A_78, %dma_wait3A_79] : memref<50000x128xf32, #tpu.memory_space<hbm>> -> memref<50000x128xf32, #tpu.memory_space<hbm>>
      tpu.wait_indirect_dma semaphore(%arg7 : memref<!tpu.dma_semaphore, #tpu.memory_space<semaphore_mem>>) src(%dma_wait3A_80 : memref<50000x128xf32, #tpu.memory_space<hbm>>) dst(%dma_wait3A_74 : memref<128x128xf32, #tpu.memory_space<vmem>>)
      %dma_wait3A_81 = arith.constant 0 : i32
      %dma_wait3A_82 = arith.constant 0 : i32
      %dma_wait3A_83 = arith.constant 0 : i32
      %dma_wait3A_84 = tpu.memref_slice %arg6[%dma_wait3A_82, %dma_wait3A_83] : memref<512x128xf32, #tpu.memory_space<vmem>> -> memref<128x128xf32, #tpu.memory_space<vmem>>
      %dma_wait3A_85 = arith.constant 0 : i32
      %dma_wait3A_86 = tpu.memref_slice %arg5[%dma_wait3A_81, %dma_wait3A_85] : memref<200x128xi32, #tpu.memory_space<vmem>> -> memref<1x128xi32, #tpu.memory_space<vmem>>
      %dma_wait3A_87 = tpu.memref_squeeze %dma_wait3A_86 : memref<1x128xi32, #tpu.memory_space<vmem>> -> memref<128xi32, #tpu.memory_space<vmem>>
      %dma_wait3A_88 = arith.constant 0 : i32
      %dma_wait3A_89 = arith.constant 0 : i32
      %dma_wait3A_90 = tpu.memref_slice %arg2[%dma_wait3A_88, %dma_wait3A_89] : memref<50000x128xf32, #tpu.memory_space<hbm>> -> memref<50000x128xf32, #tpu.memory_space<hbm>>
      tpu.wait_indirect_dma semaphore(%arg7 : memref<!tpu.dma_semaphore, #tpu.memory_space<semaphore_mem>>) src(%dma_wait3A_90 : memref<50000x128xf32, #tpu.memory_space<hbm>>) dst(%dma_wait3A_84 : memref<128x128xf32, #tpu.memory_space<vmem>>)
      %gt3A = arith.constant 0 : i32
      %gt3A_91 = arith.cmpi sgt, %while3A_68, %gt3A : i32
      %convert_element_type3A_92 = arith.extui %gt3A_91 : i1 to i32
      %cond3A_93 = arith.constant 0 : i32
      %cond3A_94 = arith.cmpi ne, %convert_element_type3A_92, %cond3A_93 : i32
      scf.if %cond3A_94 {
        %mul3A_235 = arith.constant 128 : i32
        %mul3A_236 = arith.muli %select_n3A, %mul3A_235 : i32
        %dma_wait3A_237 = arith.constant 0 : i32
        %dma_wait3A_238 = arith.constant 0 : i32
        %dma_wait3A_239 = tpu.memref_slice %arg6[%dma_wait3A_237, %dma_wait3A_238] : memref<512x128xf32, #tpu.memory_space<vmem>> -> memref<128x128xf32, #tpu.memory_space<vmem>>
        %dma_wait3A_240 = arith.constant 0 : i32
        %dma_wait3A_241 = tpu.memref_slice %arg4[%mul3A_236, %dma_wait3A_240] : memref<819200x128xf32, #tpu.memory_space<hbm>> -> memref<128x128xf32, #tpu.memory_space<hbm>>
        %dma_wait3A_242 = arith.constant 0 : i32
        %dma_wait3A_243 = tpu.memref_slice %arg4[%mul3A_236, %dma_wait3A_242] : memref<819200x128xf32, #tpu.memory_space<hbm>> -> memref<128x128xf32, #tpu.memory_space<hbm>>
        %dma_wait3A_244 = arith.constant 0 : i32
        %dma_wait3A_245 = arith.constant 0 : i32
        %dma_wait3A_246 = tpu.memref_slice %arg6[%dma_wait3A_244, %dma_wait3A_245] : memref<512x128xf32, #tpu.memory_space<vmem>> -> memref<128x128xf32, #tpu.memory_space<vmem>>
        tpu.wait_dma2 semaphore(%arg8 : memref<!tpu.dma_semaphore, #tpu.memory_space<semaphore_mem>>) src(%dma_wait3A_246 : memref<128x128xf32, #tpu.memory_space<vmem>>) dst(%dma_wait3A_243 : memref<128x128xf32, #tpu.memory_space<hbm>>)
        %mul3A_247 = arith.constant 128 : i32
        %mul3A_248 = arith.muli %select_n3A, %mul3A_247 : i32
        %dma_wait3A_249 = arith.constant 0 : i32
        %dma_wait3A_250 = arith.constant 0 : i32
        %dma_wait3A_251 = tpu.memref_slice %arg6[%dma_wait3A_249, %dma_wait3A_250] : memref<512x128xf32, #tpu.memory_space<vmem>> -> memref<128x128xf32, #tpu.memory_space<vmem>>
        %dma_wait3A_252 = arith.constant 0 : i32
        %dma_wait3A_253 = tpu.memref_slice %arg4[%mul3A_248, %dma_wait3A_252] : memref<819200x128xf32, #tpu.memory_space<hbm>> -> memref<128x128xf32, #tpu.memory_space<hbm>>
        %dma_wait3A_254 = arith.constant 0 : i32
        %dma_wait3A_255 = tpu.memref_slice %arg4[%mul3A_248, %dma_wait3A_254] : memref<819200x128xf32, #tpu.memory_space<hbm>> -> memref<128x128xf32, #tpu.memory_space<hbm>>
        %dma_wait3A_256 = arith.constant 0 : i32
        %dma_wait3A_257 = arith.constant 0 : i32
        %dma_wait3A_258 = tpu.memref_slice %arg6[%dma_wait3A_256, %dma_wait3A_257] : memref<512x128xf32, #tpu.memory_space<vmem>> -> memref<128x128xf32, #tpu.memory_space<vmem>>
        tpu.wait_dma2 semaphore(%arg8 : memref<!tpu.dma_semaphore, #tpu.memory_space<semaphore_mem>>) src(%dma_wait3A_258 : memref<128x128xf32, #tpu.memory_space<vmem>>) dst(%dma_wait3A_255 : memref<128x128xf32, #tpu.memory_space<hbm>>)
      } else {
      }
      %add3A_95 = arith.constant 1 : i32
      %add3A_96 = arith.addi %mul3A_70, %add3A_95 : i32
      %mul3A_97 = arith.constant 2 : i32
      %mul3A_98 = arith.muli %add3A_96, %mul3A_97 : i32
      %add3A_99 = arith.constant 0 : i32
      %add3A_100 = arith.addi %mul3A_98, %add3A_99 : i32
      %dma_start3A_101 = arith.constant 256 : i32
      %dma_start3A_102 = arith.constant 0 : i32
      %dma_start3A_103 = tpu.memref_slice %arg6[%dma_start3A_101, %dma_start3A_102] : memref<512x128xf32, #tpu.memory_space<vmem>> -> memref<128x128xf32, #tpu.memory_space<vmem>>
      %dma_start3A_104 = arith.constant 0 : i32
      %dma_start3A_105 = tpu.memref_slice %arg5[%add3A_100, %dma_start3A_104] : memref<200x128xi32, #tpu.memory_space<vmem>> -> memref<1x128xi32, #tpu.memory_space<vmem>>
      %dma_start3A_106 = tpu.memref_squeeze %dma_start3A_105 : memref<1x128xi32, #tpu.memory_space<vmem>> -> memref<128xi32, #tpu.memory_space<vmem>>
      %dma_start3A_107 = arith.constant 0 : i32
      %dma_start3A_108 = arith.constant 0 : i32
      %dma_start3A_109 = tpu.memref_slice %arg2[%dma_start3A_107, %dma_start3A_108] : memref<50000x128xf32, #tpu.memory_space<hbm>> -> memref<50000x128xf32, #tpu.memory_space<hbm>>
      tpu.enqueue_indirect_dma source(%dma_start3A_109 : memref<50000x128xf32, #tpu.memory_space<hbm>>) target(%dma_start3A_103 : memref<128x128xf32, #tpu.memory_space<vmem>>) offsets(%dma_start3A_106 : memref<128xi32, #tpu.memory_space<vmem>>) semaphore(%arg7 : memref<!tpu.dma_semaphore, #tpu.memory_space<semaphore_mem>>)
      %add3A_110 = arith.constant 1 : i32
      %add3A_111 = arith.addi %mul3A_98, %add3A_110 : i32
      %dma_start3A_112 = arith.constant 384 : i32
      %dma_start3A_113 = arith.constant 0 : i32
      %dma_start3A_114 = tpu.memref_slice %arg6[%dma_start3A_112, %dma_start3A_113] : memref<512x128xf32, #tpu.memory_space<vmem>> -> memref<128x128xf32, #tpu.memory_space<vmem>>
      %dma_start3A_115 = arith.constant 0 : i32
      %dma_start3A_116 = tpu.memref_slice %arg5[%add3A_111, %dma_start3A_115] : memref<200x128xi32, #tpu.memory_space<vmem>> -> memref<1x128xi32, #tpu.memory_space<vmem>>
      %dma_start3A_117 = tpu.memref_squeeze %dma_start3A_116 : memref<1x128xi32, #tpu.memory_space<vmem>> -> memref<128xi32, #tpu.memory_space<vmem>>
      %dma_start3A_118 = arith.constant 0 : i32
      %dma_start3A_119 = arith.constant 0 : i32
      %dma_start3A_120 = tpu.memref_slice %arg2[%dma_start3A_118, %dma_start3A_119] : memref<50000x128xf32, #tpu.memory_space<hbm>> -> memref<50000x128xf32, #tpu.memory_space<hbm>>
      tpu.enqueue_indirect_dma source(%dma_start3A_120 : memref<50000x128xf32, #tpu.memory_space<hbm>>) target(%dma_start3A_114 : memref<128x128xf32, #tpu.memory_space<vmem>>) offsets(%dma_start3A_117 : memref<128xi32, #tpu.memory_space<vmem>>) semaphore(%arg7 : memref<!tpu.dma_semaphore, #tpu.memory_space<semaphore_mem>>)
      %mul3A_121 = arith.constant 2 : i32
      %mul3A_122 = arith.muli %mul3A_70, %mul3A_121 : i32
      %add3A_123 = arith.addi %select_n3A, %mul3A_122 : i32
      %add3A_124 = arith.constant 0 : i32
      %add3A_125 = arith.addi %add3A_123, %add3A_124 : i32
      %mul3A_126 = arith.constant 128 : i32
      %mul3A_127 = arith.muli %add3A_125, %mul3A_126 : i32
      %dma_start3A_128 = arith.constant 0 : i32
      %dma_start3A_129 = arith.constant 0 : i32
      %dma_start3A_130 = tpu.memref_slice %arg6[%dma_start3A_128, %dma_start3A_129] : memref<512x128xf32, #tpu.memory_space<vmem>> -> memref<128x128xf32, #tpu.memory_space<vmem>>
      %dma_start3A_131 = arith.constant 0 : i32
      %dma_start3A_132 = tpu.memref_slice %arg4[%mul3A_127, %dma_start3A_131] : memref<819200x128xf32, #tpu.memory_space<hbm>> -> memref<128x128xf32, #tpu.memory_space<hbm>>
      %dma_start3A_133 = arith.constant 0 : i32
      %dma_start3A_134 = tpu.memref_slice %arg4[%mul3A_127, %dma_start3A_133] : memref<819200x128xf32, #tpu.memory_space<hbm>> -> memref<128x128xf32, #tpu.memory_space<hbm>>
      %dma_start3A_135 = arith.constant 0 : i32
      %dma_start3A_136 = arith.constant 0 : i32
      %dma_start3A_137 = tpu.memref_slice %arg6[%dma_start3A_135, %dma_start3A_136] : memref<512x128xf32, #tpu.memory_space<vmem>> -> memref<128x128xf32, #tpu.memory_space<vmem>>
      tpu.enqueue_dma source(%dma_start3A_137 : memref<128x128xf32, #tpu.memory_space<vmem>>) target(%dma_start3A_134 : memref<128x128xf32, #tpu.memory_space<hbm>>) target_semaphore(%arg8 : memref<!tpu.dma_semaphore, #tpu.memory_space<semaphore_mem>>)
      %add3A_138 = arith.addi %select_n3A, %mul3A_122 : i32
      %add3A_139 = arith.constant 1 : i32
      %add3A_140 = arith.addi %add3A_138, %add3A_139 : i32
      %mul3A_141 = arith.constant 128 : i32
      %mul3A_142 = arith.muli %add3A_140, %mul3A_141 : i32
      %dma_start3A_143 = arith.constant 128 : i32
      %dma_start3A_144 = arith.constant 0 : i32
      %dma_start3A_145 = tpu.memref_slice %arg6[%dma_start3A_143, %dma_start3A_144] : memref<512x128xf32, #tpu.memory_space<vmem>> -> memref<128x128xf32, #tpu.memory_space<vmem>>
      %dma_start3A_146 = arith.constant 0 : i32
      %dma_start3A_147 = tpu.memref_slice %arg4[%mul3A_142, %dma_start3A_146] : memref<819200x128xf32, #tpu.memory_space<hbm>> -> memref<128x128xf32, #tpu.memory_space<hbm>>
      %dma_start3A_148 = arith.constant 0 : i32
      %dma_start3A_149 = tpu.memref_slice %arg4[%mul3A_142, %dma_start3A_148] : memref<819200x128xf32, #tpu.memory_space<hbm>> -> memref<128x128xf32, #tpu.memory_space<hbm>>
      %dma_start3A_150 = arith.constant 128 : i32
      %dma_start3A_151 = arith.constant 0 : i32
      %dma_start3A_152 = tpu.memref_slice %arg6[%dma_start3A_150, %dma_start3A_151] : memref<512x128xf32, #tpu.memory_space<vmem>> -> memref<128x128xf32, #tpu.memory_space<vmem>>
      tpu.enqueue_dma source(%dma_start3A_152 : memref<128x128xf32, #tpu.memory_space<vmem>>) target(%dma_start3A_149 : memref<128x128xf32, #tpu.memory_space<hbm>>) target_semaphore(%arg8 : memref<!tpu.dma_semaphore, #tpu.memory_space<semaphore_mem>>)
      %dma_wait3A_153 = arith.constant 0 : i32
      %dma_wait3A_154 = arith.constant 0 : i32
      %dma_wait3A_155 = arith.constant 0 : i32
      %dma_wait3A_156 = tpu.memref_slice %arg6[%dma_wait3A_154, %dma_wait3A_155] : memref<512x128xf32, #tpu.memory_space<vmem>> -> memref<128x128xf32, #tpu.memory_space<vmem>>
      %dma_wait3A_157 = arith.constant 0 : i32
      %dma_wait3A_158 = tpu.memref_slice %arg5[%dma_wait3A_153, %dma_wait3A_157] : memref<200x128xi32, #tpu.memory_space<vmem>> -> memref<1x128xi32, #tpu.memory_space<vmem>>
      %dma_wait3A_159 = tpu.memref_squeeze %dma_wait3A_158 : memref<1x128xi32, #tpu.memory_space<vmem>> -> memref<128xi32, #tpu.memory_space<vmem>>
      %dma_wait3A_160 = arith.constant 0 : i32
      %dma_wait3A_161 = arith.constant 0 : i32
      %dma_wait3A_162 = tpu.memref_slice %arg2[%dma_wait3A_160, %dma_wait3A_161] : memref<50000x128xf32, #tpu.memory_space<hbm>> -> memref<50000x128xf32, #tpu.memory_space<hbm>>
      tpu.wait_indirect_dma semaphore(%arg7 : memref<!tpu.dma_semaphore, #tpu.memory_space<semaphore_mem>>) src(%dma_wait3A_162 : memref<50000x128xf32, #tpu.memory_space<hbm>>) dst(%dma_wait3A_156 : memref<128x128xf32, #tpu.memory_space<vmem>>)
      %dma_wait3A_163 = arith.constant 0 : i32
      %dma_wait3A_164 = arith.constant 0 : i32
      %dma_wait3A_165 = arith.constant 0 : i32
      %dma_wait3A_166 = tpu.memref_slice %arg6[%dma_wait3A_164, %dma_wait3A_165] : memref<512x128xf32, #tpu.memory_space<vmem>> -> memref<128x128xf32, #tpu.memory_space<vmem>>
      %dma_wait3A_167 = arith.constant 0 : i32
      %dma_wait3A_168 = tpu.memref_slice %arg5[%dma_wait3A_163, %dma_wait3A_167] : memref<200x128xi32, #tpu.memory_space<vmem>> -> memref<1x128xi32, #tpu.memory_space<vmem>>
      %dma_wait3A_169 = tpu.memref_squeeze %dma_wait3A_168 : memref<1x128xi32, #tpu.memory_space<vmem>> -> memref<128xi32, #tpu.memory_space<vmem>>
      %dma_wait3A_170 = arith.constant 0 : i32
      %dma_wait3A_171 = arith.constant 0 : i32
      %dma_wait3A_172 = tpu.memref_slice %arg2[%dma_wait3A_170, %dma_wait3A_171] : memref<50000x128xf32, #tpu.memory_space<hbm>> -> memref<50000x128xf32, #tpu.memory_space<hbm>>
      tpu.wait_indirect_dma semaphore(%arg7 : memref<!tpu.dma_semaphore, #tpu.memory_space<semaphore_mem>>) src(%dma_wait3A_172 : memref<50000x128xf32, #tpu.memory_space<hbm>>) dst(%dma_wait3A_166 : memref<128x128xf32, #tpu.memory_space<vmem>>)
      %mul3A_173 = arith.constant 128 : i32
      %mul3A_174 = arith.muli %select_n3A, %mul3A_173 : i32
      %dma_wait3A_175 = arith.constant 0 : i32
      %dma_wait3A_176 = arith.constant 0 : i32
      %dma_wait3A_177 = tpu.memref_slice %arg6[%dma_wait3A_175, %dma_wait3A_176] : memref<512x128xf32, #tpu.memory_space<vmem>> -> memref<128x128xf32, #tpu.memory_space<vmem>>
      %dma_wait3A_178 = arith.constant 0 : i32
      %dma_wait3A_179 = tpu.memref_slice %arg4[%mul3A_174, %dma_wait3A_178] : memref<819200x128xf32, #tpu.memory_space<hbm>> -> memref<128x128xf32, #tpu.memory_space<hbm>>
      %dma_wait3A_180 = arith.constant 0 : i32
      %dma_wait3A_181 = tpu.memref_slice %arg4[%mul3A_174, %dma_wait3A_180] : memref<819200x128xf32, #tpu.memory_space<hbm>> -> memref<128x128xf32, #tpu.memory_space<hbm>>
      %dma_wait3A_182 = arith.constant 0 : i32
      %dma_wait3A_183 = arith.constant 0 : i32
      %dma_wait3A_184 = tpu.memref_slice %arg6[%dma_wait3A_182, %dma_wait3A_183] : memref<512x128xf32, #tpu.memory_space<vmem>> -> memref<128x128xf32, #tpu.memory_space<vmem>>
      tpu.wait_dma2 semaphore(%arg8 : memref<!tpu.dma_semaphore, #tpu.memory_space<semaphore_mem>>) src(%dma_wait3A_184 : memref<128x128xf32, #tpu.memory_space<vmem>>) dst(%dma_wait3A_181 : memref<128x128xf32, #tpu.memory_space<hbm>>)
      %mul3A_185 = arith.constant 128 : i32
      %mul3A_186 = arith.muli %select_n3A, %mul3A_185 : i32
      %dma_wait3A_187 = arith.constant 0 : i32
      %dma_wait3A_188 = arith.constant 0 : i32
      %dma_wait3A_189 = tpu.memref_slice %arg6[%dma_wait3A_187, %dma_wait3A_188] : memref<512x128xf32, #tpu.memory_space<vmem>> -> memref<128x128xf32, #tpu.memory_space<vmem>>
      %dma_wait3A_190 = arith.constant 0 : i32
      %dma_wait3A_191 = tpu.memref_slice %arg4[%mul3A_186, %dma_wait3A_190] : memref<819200x128xf32, #tpu.memory_space<hbm>> -> memref<128x128xf32, #tpu.memory_space<hbm>>
      %dma_wait3A_192 = arith.constant 0 : i32
      %dma_wait3A_193 = tpu.memref_slice %arg4[%mul3A_186, %dma_wait3A_192] : memref<819200x128xf32, #tpu.memory_space<hbm>> -> memref<128x128xf32, #tpu.memory_space<hbm>>
      %dma_wait3A_194 = arith.constant 0 : i32
      %dma_wait3A_195 = arith.constant 0 : i32
      %dma_wait3A_196 = tpu.memref_slice %arg6[%dma_wait3A_194, %dma_wait3A_195] : memref<512x128xf32, #tpu.memory_space<vmem>> -> memref<128x128xf32, #tpu.memory_space<vmem>>
      tpu.wait_dma2 semaphore(%arg8 : memref<!tpu.dma_semaphore, #tpu.memory_space<semaphore_mem>>) src(%dma_wait3A_196 : memref<128x128xf32, #tpu.memory_space<vmem>>) dst(%dma_wait3A_193 : memref<128x128xf32, #tpu.memory_space<hbm>>)
      %sub3A = arith.constant 1 : i32
      %sub3A_197 = arith.subi %select_n3A_8, %sub3A : i32
      %lt3A = arith.cmpi slt, %while3A_68, %sub3A_197 : i32
      %convert_element_type3A_198 = arith.extui %lt3A : i1 to i32
      %cond3A_199 = arith.constant 0 : i32
      %cond3A_200 = arith.cmpi ne, %convert_element_type3A_198, %cond3A_199 : i32
      scf.if %cond3A_200 {
        %add3A_235 = arith.constant 2 : i32
        %add3A_236 = arith.addi %mul3A_70, %add3A_235 : i32
        %mul3A_237 = arith.constant 2 : i32
        %mul3A_238 = arith.muli %add3A_236, %mul3A_237 : i32
        %add3A_239 = arith.constant 0 : i32
        %add3A_240 = arith.addi %mul3A_238, %add3A_239 : i32
        %dma_start3A_241 = arith.constant 0 : i32
        %dma_start3A_242 = arith.constant 0 : i32
        %dma_start3A_243 = tpu.memref_slice %arg6[%dma_start3A_241, %dma_start3A_242] : memref<512x128xf32, #tpu.memory_space<vmem>> -> memref<128x128xf32, #tpu.memory_space<vmem>>
        %dma_start3A_244 = arith.constant 0 : i32
        %dma_start3A_245 = tpu.memref_slice %arg5[%add3A_240, %dma_start3A_244] : memref<200x128xi32, #tpu.memory_space<vmem>> -> memref<1x128xi32, #tpu.memory_space<vmem>>
        %dma_start3A_246 = tpu.memref_squeeze %dma_start3A_245 : memref<1x128xi32, #tpu.memory_space<vmem>> -> memref<128xi32, #tpu.memory_space<vmem>>
        %dma_start3A_247 = arith.constant 0 : i32
        %dma_start3A_248 = arith.constant 0 : i32
        %dma_start3A_249 = tpu.memref_slice %arg2[%dma_start3A_247, %dma_start3A_248] : memref<50000x128xf32, #tpu.memory_space<hbm>> -> memref<50000x128xf32, #tpu.memory_space<hbm>>
        tpu.enqueue_indirect_dma source(%dma_start3A_249 : memref<50000x128xf32, #tpu.memory_space<hbm>>) target(%dma_start3A_243 : memref<128x128xf32, #tpu.memory_space<vmem>>) offsets(%dma_start3A_246 : memref<128xi32, #tpu.memory_space<vmem>>) semaphore(%arg7 : memref<!tpu.dma_semaphore, #tpu.memory_space<semaphore_mem>>)
        %add3A_250 = arith.constant 1 : i32
        %add3A_251 = arith.addi %mul3A_238, %add3A_250 : i32
        %dma_start3A_252 = arith.constant 128 : i32
        %dma_start3A_253 = arith.constant 0 : i32
        %dma_start3A_254 = tpu.memref_slice %arg6[%dma_start3A_252, %dma_start3A_253] : memref<512x128xf32, #tpu.memory_space<vmem>> -> memref<128x128xf32, #tpu.memory_space<vmem>>
        %dma_start3A_255 = arith.constant 0 : i32
        %dma_start3A_256 = tpu.memref_slice %arg5[%add3A_251, %dma_start3A_255] : memref<200x128xi32, #tpu.memory_space<vmem>> -> memref<1x128xi32, #tpu.memory_space<vmem>>
        %dma_start3A_257 = tpu.memref_squeeze %dma_start3A_256 : memref<1x128xi32, #tpu.memory_space<vmem>> -> memref<128xi32, #tpu.memory_space<vmem>>
        %dma_start3A_258 = arith.constant 0 : i32
        %dma_start3A_259 = arith.constant 0 : i32
        %dma_start3A_260 = tpu.memref_slice %arg2[%dma_start3A_258, %dma_start3A_259] : memref<50000x128xf32, #tpu.memory_space<hbm>> -> memref<50000x128xf32, #tpu.memory_space<hbm>>
        tpu.enqueue_indirect_dma source(%dma_start3A_260 : memref<50000x128xf32, #tpu.memory_space<hbm>>) target(%dma_start3A_254 : memref<128x128xf32, #tpu.memory_space<vmem>>) offsets(%dma_start3A_257 : memref<128xi32, #tpu.memory_space<vmem>>) semaphore(%arg7 : memref<!tpu.dma_semaphore, #tpu.memory_space<semaphore_mem>>)
      } else {
      }
      %add3A_201 = arith.constant 1 : i32
      %add3A_202 = arith.addi %mul3A_70, %add3A_201 : i32
      %mul3A_203 = arith.constant 2 : i32
      %mul3A_204 = arith.muli %add3A_202, %mul3A_203 : i32
      %add3A_205 = arith.addi %select_n3A, %mul3A_204 : i32
      %add3A_206 = arith.constant 0 : i32
      %add3A_207 = arith.addi %add3A_205, %add3A_206 : i32
      %mul3A_208 = arith.constant 128 : i32
      %mul3A_209 = arith.muli %add3A_207, %mul3A_208 : i32
      %dma_start3A_210 = arith.constant 256 : i32
      %dma_start3A_211 = arith.constant 0 : i32
      %dma_start3A_212 = tpu.memref_slice %arg6[%dma_start3A_210, %dma_start3A_211] : memref<512x128xf32, #tpu.memory_space<vmem>> -> memref<128x128xf32, #tpu.memory_space<vmem>>
      %dma_start3A_213 = arith.constant 0 : i32
      %dma_start3A_214 = tpu.memref_slice %arg4[%mul3A_209, %dma_start3A_213] : memref<819200x128xf32, #tpu.memory_space<hbm>> -> memref<128x128xf32, #tpu.memory_space<hbm>>
      %dma_start3A_215 = arith.constant 0 : i32
      %dma_start3A_216 = tpu.memref_slice %arg4[%mul3A_209, %dma_start3A_215] : memref<819200x128xf32, #tpu.memory_space<hbm>> -> memref<128x128xf32, #tpu.memory_space<hbm>>
      %dma_start3A_217 = arith.constant 256 : i32
      %dma_start3A_218 = arith.constant 0 : i32
      %dma_start3A_219 = tpu.memref_slice %arg6[%dma_start3A_217, %dma_start3A_218] : memref<512x128xf32, #tpu.memory_space<vmem>> -> memref<128x128xf32, #tpu.memory_space<vmem>>
      tpu.enqueue_dma source(%dma_start3A_219 : memref<128x128xf32, #tpu.memory_space<vmem>>) target(%dma_start3A_216 : memref<128x128xf32, #tpu.memory_space<hbm>>) target_semaphore(%arg8 : memref<!tpu.dma_semaphore, #tpu.memory_space<semaphore_mem>>)
      %add3A_220 = arith.addi %select_n3A, %mul3A_204 : i32
      %add3A_221 = arith.constant 1 : i32
      %add3A_222 = arith.addi %add3A_220, %add3A_221 : i32
      %mul3A_223 = arith.constant 128 : i32
      %mul3A_224 = arith.muli %add3A_222, %mul3A_223 : i32
      %dma_start3A_225 = arith.constant 384 : i32
      %dma_start3A_226 = arith.constant 0 : i32
      %dma_start3A_227 = tpu.memref_slice %arg6[%dma_start3A_225, %dma_start3A_226] : memref<512x128xf32, #tpu.memory_space<vmem>> -> memref<128x128xf32, #tpu.memory_space<vmem>>
      %dma_start3A_228 = arith.constant 0 : i32
      %dma_start3A_229 = tpu.memref_slice %arg4[%mul3A_224, %dma_start3A_228] : memref<819200x128xf32, #tpu.memory_space<hbm>> -> memref<128x128xf32, #tpu.memory_space<hbm>>
      %dma_start3A_230 = arith.constant 0 : i32
      %dma_start3A_231 = tpu.memref_slice %arg4[%mul3A_224, %dma_start3A_230] : memref<819200x128xf32, #tpu.memory_space<hbm>> -> memref<128x128xf32, #tpu.memory_space<hbm>>
      %dma_start3A_232 = arith.constant 384 : i32
      %dma_start3A_233 = arith.constant 0 : i32
      %dma_start3A_234 = tpu.memref_slice %arg6[%dma_start3A_232, %dma_start3A_233] : memref<512x128xf32, #tpu.memory_space<vmem>> -> memref<128x128xf32, #tpu.memory_space<vmem>>
      tpu.enqueue_dma source(%dma_start3A_234 : memref<128x128xf32, #tpu.memory_space<vmem>>) target(%dma_start3A_231 : memref<128x128xf32, #tpu.memory_space<hbm>>) target_semaphore(%arg8 : memref<!tpu.dma_semaphore, #tpu.memory_space<semaphore_mem>>)
    }
    %mul3A_45 = arith.constant 128 : i32
    %mul3A_46 = arith.muli %select_n3A, %mul3A_45 : i32
    %dma_wait3A = arith.constant 0 : i32
    %dma_wait3A_47 = arith.constant 0 : i32
    %dma_wait3A_48 = tpu.memref_slice %arg6[%dma_wait3A, %dma_wait3A_47] : memref<512x128xf32, #tpu.memory_space<vmem>> -> memref<128x128xf32, #tpu.memory_space<vmem>>
    %dma_wait3A_49 = arith.constant 0 : i32
    %dma_wait3A_50 = tpu.memref_slice %arg4[%mul3A_46, %dma_wait3A_49] : memref<819200x128xf32, #tpu.memory_space<hbm>> -> memref<128x128xf32, #tpu.memory_space<hbm>>
    %dma_wait3A_51 = arith.constant 0 : i32
    %dma_wait3A_52 = tpu.memref_slice %arg4[%mul3A_46, %dma_wait3A_51] : memref<819200x128xf32, #tpu.memory_space<hbm>> -> memref<128x128xf32, #tpu.memory_space<hbm>>
    %dma_wait3A_53 = arith.constant 0 : i32
    %dma_wait3A_54 = arith.constant 0 : i32
    %dma_wait3A_55 = tpu.memref_slice %arg6[%dma_wait3A_53, %dma_wait3A_54] : memref<512x128xf32, #tpu.memory_space<vmem>> -> memref<128x128xf32, #tpu.memory_space<vmem>>
    tpu.wait_dma2 semaphore(%arg8 : memref<!tpu.dma_semaphore, #tpu.memory_space<semaphore_mem>>) src(%dma_wait3A_55 : memref<128x128xf32, #tpu.memory_space<vmem>>) dst(%dma_wait3A_52 : memref<128x128xf32, #tpu.memory_space<hbm>>)
    %mul3A_56 = arith.constant 128 : i32
    %mul3A_57 = arith.muli %select_n3A, %mul3A_56 : i32
    %dma_wait3A_58 = arith.constant 0 : i32
    %dma_wait3A_59 = arith.constant 0 : i32
    %dma_wait3A_60 = tpu.memref_slice %arg6[%dma_wait3A_58, %dma_wait3A_59] : memref<512x128xf32, #tpu.memory_space<vmem>> -> memref<128x128xf32, #tpu.memory_space<vmem>>
    %dma_wait3A_61 = arith.constant 0 : i32
    %dma_wait3A_62 = tpu.memref_slice %arg4[%mul3A_57, %dma_wait3A_61] : memref<819200x128xf32, #tpu.memory_space<hbm>> -> memref<128x128xf32, #tpu.memory_space<hbm>>
    %dma_wait3A_63 = arith.constant 0 : i32
    %dma_wait3A_64 = tpu.memref_slice %arg4[%mul3A_57, %dma_wait3A_63] : memref<819200x128xf32, #tpu.memory_space<hbm>> -> memref<128x128xf32, #tpu.memory_space<hbm>>
    %dma_wait3A_65 = arith.constant 0 : i32
    %dma_wait3A_66 = arith.constant 0 : i32
    %dma_wait3A_67 = tpu.memref_slice %arg6[%dma_wait3A_65, %dma_wait3A_66] : memref<512x128xf32, #tpu.memory_space<vmem>> -> memref<128x128xf32, #tpu.memory_space<vmem>>
    tpu.wait_dma2 semaphore(%arg8 : memref<!tpu.dma_semaphore, #tpu.memory_space<semaphore_mem>>) src(%dma_wait3A_67 : memref<128x128xf32, #tpu.memory_space<vmem>>) dst(%dma_wait3A_64 : memref<128x128xf32, #tpu.memory_space<hbm>>)
    return
  }
}

#map = affine_map<(d0, d1) -> (0, 0)>
module attributes {stable_mosaic.version = 14 : i64} {
  func.func @body(%arg0: i32, %arg1: i32, %arg2: memref<50000x128xf32, #tpu.memory_space<hbm>>, %arg3: memref<6400x128xi32, #tpu.memory_space<hbm>>, %arg4: memref<819200x128xf32, #tpu.memory_space<hbm>>, %arg5: memref<200x128xi32, #tpu.memory_space<vmem>>, %arg6: memref<512x128xf32, #tpu.memory_space<vmem>>, %arg7: memref<!tpu.dma_semaphore, #tpu.memory_space<semaphore_mem>>, %arg8: memref<!tpu.dma_semaphore, #tpu.memory_space<semaphore_mem>>) attributes {dimension_semantics = [#tpu.dimension_semantics<core_parallel>, #tpu.dimension_semantics<subcore_parallel>], iteration_bounds = array<i64: 2, 16>, scalar_prefetch = 0 : i64, scratch_operands = 4 : i64, tpu.core_type = #tpu.core_type<sc_vector_subcore>, window_params = [{transform_indices = #map}, {transform_indices = #map}, {transform_indices = #map}]} {
    %eq3A = arith.constant 0 : i32
    %eq3A_0 = arith.cmpi eq, %arg0, %eq3A : i32
    %mul3A = arith.constant 200 : i32
    %mul3A_1 = arith.muli %arg1, %mul3A : i32
    %mul3A_2 = arith.constant 200 : i32
    %mul3A_3 = arith.muli %arg1, %mul3A_2 : i32
    %add3A = arith.constant 3200 : i32
    %add3A_4 = arith.addi %add3A, %mul3A_3 : i32
    %select_n3A = arith.select %eq3A_0, %mul3A_1, %add3A_4 : i32
    %eq3A_5 = arith.constant 0 : i32
    %eq3A_6 = arith.cmpi eq, %arg0, %eq3A_5 : i32
    %jit3A = arith.constant 50 : i32
    %jit3A_7 = arith.constant 50 : i32
    %select_n3A_8 = arith.select %eq3A_6, %jit3A, %jit3A_7 : i32
    %eq3A_9 = arith.constant 0 : i32
    %eq3A_10 = arith.cmpi eq, %arg0, %eq3A_9 : i32
    %convert_element_type3A = arith.extui %eq3A_10 : i1 to i32
    %cond3A = arith.constant 0 : i32
    %cond3A_11 = arith.cmpi ne, %convert_element_type3A, %cond3A : i32
    scf.if %cond3A_11 {
      "tpu.region"() ({
        %run_scoped3A = tpu.sem_alloc : memref<!tpu.dma_semaphore, #tpu.memory_space<semaphore_mem>>
        %dma_start3A_68 = arith.constant 0 : i32
        %dma_start3A_69 = tpu.memref_slice %arg3[%select_n3A, %dma_start3A_68] : memref<6400x128xi32, #tpu.memory_space<hbm>> -> memref<200x128xi32, #tpu.memory_space<hbm>>
        %dma_start3A_70 = arith.constant 0 : i32
        %dma_start3A_71 = tpu.memref_slice %arg3[%select_n3A, %dma_start3A_70] : memref<6400x128xi32, #tpu.memory_space<hbm>> -> memref<200x128xi32, #tpu.memory_space<hbm>>
        tpu.enqueue_dma source(%dma_start3A_71 : memref<200x128xi32, #tpu.memory_space<hbm>>) target(%arg5 : memref<200x128xi32, #tpu.memory_space<vmem>>) target_semaphore(%run_scoped3A : memref<!tpu.dma_semaphore, #tpu.memory_space<semaphore_mem>>)
        %dma_wait3A_72 = arith.constant 0 : i32
        %dma_wait3A_73 = tpu.memref_slice %arg3[%select_n3A, %dma_wait3A_72] : memref<6400x128xi32, #tpu.memory_space<hbm>> -> memref<200x128xi32, #tpu.memory_space<hbm>>
        %dma_wait3A_74 = arith.constant 0 : i32
        %dma_wait3A_75 = tpu.memref_slice %arg3[%select_n3A, %dma_wait3A_74] : memref<6400x128xi32, #tpu.memory_space<hbm>> -> memref<200x128xi32, #tpu.memory_space<hbm>>
        tpu.wait_dma2 semaphore(%run_scoped3A : memref<!tpu.dma_semaphore, #tpu.memory_space<semaphore_mem>>) src(%dma_wait3A_75 : memref<200x128xi32, #tpu.memory_space<hbm>>) dst(%arg5 : memref<200x128xi32, #tpu.memory_space<vmem>>)
        tpu.yield
      }) : () -> ()
    } else {
    }
    %eq3A_12 = arith.constant 1 : i32
    %eq3A_13 = arith.cmpi eq, %arg0, %eq3A_12 : i32
    %convert_element_type3A_14 = arith.extui %eq3A_13 : i1 to i32
    %cond3A_15 = arith.constant 0 : i32
    %cond3A_16 = arith.cmpi ne, %convert_element_type3A_14, %cond3A_15 : i32
    scf.if %cond3A_16 {
      "tpu.region"() ({
        %run_scoped3A = tpu.sem_alloc : memref<!tpu.dma_semaphore, #tpu.memory_space<semaphore_mem>>
        %dma_start3A_68 = arith.constant 0 : i32
        %dma_start3A_69 = arith.constant 0 : i32
        %dma_start3A_70 = tpu.memref_slice %arg5[%dma_start3A_68, %dma_start3A_69] : memref<200x128xi32, #tpu.memory_space<vmem>> -> memref<200x128xi32, #tpu.memory_space<vmem>>
        %dma_start3A_71 = arith.constant 0 : i32
        %dma_start3A_72 = tpu.memref_slice %arg3[%select_n3A, %dma_start3A_71] : memref<6400x128xi32, #tpu.memory_space<hbm>> -> memref<200x128xi32, #tpu.memory_space<hbm>>
        %dma_start3A_73 = arith.constant 0 : i32
        %dma_start3A_74 = arith.constant 0 : i32
        %dma_start3A_75 = tpu.memref_slice %arg5[%dma_start3A_73, %dma_start3A_74] : memref<200x128xi32, #tpu.memory_space<vmem>> -> memref<200x128xi32, #tpu.memory_space<vmem>>
        %dma_start3A_76 = arith.constant 0 : i32
        %dma_start3A_77 = tpu.memref_slice %arg3[%select_n3A, %dma_start3A_76] : memref<6400x128xi32, #tpu.memory_space<hbm>> -> memref<200x128xi32, #tpu.memory_space<hbm>>
        tpu.enqueue_dma source(%dma_start3A_77 : memref<200x128xi32, #tpu.memory_space<hbm>>) target(%dma_start3A_75 : memref<200x128xi32, #tpu.memory_space<vmem>>) target_semaphore(%run_scoped3A : memref<!tpu.dma_semaphore, #tpu.memory_space<semaphore_mem>>)
        %dma_wait3A_78 = arith.constant 0 : i32
        %dma_wait3A_79 = arith.constant 0 : i32
        %dma_wait3A_80 = tpu.memref_slice %arg5[%dma_wait3A_78, %dma_wait3A_79] : memref<200x128xi32, #tpu.memory_space<vmem>> -> memref<200x128xi32, #tpu.memory_space<vmem>>
        %dma_wait3A_81 = arith.constant 0 : i32
        %dma_wait3A_82 = tpu.memref_slice %arg3[%select_n3A, %dma_wait3A_81] : memref<6400x128xi32, #tpu.memory_space<hbm>> -> memref<200x128xi32, #tpu.memory_space<hbm>>
        %dma_wait3A_83 = arith.constant 0 : i32
        %dma_wait3A_84 = arith.constant 0 : i32
        %dma_wait3A_85 = tpu.memref_slice %arg5[%dma_wait3A_83, %dma_wait3A_84] : memref<200x128xi32, #tpu.memory_space<vmem>> -> memref<200x128xi32, #tpu.memory_space<vmem>>
        %dma_wait3A_86 = arith.constant 0 : i32
        %dma_wait3A_87 = tpu.memref_slice %arg3[%select_n3A, %dma_wait3A_86] : memref<6400x128xi32, #tpu.memory_space<hbm>> -> memref<200x128xi32, #tpu.memory_space<hbm>>
        tpu.wait_dma2 semaphore(%run_scoped3A : memref<!tpu.dma_semaphore, #tpu.memory_space<semaphore_mem>>) src(%dma_wait3A_87 : memref<200x128xi32, #tpu.memory_space<hbm>>) dst(%dma_wait3A_85 : memref<200x128xi32, #tpu.memory_space<vmem>>)
        tpu.yield
      }) : () -> ()
    } else {
    }
    %dma_start3A = arith.constant 0 : i32
    %dma_start3A_17 = arith.constant 0 : i32
    %dma_start3A_18 = arith.constant 0 : i32
    %dma_start3A_19 = tpu.memref_slice %arg6[%dma_start3A_17, %dma_start3A_18] : memref<512x128xf32, #tpu.memory_space<vmem>> -> memref<128x128xf32, #tpu.memory_space<vmem>>
    %dma_start3A_20 = arith.constant 0 : i32
    %dma_start3A_21 = tpu.memref_slice %arg5[%dma_start3A, %dma_start3A_20] : memref<200x128xi32, #tpu.memory_space<vmem>> -> memref<1x128xi32, #tpu.memory_space<vmem>>
    %dma_start3A_22 = tpu.memref_squeeze %dma_start3A_21 : memref<1x128xi32, #tpu.memory_space<vmem>> -> memref<128xi32, #tpu.memory_space<vmem>>
    %dma_start3A_23 = arith.constant 0 : i32
    %dma_start3A_24 = arith.constant 0 : i32
    %dma_start3A_25 = tpu.memref_slice %arg2[%dma_start3A_23, %dma_start3A_24] : memref<50000x128xf32, #tpu.memory_space<hbm>> -> memref<50000x128xf32, #tpu.memory_space<hbm>>
    tpu.enqueue_indirect_dma source(%dma_start3A_25 : memref<50000x128xf32, #tpu.memory_space<hbm>>) target(%dma_start3A_19 : memref<128x128xf32, #tpu.memory_space<vmem>>) offsets(%dma_start3A_22 : memref<128xi32, #tpu.memory_space<vmem>>) semaphore(%arg7 : memref<!tpu.dma_semaphore, #tpu.memory_space<semaphore_mem>>)
    %dma_start3A_26 = arith.constant 1 : i32
    %dma_start3A_27 = arith.constant 128 : i32
    %dma_start3A_28 = arith.constant 0 : i32
    %dma_start3A_29 = tpu.memref_slice %arg6[%dma_start3A_27, %dma_start3A_28] : memref<512x128xf32, #tpu.memory_space<vmem>> -> memref<128x128xf32, #tpu.memory_space<vmem>>
    %dma_start3A_30 = arith.constant 0 : i32
    %dma_start3A_31 = tpu.memref_slice %arg5[%dma_start3A_26, %dma_start3A_30] : memref<200x128xi32, #tpu.memory_space<vmem>> -> memref<1x128xi32, #tpu.memory_space<vmem>>
    %dma_start3A_32 = tpu.memref_squeeze %dma_start3A_31 : memref<1x128xi32, #tpu.memory_space<vmem>> -> memref<128xi32, #tpu.memory_space<vmem>>
    %dma_start3A_33 = arith.constant 0 : i32
    %dma_start3A_34 = arith.constant 0 : i32
    %dma_start3A_35 = tpu.memref_slice %arg2[%dma_start3A_33, %dma_start3A_34] : memref<50000x128xf32, #tpu.memory_space<hbm>> -> memref<50000x128xf32, #tpu.memory_space<hbm>>
    tpu.enqueue_indirect_dma source(%dma_start3A_35 : memref<50000x128xf32, #tpu.memory_space<hbm>>) target(%dma_start3A_29 : memref<128x128xf32, #tpu.memory_space<vmem>>) offsets(%dma_start3A_32 : memref<128xi32, #tpu.memory_space<vmem>>) semaphore(%arg7 : memref<!tpu.dma_semaphore, #tpu.memory_space<semaphore_mem>>)
    %while3A = arith.constant 0 : i32
    %while3A_36 = arith.constant 0 : i32
    %while3A_37 = arith.subi %select_n3A_8, %while3A_36 : i32
    %while3A_38 = arith.addi %while3A_36, %while3A_37 : i32
    %while3A_39 = arith.constant 1 : i32
    %while3A_40 = arith.divsi %while3A_37, %while3A_39 : i32
    %while3A_41 = arith.muli %while3A_40, %while3A_39 : i32
    %while3A_42 = arith.addi %while3A_36, %while3A_41 : i32
    %while3A_43 = arith.constant 1 : i32
    scf.for %while3A_68 = %while3A_36 to %while3A_42 step %while3A_43  : i32 {
      %mul3A_69 = arith.constant 2 : i32
      %mul3A_70 = arith.muli %mul3A_69, %while3A_68 : i32
      %dma_wait3A_71 = arith.constant 0 : i32
      %dma_wait3A_72 = arith.constant 0 : i32
      %dma_wait3A_73 = arith.constant 0 : i32
      %dma_wait3A_74 = tpu.memref_slice %arg6[%dma_wait3A_72, %dma_wait3A_73] : memref<512x128xf32, #tpu.memory_space<vmem>> -> memref<128x128xf32, #tpu.memory_space<vmem>>
      %dma_wait3A_75 = arith.constant 0 : i32
      %dma_wait3A_76 = tpu.memref_slice %arg5[%dma_wait3A_71, %dma_wait3A_75] : memref<200x128xi32, #tpu.memory_space<vmem>> -> memref<1x128xi32, #tpu.memory_space<vmem>>
      %dma_wait3A_77 = tpu.memref_squeeze %dma_wait3A_76 : memref<1x128xi32, #tpu.memory_space<vmem>> -> memref<128xi32, #tpu.memory_space<vmem>>
      %dma_wait3A_78 = arith.constant 0 : i32
      %dma_wait3A_79 = arith.constant 0 : i32
      %dma_wait3A_80 = tpu.memref_slice %arg2[%dma_wait3A_78, %dma_wait3A_79] : memref<50000x128xf32, #tpu.memory_space<hbm>> -> memref<50000x128xf32, #tpu.memory_space<hbm>>
      tpu.wait_indirect_dma semaphore(%arg7 : memref<!tpu.dma_semaphore, #tpu.memory_space<semaphore_mem>>) src(%dma_wait3A_80 : memref<50000x128xf32, #tpu.memory_space<hbm>>) dst(%dma_wait3A_74 : memref<128x128xf32, #tpu.memory_space<vmem>>)
      %dma_wait3A_81 = arith.constant 0 : i32
      %dma_wait3A_82 = arith.constant 0 : i32
      %dma_wait3A_83 = arith.constant 0 : i32
      %dma_wait3A_84 = tpu.memref_slice %arg6[%dma_wait3A_82, %dma_wait3A_83] : memref<512x128xf32, #tpu.memory_space<vmem>> -> memref<128x128xf32, #tpu.memory_space<vmem>>
      %dma_wait3A_85 = arith.constant 0 : i32
      %dma_wait3A_86 = tpu.memref_slice %arg5[%dma_wait3A_81, %dma_wait3A_85] : memref<200x128xi32, #tpu.memory_space<vmem>> -> memref<1x128xi32, #tpu.memory_space<vmem>>
      %dma_wait3A_87 = tpu.memref_squeeze %dma_wait3A_86 : memref<1x128xi32, #tpu.memory_space<vmem>> -> memref<128xi32, #tpu.memory_space<vmem>>
      %dma_wait3A_88 = arith.constant 0 : i32
      %dma_wait3A_89 = arith.constant 0 : i32
      %dma_wait3A_90 = tpu.memref_slice %arg2[%dma_wait3A_88, %dma_wait3A_89] : memref<50000x128xf32, #tpu.memory_space<hbm>> -> memref<50000x128xf32, #tpu.memory_space<hbm>>
      tpu.wait_indirect_dma semaphore(%arg7 : memref<!tpu.dma_semaphore, #tpu.memory_space<semaphore_mem>>) src(%dma_wait3A_90 : memref<50000x128xf32, #tpu.memory_space<hbm>>) dst(%dma_wait3A_84 : memref<128x128xf32, #tpu.memory_space<vmem>>)
      %gt3A = arith.constant 0 : i32
      %gt3A_91 = arith.cmpi sgt, %while3A_68, %gt3A : i32
      %convert_element_type3A_92 = arith.extui %gt3A_91 : i1 to i32
      %cond3A_93 = arith.constant 0 : i32
      %cond3A_94 = arith.cmpi ne, %convert_element_type3A_92, %cond3A_93 : i32
      scf.if %cond3A_94 {
        %mul3A_235 = arith.constant 128 : i32
        %mul3A_236 = arith.muli %select_n3A, %mul3A_235 : i32
        %dma_wait3A_237 = arith.constant 0 : i32
        %dma_wait3A_238 = arith.constant 0 : i32
        %dma_wait3A_239 = tpu.memref_slice %arg6[%dma_wait3A_237, %dma_wait3A_238] : memref<512x128xf32, #tpu.memory_space<vmem>> -> memref<128x128xf32, #tpu.memory_space<vmem>>
        %dma_wait3A_240 = arith.constant 0 : i32
        %dma_wait3A_241 = tpu.memref_slice %arg4[%mul3A_236, %dma_wait3A_240] : memref<819200x128xf32, #tpu.memory_space<hbm>> -> memref<128x128xf32, #tpu.memory_space<hbm>>
        %dma_wait3A_242 = arith.constant 0 : i32
        %dma_wait3A_243 = tpu.memref_slice %arg4[%mul3A_236, %dma_wait3A_242] : memref<819200x128xf32, #tpu.memory_space<hbm>> -> memref<128x128xf32, #tpu.memory_space<hbm>>
        %dma_wait3A_244 = arith.constant 0 : i32
        %dma_wait3A_245 = arith.constant 0 : i32
        %dma_wait3A_246 = tpu.memref_slice %arg6[%dma_wait3A_244, %dma_wait3A_245] : memref<512x128xf32, #tpu.memory_space<vmem>> -> memref<128x128xf32, #tpu.memory_space<vmem>>
        tpu.wait_dma2 semaphore(%arg8 : memref<!tpu.dma_semaphore, #tpu.memory_space<semaphore_mem>>) src(%dma_wait3A_246 : memref<128x128xf32, #tpu.memory_space<vmem>>) dst(%dma_wait3A_243 : memref<128x128xf32, #tpu.memory_space<hbm>>)
        %mul3A_247 = arith.constant 128 : i32
        %mul3A_248 = arith.muli %select_n3A, %mul3A_247 : i32
        %dma_wait3A_249 = arith.constant 0 : i32
        %dma_wait3A_250 = arith.constant 0 : i32
        %dma_wait3A_251 = tpu.memref_slice %arg6[%dma_wait3A_249, %dma_wait3A_250] : memref<512x128xf32, #tpu.memory_space<vmem>> -> memref<128x128xf32, #tpu.memory_space<vmem>>
        %dma_wait3A_252 = arith.constant 0 : i32
        %dma_wait3A_253 = tpu.memref_slice %arg4[%mul3A_248, %dma_wait3A_252] : memref<819200x128xf32, #tpu.memory_space<hbm>> -> memref<128x128xf32, #tpu.memory_space<hbm>>
        %dma_wait3A_254 = arith.constant 0 : i32
        %dma_wait3A_255 = tpu.memref_slice %arg4[%mul3A_248, %dma_wait3A_254] : memref<819200x128xf32, #tpu.memory_space<hbm>> -> memref<128x128xf32, #tpu.memory_space<hbm>>
        %dma_wait3A_256 = arith.constant 0 : i32
        %dma_wait3A_257 = arith.constant 0 : i32
        %dma_wait3A_258 = tpu.memref_slice %arg6[%dma_wait3A_256, %dma_wait3A_257] : memref<512x128xf32, #tpu.memory_space<vmem>> -> memref<128x128xf32, #tpu.memory_space<vmem>>
        tpu.wait_dma2 semaphore(%arg8 : memref<!tpu.dma_semaphore, #tpu.memory_space<semaphore_mem>>) src(%dma_wait3A_258 : memref<128x128xf32, #tpu.memory_space<vmem>>) dst(%dma_wait3A_255 : memref<128x128xf32, #tpu.memory_space<hbm>>)
      } else {
      }
      %add3A_95 = arith.constant 1 : i32
      %add3A_96 = arith.addi %mul3A_70, %add3A_95 : i32
      %mul3A_97 = arith.constant 2 : i32
      %mul3A_98 = arith.muli %add3A_96, %mul3A_97 : i32
      %add3A_99 = arith.constant 0 : i32
      %add3A_100 = arith.addi %mul3A_98, %add3A_99 : i32
      %dma_start3A_101 = arith.constant 256 : i32
      %dma_start3A_102 = arith.constant 0 : i32
      %dma_start3A_103 = tpu.memref_slice %arg6[%dma_start3A_101, %dma_start3A_102] : memref<512x128xf32, #tpu.memory_space<vmem>> -> memref<128x128xf32, #tpu.memory_space<vmem>>
      %dma_start3A_104 = arith.constant 0 : i32
      %dma_start3A_105 = tpu.memref_slice %arg5[%add3A_100, %dma_start3A_104] : memref<200x128xi32, #tpu.memory_space<vmem>> -> memref<1x128xi32, #tpu.memory_space<vmem>>
      %dma_start3A_106 = tpu.memref_squeeze %dma_start3A_105 : memref<1x128xi32, #tpu.memory_space<vmem>> -> memref<128xi32, #tpu.memory_space<vmem>>
      %dma_start3A_107 = arith.constant 0 : i32
      %dma_start3A_108 = arith.constant 0 : i32
      %dma_start3A_109 = tpu.memref_slice %arg2[%dma_start3A_107, %dma_start3A_108] : memref<50000x128xf32, #tpu.memory_space<hbm>> -> memref<50000x128xf32, #tpu.memory_space<hbm>>
      tpu.enqueue_indirect_dma source(%dma_start3A_109 : memref<50000x128xf32, #tpu.memory_space<hbm>>) target(%dma_start3A_103 : memref<128x128xf32, #tpu.memory_space<vmem>>) offsets(%dma_start3A_106 : memref<128xi32, #tpu.memory_space<vmem>>) semaphore(%arg7 : memref<!tpu.dma_semaphore, #tpu.memory_space<semaphore_mem>>)
      %add3A_110 = arith.constant 1 : i32
      %add3A_111 = arith.addi %mul3A_98, %add3A_110 : i32
      %dma_start3A_112 = arith.constant 384 : i32
      %dma_start3A_113 = arith.constant 0 : i32
      %dma_start3A_114 = tpu.memref_slice %arg6[%dma_start3A_112, %dma_start3A_113] : memref<512x128xf32, #tpu.memory_space<vmem>> -> memref<128x128xf32, #tpu.memory_space<vmem>>
      %dma_start3A_115 = arith.constant 0 : i32
      %dma_start3A_116 = tpu.memref_slice %arg5[%add3A_111, %dma_start3A_115] : memref<200x128xi32, #tpu.memory_space<vmem>> -> memref<1x128xi32, #tpu.memory_space<vmem>>
      %dma_start3A_117 = tpu.memref_squeeze %dma_start3A_116 : memref<1x128xi32, #tpu.memory_space<vmem>> -> memref<128xi32, #tpu.memory_space<vmem>>
      %dma_start3A_118 = arith.constant 0 : i32
      %dma_start3A_119 = arith.constant 0 : i32
      %dma_start3A_120 = tpu.memref_slice %arg2[%dma_start3A_118, %dma_start3A_119] : memref<50000x128xf32, #tpu.memory_space<hbm>> -> memref<50000x128xf32, #tpu.memory_space<hbm>>
      tpu.enqueue_indirect_dma source(%dma_start3A_120 : memref<50000x128xf32, #tpu.memory_space<hbm>>) target(%dma_start3A_114 : memref<128x128xf32, #tpu.memory_space<vmem>>) offsets(%dma_start3A_117 : memref<128xi32, #tpu.memory_space<vmem>>) semaphore(%arg7 : memref<!tpu.dma_semaphore, #tpu.memory_space<semaphore_mem>>)
      %mul3A_121 = arith.constant 2 : i32
      %mul3A_122 = arith.muli %mul3A_70, %mul3A_121 : i32
      %add3A_123 = arith.addi %select_n3A, %mul3A_122 : i32
      %add3A_124 = arith.constant 0 : i32
      %add3A_125 = arith.addi %add3A_123, %add3A_124 : i32
      %mul3A_126 = arith.constant 128 : i32
      %mul3A_127 = arith.muli %add3A_125, %mul3A_126 : i32
      %dma_start3A_128 = arith.constant 0 : i32
      %dma_start3A_129 = arith.constant 0 : i32
      %dma_start3A_130 = tpu.memref_slice %arg6[%dma_start3A_128, %dma_start3A_129] : memref<512x128xf32, #tpu.memory_space<vmem>> -> memref<128x128xf32, #tpu.memory_space<vmem>>
      %dma_start3A_131 = arith.constant 0 : i32
      %dma_start3A_132 = tpu.memref_slice %arg4[%mul3A_127, %dma_start3A_131] : memref<819200x128xf32, #tpu.memory_space<hbm>> -> memref<128x128xf32, #tpu.memory_space<hbm>>
      %dma_start3A_133 = arith.constant 0 : i32
      %dma_start3A_134 = tpu.memref_slice %arg4[%mul3A_127, %dma_start3A_133] : memref<819200x128xf32, #tpu.memory_space<hbm>> -> memref<128x128xf32, #tpu.memory_space<hbm>>
      %dma_start3A_135 = arith.constant 0 : i32
      %dma_start3A_136 = arith.constant 0 : i32
      %dma_start3A_137 = tpu.memref_slice %arg6[%dma_start3A_135, %dma_start3A_136] : memref<512x128xf32, #tpu.memory_space<vmem>> -> memref<128x128xf32, #tpu.memory_space<vmem>>
      tpu.enqueue_dma source(%dma_start3A_137 : memref<128x128xf32, #tpu.memory_space<vmem>>) target(%dma_start3A_134 : memref<128x128xf32, #tpu.memory_space<hbm>>) target_semaphore(%arg8 : memref<!tpu.dma_semaphore, #tpu.memory_space<semaphore_mem>>)
      %add3A_138 = arith.addi %select_n3A, %mul3A_122 : i32
      %add3A_139 = arith.constant 1 : i32
      %add3A_140 = arith.addi %add3A_138, %add3A_139 : i32
      %mul3A_141 = arith.constant 128 : i32
      %mul3A_142 = arith.muli %add3A_140, %mul3A_141 : i32
      %dma_start3A_143 = arith.constant 128 : i32
      %dma_start3A_144 = arith.constant 0 : i32
      %dma_start3A_145 = tpu.memref_slice %arg6[%dma_start3A_143, %dma_start3A_144] : memref<512x128xf32, #tpu.memory_space<vmem>> -> memref<128x128xf32, #tpu.memory_space<vmem>>
      %dma_start3A_146 = arith.constant 0 : i32
      %dma_start3A_147 = tpu.memref_slice %arg4[%mul3A_142, %dma_start3A_146] : memref<819200x128xf32, #tpu.memory_space<hbm>> -> memref<128x128xf32, #tpu.memory_space<hbm>>
      %dma_start3A_148 = arith.constant 0 : i32
      %dma_start3A_149 = tpu.memref_slice %arg4[%mul3A_142, %dma_start3A_148] : memref<819200x128xf32, #tpu.memory_space<hbm>> -> memref<128x128xf32, #tpu.memory_space<hbm>>
      %dma_start3A_150 = arith.constant 128 : i32
      %dma_start3A_151 = arith.constant 0 : i32
      %dma_start3A_152 = tpu.memref_slice %arg6[%dma_start3A_150, %dma_start3A_151] : memref<512x128xf32, #tpu.memory_space<vmem>> -> memref<128x128xf32, #tpu.memory_space<vmem>>
      tpu.enqueue_dma source(%dma_start3A_152 : memref<128x128xf32, #tpu.memory_space<vmem>>) target(%dma_start3A_149 : memref<128x128xf32, #tpu.memory_space<hbm>>) target_semaphore(%arg8 : memref<!tpu.dma_semaphore, #tpu.memory_space<semaphore_mem>>)
      %dma_wait3A_153 = arith.constant 0 : i32
      %dma_wait3A_154 = arith.constant 0 : i32
      %dma_wait3A_155 = arith.constant 0 : i32
      %dma_wait3A_156 = tpu.memref_slice %arg6[%dma_wait3A_154, %dma_wait3A_155] : memref<512x128xf32, #tpu.memory_space<vmem>> -> memref<128x128xf32, #tpu.memory_space<vmem>>
      %dma_wait3A_157 = arith.constant 0 : i32
      %dma_wait3A_158 = tpu.memref_slice %arg5[%dma_wait3A_153, %dma_wait3A_157] : memref<200x128xi32, #tpu.memory_space<vmem>> -> memref<1x128xi32, #tpu.memory_space<vmem>>
      %dma_wait3A_159 = tpu.memref_squeeze %dma_wait3A_158 : memref<1x128xi32, #tpu.memory_space<vmem>> -> memref<128xi32, #tpu.memory_space<vmem>>
      %dma_wait3A_160 = arith.constant 0 : i32
      %dma_wait3A_161 = arith.constant 0 : i32
      %dma_wait3A_162 = tpu.memref_slice %arg2[%dma_wait3A_160, %dma_wait3A_161] : memref<50000x128xf32, #tpu.memory_space<hbm>> -> memref<50000x128xf32, #tpu.memory_space<hbm>>
      tpu.wait_indirect_dma semaphore(%arg7 : memref<!tpu.dma_semaphore, #tpu.memory_space<semaphore_mem>>) src(%dma_wait3A_162 : memref<50000x128xf32, #tpu.memory_space<hbm>>) dst(%dma_wait3A_156 : memref<128x128xf32, #tpu.memory_space<vmem>>)
      %dma_wait3A_163 = arith.constant 0 : i32
      %dma_wait3A_164 = arith.constant 0 : i32
      %dma_wait3A_165 = arith.constant 0 : i32
      %dma_wait3A_166 = tpu.memref_slice %arg6[%dma_wait3A_164, %dma_wait3A_165] : memref<512x128xf32, #tpu.memory_space<vmem>> -> memref<128x128xf32, #tpu.memory_space<vmem>>
      %dma_wait3A_167 = arith.constant 0 : i32
      %dma_wait3A_168 = tpu.memref_slice %arg5[%dma_wait3A_163, %dma_wait3A_167] : memref<200x128xi32, #tpu.memory_space<vmem>> -> memref<1x128xi32, #tpu.memory_space<vmem>>
      %dma_wait3A_169 = tpu.memref_squeeze %dma_wait3A_168 : memref<1x128xi32, #tpu.memory_space<vmem>> -> memref<128xi32, #tpu.memory_space<vmem>>
      %dma_wait3A_170 = arith.constant 0 : i32
      %dma_wait3A_171 = arith.constant 0 : i32
      %dma_wait3A_172 = tpu.memref_slice %arg2[%dma_wait3A_170, %dma_wait3A_171] : memref<50000x128xf32, #tpu.memory_space<hbm>> -> memref<50000x128xf32, #tpu.memory_space<hbm>>
      tpu.wait_indirect_dma semaphore(%arg7 : memref<!tpu.dma_semaphore, #tpu.memory_space<semaphore_mem>>) src(%dma_wait3A_172 : memref<50000x128xf32, #tpu.memory_space<hbm>>) dst(%dma_wait3A_166 : memref<128x128xf32, #tpu.memory_space<vmem>>)
      %mul3A_173 = arith.constant 128 : i32
      %mul3A_174 = arith.muli %select_n3A, %mul3A_173 : i32
      %dma_wait3A_175 = arith.constant 0 : i32
      %dma_wait3A_176 = arith.constant 0 : i32
      %dma_wait3A_177 = tpu.memref_slice %arg6[%dma_wait3A_175, %dma_wait3A_176] : memref<512x128xf32, #tpu.memory_space<vmem>> -> memref<128x128xf32, #tpu.memory_space<vmem>>
      %dma_wait3A_178 = arith.constant 0 : i32
      %dma_wait3A_179 = tpu.memref_slice %arg4[%mul3A_174, %dma_wait3A_178] : memref<819200x128xf32, #tpu.memory_space<hbm>> -> memref<128x128xf32, #tpu.memory_space<hbm>>
      %dma_wait3A_180 = arith.constant 0 : i32
      %dma_wait3A_181 = tpu.memref_slice %arg4[%mul3A_174, %dma_wait3A_180] : memref<819200x128xf32, #tpu.memory_space<hbm>> -> memref<128x128xf32, #tpu.memory_space<hbm>>
      %dma_wait3A_182 = arith.constant 0 : i32
      %dma_wait3A_183 = arith.constant 0 : i32
      %dma_wait3A_184 = tpu.memref_slice %arg6[%dma_wait3A_182, %dma_wait3A_183] : memref<512x128xf32, #tpu.memory_space<vmem>> -> memref<128x128xf32, #tpu.memory_space<vmem>>
      tpu.wait_dma2 semaphore(%arg8 : memref<!tpu.dma_semaphore, #tpu.memory_space<semaphore_mem>>) src(%dma_wait3A_184 : memref<128x128xf32, #tpu.memory_space<vmem>>) dst(%dma_wait3A_181 : memref<128x128xf32, #tpu.memory_space<hbm>>)
      %mul3A_185 = arith.constant 128 : i32
      %mul3A_186 = arith.muli %select_n3A, %mul3A_185 : i32
      %dma_wait3A_187 = arith.constant 0 : i32
      %dma_wait3A_188 = arith.constant 0 : i32
      %dma_wait3A_189 = tpu.memref_slice %arg6[%dma_wait3A_187, %dma_wait3A_188] : memref<512x128xf32, #tpu.memory_space<vmem>> -> memref<128x128xf32, #tpu.memory_space<vmem>>
      %dma_wait3A_190 = arith.constant 0 : i32
      %dma_wait3A_191 = tpu.memref_slice %arg4[%mul3A_186, %dma_wait3A_190] : memref<819200x128xf32, #tpu.memory_space<hbm>> -> memref<128x128xf32, #tpu.memory_space<hbm>>
      %dma_wait3A_192 = arith.constant 0 : i32
      %dma_wait3A_193 = tpu.memref_slice %arg4[%mul3A_186, %dma_wait3A_192] : memref<819200x128xf32, #tpu.memory_space<hbm>> -> memref<128x128xf32, #tpu.memory_space<hbm>>
      %dma_wait3A_194 = arith.constant 0 : i32
      %dma_wait3A_195 = arith.constant 0 : i32
      %dma_wait3A_196 = tpu.memref_slice %arg6[%dma_wait3A_194, %dma_wait3A_195] : memref<512x128xf32, #tpu.memory_space<vmem>> -> memref<128x128xf32, #tpu.memory_space<vmem>>
      tpu.wait_dma2 semaphore(%arg8 : memref<!tpu.dma_semaphore, #tpu.memory_space<semaphore_mem>>) src(%dma_wait3A_196 : memref<128x128xf32, #tpu.memory_space<vmem>>) dst(%dma_wait3A_193 : memref<128x128xf32, #tpu.memory_space<hbm>>)
      %sub3A = arith.constant 1 : i32
      %sub3A_197 = arith.subi %select_n3A_8, %sub3A : i32
      %lt3A = arith.cmpi slt, %while3A_68, %sub3A_197 : i32
      %convert_element_type3A_198 = arith.extui %lt3A : i1 to i32
      %cond3A_199 = arith.constant 0 : i32
      %cond3A_200 = arith.cmpi ne, %convert_element_type3A_198, %cond3A_199 : i32
      scf.if %cond3A_200 {
        %add3A_235 = arith.constant 2 : i32
        %add3A_236 = arith.addi %mul3A_70, %add3A_235 : i32
        %mul3A_237 = arith.constant 2 : i32
        %mul3A_238 = arith.muli %add3A_236, %mul3A_237 : i32
        %add3A_239 = arith.constant 0 : i32
        %add3A_240 = arith.addi %mul3A_238, %add3A_239 : i32
        %dma_start3A_241 = arith.constant 0 : i32
        %dma_start3A_242 = arith.constant 0 : i32
        %dma_start3A_243 = tpu.memref_slice %arg6[%dma_start3A_241, %dma_start3A_242] : memref<512x128xf32, #tpu.memory_space<vmem>> -> memref<128x128xf32, #tpu.memory_space<vmem>>
        %dma_start3A_244 = arith.constant 0 : i32
        %dma_start3A_245 = tpu.memref_slice %arg5[%add3A_240, %dma_start3A_244] : memref<200x128xi32, #tpu.memory_space<vmem>> -> memref<1x128xi32, #tpu.memory_space<vmem>>
        %dma_start3A_246 = tpu.memref_squeeze %dma_start3A_245 : memref<1x128xi32, #tpu.memory_space<vmem>> -> memref<128xi32, #tpu.memory_space<vmem>>
        %dma_start3A_247 = arith.constant 0 : i32
        %dma_start3A_248 = arith.constant 0 : i32
        %dma_start3A_249 = tpu.memref_slice %arg2[%dma_start3A_247, %dma_start3A_248] : memref<50000x128xf32, #tpu.memory_space<hbm>> -> memref<50000x128xf32, #tpu.memory_space<hbm>>
        tpu.enqueue_indirect_dma source(%dma_start3A_249 : memref<50000x128xf32, #tpu.memory_space<hbm>>) target(%dma_start3A_243 : memref<128x128xf32, #tpu.memory_space<vmem>>) offsets(%dma_start3A_246 : memref<128xi32, #tpu.memory_space<vmem>>) semaphore(%arg7 : memref<!tpu.dma_semaphore, #tpu.memory_space<semaphore_mem>>)
        %add3A_250 = arith.constant 1 : i32
        %add3A_251 = arith.addi %mul3A_238, %add3A_250 : i32
        %dma_start3A_252 = arith.constant 128 : i32
        %dma_start3A_253 = arith.constant 0 : i32
        %dma_start3A_254 = tpu.memref_slice %arg6[%dma_start3A_252, %dma_start3A_253] : memref<512x128xf32, #tpu.memory_space<vmem>> -> memref<128x128xf32, #tpu.memory_space<vmem>>
        %dma_start3A_255 = arith.constant 0 : i32
        %dma_start3A_256 = tpu.memref_slice %arg5[%add3A_251, %dma_start3A_255] : memref<200x128xi32, #tpu.memory_space<vmem>> -> memref<1x128xi32, #tpu.memory_space<vmem>>
        %dma_start3A_257 = tpu.memref_squeeze %dma_start3A_256 : memref<1x128xi32, #tpu.memory_space<vmem>> -> memref<128xi32, #tpu.memory_space<vmem>>
        %dma_start3A_258 = arith.constant 0 : i32
        %dma_start3A_259 = arith.constant 0 : i32
        %dma_start3A_260 = tpu.memref_slice %arg2[%dma_start3A_258, %dma_start3A_259] : memref<50000x128xf32, #tpu.memory_space<hbm>> -> memref<50000x128xf32, #tpu.memory_space<hbm>>
        tpu.enqueue_indirect_dma source(%dma_start3A_260 : memref<50000x128xf32, #tpu.memory_space<hbm>>) target(%dma_start3A_254 : memref<128x128xf32, #tpu.memory_space<vmem>>) offsets(%dma_start3A_257 : memref<128xi32, #tpu.memory_space<vmem>>) semaphore(%arg7 : memref<!tpu.dma_semaphore, #tpu.memory_space<semaphore_mem>>)
      } else {
      }
      %add3A_201 = arith.constant 1 : i32
      %add3A_202 = arith.addi %mul3A_70, %add3A_201 : i32
      %mul3A_203 = arith.constant 2 : i32
      %mul3A_204 = arith.muli %add3A_202, %mul3A_203 : i32
      %add3A_205 = arith.addi %select_n3A, %mul3A_204 : i32
      %add3A_206 = arith.constant 0 : i32
      %add3A_207 = arith.addi %add3A_205, %add3A_206 : i32
      %mul3A_208 = arith.constant 128 : i32
      %mul3A_209 = arith.muli %add3A_207, %mul3A_208 : i32
      %dma_start3A_210 = arith.constant 256 : i32
      %dma_start3A_211 = arith.constant 0 : i32
      %dma_start3A_212 = tpu.memref_slice %arg6[%dma_start3A_210, %dma_start3A_211] : memref<512x128xf32, #tpu.memory_space<vmem>> -> memref<128x128xf32, #tpu.memory_space<vmem>>
      %dma_start3A_213 = arith.constant 0 : i32
      %dma_start3A_214 = tpu.memref_slice %arg4[%mul3A_209, %dma_start3A_213] : memref<819200x128xf32, #tpu.memory_space<hbm>> -> memref<128x128xf32, #tpu.memory_space<hbm>>
      %dma_start3A_215 = arith.constant 0 : i32
      %dma_start3A_216 = tpu.memref_slice %arg4[%mul3A_209, %dma_start3A_215] : memref<819200x128xf32, #tpu.memory_space<hbm>> -> memref<128x128xf32, #tpu.memory_space<hbm>>
      %dma_start3A_217 = arith.constant 256 : i32
      %dma_start3A_218 = arith.constant 0 : i32
      %dma_start3A_219 = tpu.memref_slice %arg6[%dma_start3A_217, %dma_start3A_218] : memref<512x128xf32, #tpu.memory_space<vmem>> -> memref<128x128xf32, #tpu.memory_space<vmem>>
      tpu.enqueue_dma source(%dma_start3A_219 : memref<128x128xf32, #tpu.memory_space<vmem>>) target(%dma_start3A_216 : memref<128x128xf32, #tpu.memory_space<hbm>>) target_semaphore(%arg8 : memref<!tpu.dma_semaphore, #tpu.memory_space<semaphore_mem>>)
      %add3A_220 = arith.addi %select_n3A, %mul3A_204 : i32
      %add3A_221 = arith.constant 1 : i32
      %add3A_222 = arith.addi %add3A_220, %add3A_221 : i32
      %mul3A_223 = arith.constant 128 : i32
      %mul3A_224 = arith.muli %add3A_222, %mul3A_223 : i32
      %dma_start3A_225 = arith.constant 384 : i32
      %dma_start3A_226 = arith.constant 0 : i32
      %dma_start3A_227 = tpu.memref_slice %arg6[%dma_start3A_225, %dma_start3A_226] : memref<512x128xf32, #tpu.memory_space<vmem>> -> memref<128x128xf32, #tpu.memory_space<vmem>>
      %dma_start3A_228 = arith.constant 0 : i32
      %dma_start3A_229 = tpu.memref_slice %arg4[%mul3A_224, %dma_start3A_228] : memref<819200x128xf32, #tpu.memory_space<hbm>> -> memref<128x128xf32, #tpu.memory_space<hbm>>
      %dma_start3A_230 = arith.constant 0 : i32
      %dma_start3A_231 = tpu.memref_slice %arg4[%mul3A_224, %dma_start3A_230] : memref<819200x128xf32, #tpu.memory_space<hbm>> -> memref<128x128xf32, #tpu.memory_space<hbm>>
      %dma_start3A_232 = arith.constant 384 : i32
      %dma_start3A_233 = arith.constant 0 : i32
      %dma_start3A_234 = tpu.memref_slice %arg6[%dma_start3A_232, %dma_start3A_233] : memref<512x128xf32, #tpu.memory_space<vmem>> -> memref<128x128xf32, #tpu.memory_space<vmem>>
      tpu.enqueue_dma source(%dma_start3A_234 : memref<128x128xf32, #tpu.memory_space<vmem>>) target(%dma_start3A_231 : memref<128x128xf32, #tpu.memory_space<hbm>>) target_semaphore(%arg8 : memref<!tpu.dma_semaphore, #tpu.memory_space<semaphore_mem>>)
    }
    %while3A_44 = arith.constant 1 : i32
    scf.for %while3A_68 = %while3A_42 to %while3A_38 step %while3A_44  : i32 {
      %mul3A_69 = arith.constant 2 : i32
      %mul3A_70 = arith.muli %mul3A_69, %while3A_68 : i32
      %dma_wait3A_71 = arith.constant 0 : i32
      %dma_wait3A_72 = arith.constant 0 : i32
      %dma_wait3A_73 = arith.constant 0 : i32
      %dma_wait3A_74 = tpu.memref_slice %arg6[%dma_wait3A_72, %dma_wait3A_73] : memref<512x128xf32, #tpu.memory_space<vmem>> -> memref<128x128xf32, #tpu.memory_space<vmem>>
      %dma_wait3A_75 = arith.constant 0 : i32
      %dma_wait3A_76 = tpu.memref_slice %arg5[%dma_wait3A_71, %dma_wait3A_75] : memref<200x128xi32, #tpu.memory_space<vmem>> -> memref<1x128xi32, #tpu.memory_space<vmem>>
      %dma_wait3A_77 = tpu.memref_squeeze %dma_wait3A_76 : memref<1x128xi32, #tpu.memory_space<vmem>> -> memref<128xi32, #tpu.memory_space<vmem>>
      %dma_wait3A_78 = arith.constant 0 : i32
      %dma_wait3A_79 = arith.constant 0 : i32
      %dma_wait3A_80 = tpu.memref_slice %arg2[%dma_wait3A_78, %dma_wait3A_79] : memref<50000x128xf32, #tpu.memory_space<hbm>> -> memref<50000x128xf32, #tpu.memory_space<hbm>>
      tpu.wait_indirect_dma semaphore(%arg7 : memref<!tpu.dma_semaphore, #tpu.memory_space<semaphore_mem>>) src(%dma_wait3A_80 : memref<50000x128xf32, #tpu.memory_space<hbm>>) dst(%dma_wait3A_74 : memref<128x128xf32, #tpu.memory_space<vmem>>)
      %dma_wait3A_81 = arith.constant 0 : i32
      %dma_wait3A_82 = arith.constant 0 : i32
      %dma_wait3A_83 = arith.constant 0 : i32
      %dma_wait3A_84 = tpu.memref_slice %arg6[%dma_wait3A_82, %dma_wait3A_83] : memref<512x128xf32, #tpu.memory_space<vmem>> -> memref<128x128xf32, #tpu.memory_space<vmem>>
      %dma_wait3A_85 = arith.constant 0 : i32
      %dma_wait3A_86 = tpu.memref_slice %arg5[%dma_wait3A_81, %dma_wait3A_85] : memref<200x128xi32, #tpu.memory_space<vmem>> -> memref<1x128xi32, #tpu.memory_space<vmem>>
      %dma_wait3A_87 = tpu.memref_squeeze %dma_wait3A_86 : memref<1x128xi32, #tpu.memory_space<vmem>> -> memref<128xi32, #tpu.memory_space<vmem>>
      %dma_wait3A_88 = arith.constant 0 : i32
      %dma_wait3A_89 = arith.constant 0 : i32
      %dma_wait3A_90 = tpu.memref_slice %arg2[%dma_wait3A_88, %dma_wait3A_89] : memref<50000x128xf32, #tpu.memory_space<hbm>> -> memref<50000x128xf32, #tpu.memory_space<hbm>>
      tpu.wait_indirect_dma semaphore(%arg7 : memref<!tpu.dma_semaphore, #tpu.memory_space<semaphore_mem>>) src(%dma_wait3A_90 : memref<50000x128xf32, #tpu.memory_space<hbm>>) dst(%dma_wait3A_84 : memref<128x128xf32, #tpu.memory_space<vmem>>)
      %gt3A = arith.constant 0 : i32
      %gt3A_91 = arith.cmpi sgt, %while3A_68, %gt3A : i32
      %convert_element_type3A_92 = arith.extui %gt3A_91 : i1 to i32
      %cond3A_93 = arith.constant 0 : i32
      %cond3A_94 = arith.cmpi ne, %convert_element_type3A_92, %cond3A_93 : i32
      scf.if %cond3A_94 {
        %mul3A_235 = arith.constant 128 : i32
        %mul3A_236 = arith.muli %select_n3A, %mul3A_235 : i32
        %dma_wait3A_237 = arith.constant 0 : i32
        %dma_wait3A_238 = arith.constant 0 : i32
        %dma_wait3A_239 = tpu.memref_slice %arg6[%dma_wait3A_237, %dma_wait3A_238] : memref<512x128xf32, #tpu.memory_space<vmem>> -> memref<128x128xf32, #tpu.memory_space<vmem>>
        %dma_wait3A_240 = arith.constant 0 : i32
        %dma_wait3A_241 = tpu.memref_slice %arg4[%mul3A_236, %dma_wait3A_240] : memref<819200x128xf32, #tpu.memory_space<hbm>> -> memref<128x128xf32, #tpu.memory_space<hbm>>
        %dma_wait3A_242 = arith.constant 0 : i32
        %dma_wait3A_243 = tpu.memref_slice %arg4[%mul3A_236, %dma_wait3A_242] : memref<819200x128xf32, #tpu.memory_space<hbm>> -> memref<128x128xf32, #tpu.memory_space<hbm>>
        %dma_wait3A_244 = arith.constant 0 : i32
        %dma_wait3A_245 = arith.constant 0 : i32
        %dma_wait3A_246 = tpu.memref_slice %arg6[%dma_wait3A_244, %dma_wait3A_245] : memref<512x128xf32, #tpu.memory_space<vmem>> -> memref<128x128xf32, #tpu.memory_space<vmem>>
        tpu.wait_dma2 semaphore(%arg8 : memref<!tpu.dma_semaphore, #tpu.memory_space<semaphore_mem>>) src(%dma_wait3A_246 : memref<128x128xf32, #tpu.memory_space<vmem>>) dst(%dma_wait3A_243 : memref<128x128xf32, #tpu.memory_space<hbm>>)
        %mul3A_247 = arith.constant 128 : i32
        %mul3A_248 = arith.muli %select_n3A, %mul3A_247 : i32
        %dma_wait3A_249 = arith.constant 0 : i32
        %dma_wait3A_250 = arith.constant 0 : i32
        %dma_wait3A_251 = tpu.memref_slice %arg6[%dma_wait3A_249, %dma_wait3A_250] : memref<512x128xf32, #tpu.memory_space<vmem>> -> memref<128x128xf32, #tpu.memory_space<vmem>>
        %dma_wait3A_252 = arith.constant 0 : i32
        %dma_wait3A_253 = tpu.memref_slice %arg4[%mul3A_248, %dma_wait3A_252] : memref<819200x128xf32, #tpu.memory_space<hbm>> -> memref<128x128xf32, #tpu.memory_space<hbm>>
        %dma_wait3A_254 = arith.constant 0 : i32
        %dma_wait3A_255 = tpu.memref_slice %arg4[%mul3A_248, %dma_wait3A_254] : memref<819200x128xf32, #tpu.memory_space<hbm>> -> memref<128x128xf32, #tpu.memory_space<hbm>>
        %dma_wait3A_256 = arith.constant 0 : i32
        %dma_wait3A_257 = arith.constant 0 : i32
        %dma_wait3A_258 = tpu.memref_slice %arg6[%dma_wait3A_256, %dma_wait3A_257] : memref<512x128xf32, #tpu.memory_space<vmem>> -> memref<128x128xf32, #tpu.memory_space<vmem>>
        tpu.wait_dma2 semaphore(%arg8 : memref<!tpu.dma_semaphore, #tpu.memory_space<semaphore_mem>>) src(%dma_wait3A_258 : memref<128x128xf32, #tpu.memory_space<vmem>>) dst(%dma_wait3A_255 : memref<128x128xf32, #tpu.memory_space<hbm>>)
      } else {
      }
      %add3A_95 = arith.constant 1 : i32
      %add3A_96 = arith.addi %mul3A_70, %add3A_95 : i32
      %mul3A_97 = arith.constant 2 : i32
      %mul3A_98 = arith.muli %add3A_96, %mul3A_97 : i32
      %add3A_99 = arith.constant 0 : i32
      %add3A_100 = arith.addi %mul3A_98, %add3A_99 : i32
      %dma_start3A_101 = arith.constant 256 : i32
      %dma_start3A_102 = arith.constant 0 : i32
      %dma_start3A_103 = tpu.memref_slice %arg6[%dma_start3A_101, %dma_start3A_102] : memref<512x128xf32, #tpu.memory_space<vmem>> -> memref<128x128xf32, #tpu.memory_space<vmem>>
      %dma_start3A_104 = arith.constant 0 : i32
      %dma_start3A_105 = tpu.memref_slice %arg5[%add3A_100, %dma_start3A_104] : memref<200x128xi32, #tpu.memory_space<vmem>> -> memref<1x128xi32, #tpu.memory_space<vmem>>
      %dma_start3A_106 = tpu.memref_squeeze %dma_start3A_105 : memref<1x128xi32, #tpu.memory_space<vmem>> -> memref<128xi32, #tpu.memory_space<vmem>>
      %dma_start3A_107 = arith.constant 0 : i32
      %dma_start3A_108 = arith.constant 0 : i32
      %dma_start3A_109 = tpu.memref_slice %arg2[%dma_start3A_107, %dma_start3A_108] : memref<50000x128xf32, #tpu.memory_space<hbm>> -> memref<50000x128xf32, #tpu.memory_space<hbm>>
      tpu.enqueue_indirect_dma source(%dma_start3A_109 : memref<50000x128xf32, #tpu.memory_space<hbm>>) target(%dma_start3A_103 : memref<128x128xf32, #tpu.memory_space<vmem>>) offsets(%dma_start3A_106 : memref<128xi32, #tpu.memory_space<vmem>>) semaphore(%arg7 : memref<!tpu.dma_semaphore, #tpu.memory_space<semaphore_mem>>)
      %add3A_110 = arith.constant 1 : i32
      %add3A_111 = arith.addi %mul3A_98, %add3A_110 : i32
      %dma_start3A_112 = arith.constant 384 : i32
      %dma_start3A_113 = arith.constant 0 : i32
      %dma_start3A_114 = tpu.memref_slice %arg6[%dma_start3A_112, %dma_start3A_113] : memref<512x128xf32, #tpu.memory_space<vmem>> -> memref<128x128xf32, #tpu.memory_space<vmem>>
      %dma_start3A_115 = arith.constant 0 : i32
      %dma_start3A_116 = tpu.memref_slice %arg5[%add3A_111, %dma_start3A_115] : memref<200x128xi32, #tpu.memory_space<vmem>> -> memref<1x128xi32, #tpu.memory_space<vmem>>
      %dma_start3A_117 = tpu.memref_squeeze %dma_start3A_116 : memref<1x128xi32, #tpu.memory_space<vmem>> -> memref<128xi32, #tpu.memory_space<vmem>>
      %dma_start3A_118 = arith.constant 0 : i32
      %dma_start3A_119 = arith.constant 0 : i32
      %dma_start3A_120 = tpu.memref_slice %arg2[%dma_start3A_118, %dma_start3A_119] : memref<50000x128xf32, #tpu.memory_space<hbm>> -> memref<50000x128xf32, #tpu.memory_space<hbm>>
      tpu.enqueue_indirect_dma source(%dma_start3A_120 : memref<50000x128xf32, #tpu.memory_space<hbm>>) target(%dma_start3A_114 : memref<128x128xf32, #tpu.memory_space<vmem>>) offsets(%dma_start3A_117 : memref<128xi32, #tpu.memory_space<vmem>>) semaphore(%arg7 : memref<!tpu.dma_semaphore, #tpu.memory_space<semaphore_mem>>)
      %mul3A_121 = arith.constant 2 : i32
      %mul3A_122 = arith.muli %mul3A_70, %mul3A_121 : i32
      %add3A_123 = arith.addi %select_n3A, %mul3A_122 : i32
      %add3A_124 = arith.constant 0 : i32
      %add3A_125 = arith.addi %add3A_123, %add3A_124 : i32
      %mul3A_126 = arith.constant 128 : i32
      %mul3A_127 = arith.muli %add3A_125, %mul3A_126 : i32
      %dma_start3A_128 = arith.constant 0 : i32
      %dma_start3A_129 = arith.constant 0 : i32
      %dma_start3A_130 = tpu.memref_slice %arg6[%dma_start3A_128, %dma_start3A_129] : memref<512x128xf32, #tpu.memory_space<vmem>> -> memref<128x128xf32, #tpu.memory_space<vmem>>
      %dma_start3A_131 = arith.constant 0 : i32
      %dma_start3A_132 = tpu.memref_slice %arg4[%mul3A_127, %dma_start3A_131] : memref<819200x128xf32, #tpu.memory_space<hbm>> -> memref<128x128xf32, #tpu.memory_space<hbm>>
      %dma_start3A_133 = arith.constant 0 : i32
      %dma_start3A_134 = tpu.memref_slice %arg4[%mul3A_127, %dma_start3A_133] : memref<819200x128xf32, #tpu.memory_space<hbm>> -> memref<128x128xf32, #tpu.memory_space<hbm>>
      %dma_start3A_135 = arith.constant 0 : i32
      %dma_start3A_136 = arith.constant 0 : i32
      %dma_start3A_137 = tpu.memref_slice %arg6[%dma_start3A_135, %dma_start3A_136] : memref<512x128xf32, #tpu.memory_space<vmem>> -> memref<128x128xf32, #tpu.memory_space<vmem>>
      tpu.enqueue_dma source(%dma_start3A_137 : memref<128x128xf32, #tpu.memory_space<vmem>>) target(%dma_start3A_134 : memref<128x128xf32, #tpu.memory_space<hbm>>) target_semaphore(%arg8 : memref<!tpu.dma_semaphore, #tpu.memory_space<semaphore_mem>>)
      %add3A_138 = arith.addi %select_n3A, %mul3A_122 : i32
      %add3A_139 = arith.constant 1 : i32
      %add3A_140 = arith.addi %add3A_138, %add3A_139 : i32
      %mul3A_141 = arith.constant 128 : i32
      %mul3A_142 = arith.muli %add3A_140, %mul3A_141 : i32
      %dma_start3A_143 = arith.constant 128 : i32
      %dma_start3A_144 = arith.constant 0 : i32
      %dma_start3A_145 = tpu.memref_slice %arg6[%dma_start3A_143, %dma_start3A_144] : memref<512x128xf32, #tpu.memory_space<vmem>> -> memref<128x128xf32, #tpu.memory_space<vmem>>
      %dma_start3A_146 = arith.constant 0 : i32
      %dma_start3A_147 = tpu.memref_slice %arg4[%mul3A_142, %dma_start3A_146] : memref<819200x128xf32, #tpu.memory_space<hbm>> -> memref<128x128xf32, #tpu.memory_space<hbm>>
      %dma_start3A_148 = arith.constant 0 : i32
      %dma_start3A_149 = tpu.memref_slice %arg4[%mul3A_142, %dma_start3A_148] : memref<819200x128xf32, #tpu.memory_space<hbm>> -> memref<128x128xf32, #tpu.memory_space<hbm>>
      %dma_start3A_150 = arith.constant 128 : i32
      %dma_start3A_151 = arith.constant 0 : i32
      %dma_start3A_152 = tpu.memref_slice %arg6[%dma_start3A_150, %dma_start3A_151] : memref<512x128xf32, #tpu.memory_space<vmem>> -> memref<128x128xf32, #tpu.memory_space<vmem>>
      tpu.enqueue_dma source(%dma_start3A_152 : memref<128x128xf32, #tpu.memory_space<vmem>>) target(%dma_start3A_149 : memref<128x128xf32, #tpu.memory_space<hbm>>) target_semaphore(%arg8 : memref<!tpu.dma_semaphore, #tpu.memory_space<semaphore_mem>>)
      %dma_wait3A_153 = arith.constant 0 : i32
      %dma_wait3A_154 = arith.constant 0 : i32
      %dma_wait3A_155 = arith.constant 0 : i32
      %dma_wait3A_156 = tpu.memref_slice %arg6[%dma_wait3A_154, %dma_wait3A_155] : memref<512x128xf32, #tpu.memory_space<vmem>> -> memref<128x128xf32, #tpu.memory_space<vmem>>
      %dma_wait3A_157 = arith.constant 0 : i32
      %dma_wait3A_158 = tpu.memref_slice %arg5[%dma_wait3A_153, %dma_wait3A_157] : memref<200x128xi32, #tpu.memory_space<vmem>> -> memref<1x128xi32, #tpu.memory_space<vmem>>
      %dma_wait3A_159 = tpu.memref_squeeze %dma_wait3A_158 : memref<1x128xi32, #tpu.memory_space<vmem>> -> memref<128xi32, #tpu.memory_space<vmem>>
      %dma_wait3A_160 = arith.constant 0 : i32
      %dma_wait3A_161 = arith.constant 0 : i32
      %dma_wait3A_162 = tpu.memref_slice %arg2[%dma_wait3A_160, %dma_wait3A_161] : memref<50000x128xf32, #tpu.memory_space<hbm>> -> memref<50000x128xf32, #tpu.memory_space<hbm>>
      tpu.wait_indirect_dma semaphore(%arg7 : memref<!tpu.dma_semaphore, #tpu.memory_space<semaphore_mem>>) src(%dma_wait3A_162 : memref<50000x128xf32, #tpu.memory_space<hbm>>) dst(%dma_wait3A_156 : memref<128x128xf32, #tpu.memory_space<vmem>>)
      %dma_wait3A_163 = arith.constant 0 : i32
      %dma_wait3A_164 = arith.constant 0 : i32
      %dma_wait3A_165 = arith.constant 0 : i32
      %dma_wait3A_166 = tpu.memref_slice %arg6[%dma_wait3A_164, %dma_wait3A_165] : memref<512x128xf32, #tpu.memory_space<vmem>> -> memref<128x128xf32, #tpu.memory_space<vmem>>
      %dma_wait3A_167 = arith.constant 0 : i32
      %dma_wait3A_168 = tpu.memref_slice %arg5[%dma_wait3A_163, %dma_wait3A_167] : memref<200x128xi32, #tpu.memory_space<vmem>> -> memref<1x128xi32, #tpu.memory_space<vmem>>
      %dma_wait3A_169 = tpu.memref_squeeze %dma_wait3A_168 : memref<1x128xi32, #tpu.memory_space<vmem>> -> memref<128xi32, #tpu.memory_space<vmem>>
      %dma_wait3A_170 = arith.constant 0 : i32
      %dma_wait3A_171 = arith.constant 0 : i32
      %dma_wait3A_172 = tpu.memref_slice %arg2[%dma_wait3A_170, %dma_wait3A_171] : memref<50000x128xf32, #tpu.memory_space<hbm>> -> memref<50000x128xf32, #tpu.memory_space<hbm>>
      tpu.wait_indirect_dma semaphore(%arg7 : memref<!tpu.dma_semaphore, #tpu.memory_space<semaphore_mem>>) src(%dma_wait3A_172 : memref<50000x128xf32, #tpu.memory_space<hbm>>) dst(%dma_wait3A_166 : memref<128x128xf32, #tpu.memory_space<vmem>>)
      %mul3A_173 = arith.constant 128 : i32
      %mul3A_174 = arith.muli %select_n3A, %mul3A_173 : i32
      %dma_wait3A_175 = arith.constant 0 : i32
      %dma_wait3A_176 = arith.constant 0 : i32
      %dma_wait3A_177 = tpu.memref_slice %arg6[%dma_wait3A_175, %dma_wait3A_176] : memref<512x128xf32, #tpu.memory_space<vmem>> -> memref<128x128xf32, #tpu.memory_space<vmem>>
      %dma_wait3A_178 = arith.constant 0 : i32
      %dma_wait3A_179 = tpu.memref_slice %arg4[%mul3A_174, %dma_wait3A_178] : memref<819200x128xf32, #tpu.memory_space<hbm>> -> memref<128x128xf32, #tpu.memory_space<hbm>>
      %dma_wait3A_180 = arith.constant 0 : i32
      %dma_wait3A_181 = tpu.memref_slice %arg4[%mul3A_174, %dma_wait3A_180] : memref<819200x128xf32, #tpu.memory_space<hbm>> -> memref<128x128xf32, #tpu.memory_space<hbm>>
      %dma_wait3A_182 = arith.constant 0 : i32
      %dma_wait3A_183 = arith.constant 0 : i32
      %dma_wait3A_184 = tpu.memref_slice %arg6[%dma_wait3A_182, %dma_wait3A_183] : memref<512x128xf32, #tpu.memory_space<vmem>> -> memref<128x128xf32, #tpu.memory_space<vmem>>
      tpu.wait_dma2 semaphore(%arg8 : memref<!tpu.dma_semaphore, #tpu.memory_space<semaphore_mem>>) src(%dma_wait3A_184 : memref<128x128xf32, #tpu.memory_space<vmem>>) dst(%dma_wait3A_181 : memref<128x128xf32, #tpu.memory_space<hbm>>)
      %mul3A_185 = arith.constant 128 : i32
      %mul3A_186 = arith.muli %select_n3A, %mul3A_185 : i32
      %dma_wait3A_187 = arith.constant 0 : i32
      %dma_wait3A_188 = arith.constant 0 : i32
      %dma_wait3A_189 = tpu.memref_slice %arg6[%dma_wait3A_187, %dma_wait3A_188] : memref<512x128xf32, #tpu.memory_space<vmem>> -> memref<128x128xf32, #tpu.memory_space<vmem>>
      %dma_wait3A_190 = arith.constant 0 : i32
      %dma_wait3A_191 = tpu.memref_slice %arg4[%mul3A_186, %dma_wait3A_190] : memref<819200x128xf32, #tpu.memory_space<hbm>> -> memref<128x128xf32, #tpu.memory_space<hbm>>
      %dma_wait3A_192 = arith.constant 0 : i32
      %dma_wait3A_193 = tpu.memref_slice %arg4[%mul3A_186, %dma_wait3A_192] : memref<819200x128xf32, #tpu.memory_space<hbm>> -> memref<128x128xf32, #tpu.memory_space<hbm>>
      %dma_wait3A_194 = arith.constant 0 : i32
      %dma_wait3A_195 = arith.constant 0 : i32
      %dma_wait3A_196 = tpu.memref_slice %arg6[%dma_wait3A_194, %dma_wait3A_195] : memref<512x128xf32, #tpu.memory_space<vmem>> -> memref<128x128xf32, #tpu.memory_space<vmem>>
      tpu.wait_dma2 semaphore(%arg8 : memref<!tpu.dma_semaphore, #tpu.memory_space<semaphore_mem>>) src(%dma_wait3A_196 : memref<128x128xf32, #tpu.memory_space<vmem>>) dst(%dma_wait3A_193 : memref<128x128xf32, #tpu.memory_space<hbm>>)
      %sub3A = arith.constant 1 : i32
      %sub3A_197 = arith.subi %select_n3A_8, %sub3A : i32
      %lt3A = arith.cmpi slt, %while3A_68, %sub3A_197 : i32
      %convert_element_type3A_198 = arith.extui %lt3A : i1 to i32
      %cond3A_199 = arith.constant 0 : i32
      %cond3A_200 = arith.cmpi ne, %convert_element_type3A_198, %cond3A_199 : i32
      scf.if %cond3A_200 {
        %add3A_235 = arith.constant 2 : i32
        %add3A_236 = arith.addi %mul3A_70, %add3A_235 : i32
        %mul3A_237 = arith.constant 2 : i32
        %mul3A_238 = arith.muli %add3A_236, %mul3A_237 : i32
        %add3A_239 = arith.constant 0 : i32
        %add3A_240 = arith.addi %mul3A_238, %add3A_239 : i32
        %dma_start3A_241 = arith.constant 0 : i32
        %dma_start3A_242 = arith.constant 0 : i32
        %dma_start3A_243 = tpu.memref_slice %arg6[%dma_start3A_241, %dma_start3A_242] : memref<512x128xf32, #tpu.memory_space<vmem>> -> memref<128x128xf32, #tpu.memory_space<vmem>>
        %dma_start3A_244 = arith.constant 0 : i32
        %dma_start3A_245 = tpu.memref_slice %arg5[%add3A_240, %dma_start3A_244] : memref<200x128xi32, #tpu.memory_space<vmem>> -> memref<1x128xi32, #tpu.memory_space<vmem>>
        %dma_start3A_246 = tpu.memref_squeeze %dma_start3A_245 : memref<1x128xi32, #tpu.memory_space<vmem>> -> memref<128xi32, #tpu.memory_space<vmem>>
        %dma_start3A_247 = arith.constant 0 : i32
        %dma_start3A_248 = arith.constant 0 : i32
        %dma_start3A_249 = tpu.memref_slice %arg2[%dma_start3A_247, %dma_start3A_248] : memref<50000x128xf32, #tpu.memory_space<hbm>> -> memref<50000x128xf32, #tpu.memory_space<hbm>>
        tpu.enqueue_indirect_dma source(%dma_start3A_249 : memref<50000x128xf32, #tpu.memory_space<hbm>>) target(%dma_start3A_243 : memref<128x128xf32, #tpu.memory_space<vmem>>) offsets(%dma_start3A_246 : memref<128xi32, #tpu.memory_space<vmem>>) semaphore(%arg7 : memref<!tpu.dma_semaphore, #tpu.memory_space<semaphore_mem>>)
        %add3A_250 = arith.constant 1 : i32
        %add3A_251 = arith.addi %mul3A_238, %add3A_250 : i32
        %dma_start3A_252 = arith.constant 128 : i32
        %dma_start3A_253 = arith.constant 0 : i32
        %dma_start3A_254 = tpu.memref_slice %arg6[%dma_start3A_252, %dma_start3A_253] : memref<512x128xf32, #tpu.memory_space<vmem>> -> memref<128x128xf32, #tpu.memory_space<vmem>>
        %dma_start3A_255 = arith.constant 0 : i32
        %dma_start3A_256 = tpu.memref_slice %arg5[%add3A_251, %dma_start3A_255] : memref<200x128xi32, #tpu.memory_space<vmem>> -> memref<1x128xi32, #tpu.memory_space<vmem>>
        %dma_start3A_257 = tpu.memref_squeeze %dma_start3A_256 : memref<1x128xi32, #tpu.memory_space<vmem>> -> memref<128xi32, #tpu.memory_space<vmem>>
        %dma_start3A_258 = arith.constant 0 : i32
        %dma_start3A_259 = arith.constant 0 : i32
        %dma_start3A_260 = tpu.memref_slice %arg2[%dma_start3A_258, %dma_start3A_259] : memref<50000x128xf32, #tpu.memory_space<hbm>> -> memref<50000x128xf32, #tpu.memory_space<hbm>>
        tpu.enqueue_indirect_dma source(%dma_start3A_260 : memref<50000x128xf32, #tpu.memory_space<hbm>>) target(%dma_start3A_254 : memref<128x128xf32, #tpu.memory_space<vmem>>) offsets(%dma_start3A_257 : memref<128xi32, #tpu.memory_space<vmem>>) semaphore(%arg7 : memref<!tpu.dma_semaphore, #tpu.memory_space<semaphore_mem>>)
      } else {
      }
      %add3A_201 = arith.constant 1 : i32
      %add3A_202 = arith.addi %mul3A_70, %add3A_201 : i32
      %mul3A_203 = arith.constant 2 : i32
      %mul3A_204 = arith.muli %add3A_202, %mul3A_203 : i32
      %add3A_205 = arith.addi %select_n3A, %mul3A_204 : i32
      %add3A_206 = arith.constant 0 : i32
      %add3A_207 = arith.addi %add3A_205, %add3A_206 : i32
      %mul3A_208 = arith.constant 128 : i32
      %mul3A_209 = arith.muli %add3A_207, %mul3A_208 : i32
      %dma_start3A_210 = arith.constant 256 : i32
      %dma_start3A_211 = arith.constant 0 : i32
      %dma_start3A_212 = tpu.memref_slice %arg6[%dma_start3A_210, %dma_start3A_211] : memref<512x128xf32, #tpu.memory_space<vmem>> -> memref<128x128xf32, #tpu.memory_space<vmem>>
      %dma_start3A_213 = arith.constant 0 : i32
      %dma_start3A_214 = tpu.memref_slice %arg4[%mul3A_209, %dma_start3A_213] : memref<819200x128xf32, #tpu.memory_space<hbm>> -> memref<128x128xf32, #tpu.memory_space<hbm>>
      %dma_start3A_215 = arith.constant 0 : i32
      %dma_start3A_216 = tpu.memref_slice %arg4[%mul3A_209, %dma_start3A_215] : memref<819200x128xf32, #tpu.memory_space<hbm>> -> memref<128x128xf32, #tpu.memory_space<hbm>>
      %dma_start3A_217 = arith.constant 256 : i32
      %dma_start3A_218 = arith.constant 0 : i32
      %dma_start3A_219 = tpu.memref_slice %arg6[%dma_start3A_217, %dma_start3A_218] : memref<512x128xf32, #tpu.memory_space<vmem>> -> memref<128x128xf32, #tpu.memory_space<vmem>>
      tpu.enqueue_dma source(%dma_start3A_219 : memref<128x128xf32, #tpu.memory_space<vmem>>) target(%dma_start3A_216 : memref<128x128xf32, #tpu.memory_space<hbm>>) target_semaphore(%arg8 : memref<!tpu.dma_semaphore, #tpu.memory_space<semaphore_mem>>)
      %add3A_220 = arith.addi %select_n3A, %mul3A_204 : i32
      %add3A_221 = arith.constant 1 : i32
      %add3A_222 = arith.addi %add3A_220, %add3A_221 : i32
      %mul3A_223 = arith.constant 128 : i32
      %mul3A_224 = arith.muli %add3A_222, %mul3A_223 : i32
      %dma_start3A_225 = arith.constant 384 : i32
      %dma_start3A_226 = arith.constant 0 : i32
      %dma_start3A_227 = tpu.memref_slice %arg6[%dma_start3A_225, %dma_start3A_226] : memref<512x128xf32, #tpu.memory_space<vmem>> -> memref<128x128xf32, #tpu.memory_space<vmem>>
      %dma_start3A_228 = arith.constant 0 : i32
      %dma_start3A_229 = tpu.memref_slice %arg4[%mul3A_224, %dma_start3A_228] : memref<819200x128xf32, #tpu.memory_space<hbm>> -> memref<128x128xf32, #tpu.memory_space<hbm>>
      %dma_start3A_230 = arith.constant 0 : i32
      %dma_start3A_231 = tpu.memref_slice %arg4[%mul3A_224, %dma_start3A_230] : memref<819200x128xf32, #tpu.memory_space<hbm>> -> memref<128x128xf32, #tpu.memory_space<hbm>>
      %dma_start3A_232 = arith.constant 384 : i32
      %dma_start3A_233 = arith.constant 0 : i32
      %dma_start3A_234 = tpu.memref_slice %arg6[%dma_start3A_232, %dma_start3A_233] : memref<512x128xf32, #tpu.memory_space<vmem>> -> memref<128x128xf32, #tpu.memory_space<vmem>>
      tpu.enqueue_dma source(%dma_start3A_234 : memref<128x128xf32, #tpu.memory_space<vmem>>) target(%dma_start3A_231 : memref<128x128xf32, #tpu.memory_space<hbm>>) target_semaphore(%arg8 : memref<!tpu.dma_semaphore, #tpu.memory_space<semaphore_mem>>)
    }
    %mul3A_45 = arith.constant 128 : i32
    %mul3A_46 = arith.muli %select_n3A, %mul3A_45 : i32
    %dma_wait3A = arith.constant 0 : i32
    %dma_wait3A_47 = arith.constant 0 : i32
    %dma_wait3A_48 = tpu.memref_slice %arg6[%dma_wait3A, %dma_wait3A_47] : memref<512x128xf32, #tpu.memory_space<vmem>> -> memref<128x128xf32, #tpu.memory_space<vmem>>
    %dma_wait3A_49 = arith.constant 0 : i32
    %dma_wait3A_50 = tpu.memref_slice %arg4[%mul3A_46, %dma_wait3A_49] : memref<819200x128xf32, #tpu.memory_space<hbm>> -> memref<128x128xf32, #tpu.memory_space<hbm>>
    %dma_wait3A_51 = arith.constant 0 : i32
    %dma_wait3A_52 = tpu.memref_slice %arg4[%mul3A_46, %dma_wait3A_51] : memref<819200x128xf32, #tpu.memory_space<hbm>> -> memref<128x128xf32, #tpu.memory_space<hbm>>
    %dma_wait3A_53 = arith.constant 0 : i32
    %dma_wait3A_54 = arith.constant 0 : i32
    %dma_wait3A_55 = tpu.memref_slice %arg6[%dma_wait3A_53, %dma_wait3A_54] : memref<512x128xf32, #tpu.memory_space<vmem>> -> memref<128x128xf32, #tpu.memory_space<vmem>>
    tpu.wait_dma2 semaphore(%arg8 : memref<!tpu.dma_semaphore, #tpu.memory_space<semaphore_mem>>) src(%dma_wait3A_55 : memref<128x128xf32, #tpu.memory_space<vmem>>) dst(%dma_wait3A_52 : memref<128x128xf32, #tpu.memory_space<hbm>>)
    %mul3A_56 = arith.constant 128 : i32
    %mul3A_57 = arith.muli %select_n3A, %mul3A_56 : i32
    %dma_wait3A_58 = arith.constant 0 : i32
    %dma_wait3A_59 = arith.constant 0 : i32
    %dma_wait3A_60 = tpu.memref_slice %arg6[%dma_wait3A_58, %dma_wait3A_59] : memref<512x128xf32, #tpu.memory_space<vmem>> -> memref<128x128xf32, #tpu.memory_space<vmem>>
    %dma_wait3A_61 = arith.constant 0 : i32
    %dma_wait3A_62 = tpu.memref_slice %arg4[%mul3A_57, %dma_wait3A_61] : memref<819200x128xf32, #tpu.memory_space<hbm>> -> memref<128x128xf32, #tpu.memory_space<hbm>>
    %dma_wait3A_63 = arith.constant 0 : i32
    %dma_wait3A_64 = tpu.memref_slice %arg4[%mul3A_57, %dma_wait3A_63] : memref<819200x128xf32, #tpu.memory_space<hbm>> -> memref<128x128xf32, #tpu.memory_space<hbm>>
    %dma_wait3A_65 = arith.constant 0 : i32
    %dma_wait3A_66 = arith.constant 0 : i32
    %dma_wait3A_67 = tpu.memref_slice %arg6[%dma_wait3A_65, %dma_wait3A_66] : memref<512x128xf32, #tpu.memory_space<vmem>> -> memref<128x128xf32, #tpu.memory_space<vmem>>
    tpu.wait_dma2 semaphore(%arg8 : memref<!tpu.dma_semaphore, #tpu.memory_space<semaphore_mem>>) src(%dma_wait3A_67 : memref<128x128xf32, #tpu.memory_space<vmem>>) dst(%dma_wait3A_64 : memref<128x128xf32, #tpu.memory_space<hbm>>)
    return
  }
}

module attributes {stable_mosaic.version = 14 : i64} {
  func.func @_embed_body(%arg0: i32, %arg1: memref<1x1x400xi32, #tpu.memory_space<vmem>>, %arg2: memref<128x128xf32, #tpu.memory_space<vmem>>, %arg3: memref<64x128xf32, #tpu.memory_space<vmem>>, %arg4: memref<400x64xf32, #tpu.memory_space<vmem>>, %arg5: memref<400x128xf32, #tpu.memory_space<vmem>>) attributes {dimension_semantics = [#tpu.dimension_semantics<arbitrary>], iteration_bounds = array<i64: 125>, scalar_prefetch = 0 : i64, scratch_operands = 0 : i64, tpu.core_type = #tpu.core_type<tc>, window_params = [{transform_indices = @transform_0, window_bounds = array<i64: 1, 1, 400>}, {pipeline_mode = #tpu.pipeline_mode<synchronous>, transform_indices = @transform_1, window_bounds = array<i64: 128, 128>}, {pipeline_mode = #tpu.pipeline_mode<synchronous>, transform_indices = @transform_2, window_bounds = array<i64: 64, 128>}, {transform_indices = @transform_3, window_bounds = array<i64: 400, 64>}, {transform_indices = @transform_4, window_bounds = array<i64: 400, 128>}]} {
    %get3A = arith.constant 0 : index
    %get3A_0 = arith.constant 0 : index
    %get3A_1 = arith.constant 0 : index
    %get3A_2 = vector.load %arg1[%get3A, %get3A_0, %get3A_1] : memref<1x1x400xi32, #tpu.memory_space<vmem>>, vector<1x1x400xi32>
    %reshape3A = vector.shape_cast %get3A_2 : vector<1x1x400xi32> to vector<1x400xi32>
    %iota3A = tpu.iota {dimensions = array<i32: 0>} : vector<128x400xi32>
    %eq3A = vector.broadcast %reshape3A : vector<1x400xi32> to vector<128x400xi32>
    %eq3A_3 = arith.cmpi eq, %eq3A, %iota3A : vector<128x400xi32>
    %convert_element_type3A = arith.extui %eq3A_3 : vector<128x400xi1> to vector<128x400xi32>
    %convert_element_type3A_4 = arith.sitofp %convert_element_type3A : vector<128x400xi32> to vector<128x400xf32>
    %get3A_5 = arith.constant 0 : index
    %get3A_6 = arith.constant 0 : index
    %get3A_7 = vector.load %arg2[%get3A_5, %get3A_6] : memref<128x128xf32, #tpu.memory_space<vmem>>, vector<128x128xf32>
    %dot_general3A = arith.constant dense<0.000000e+00> : vector<400x128xf32>
    %dot_general3A_8 = tpu.matmul %convert_element_type3A_4, %get3A_7, %dot_general3A {dimension_numbers = #tpu.dot_dimension_numbers<[0], [0], [1], [1], [0, 1, 1, 1], [], []>, precision = #tpu.contract_precision<fp32>, transpose_lhs_hint = false} : vector<128x400xf32>, vector<128x128xf32>, vector<400x128xf32> -> vector<400x128xf32>
    %slice3A = vector.extract_strided_slice %dot_general3A_8 {offsets = [0, 0], sizes = [400, 64], strides = [1, 1]} : vector<400x128xf32> to vector<400x64xf32>
    %swap3A = arith.constant 0 : index
    %swap3A_9 = arith.constant 0 : index
    %swap3A_10 = vector.load %arg4[%swap3A, %swap3A_9] : memref<400x64xf32, #tpu.memory_space<vmem>>, vector<400x64xf32>
    tpu.vector_store %arg4[%swap3A, %swap3A_9], %slice3A {strides = array<i32>} : memref<400x64xf32, #tpu.memory_space<vmem>>, vector<400x64xf32>,
    %get3A_11 = arith.constant 0 : index
    %get3A_12 = arith.constant 0 : index
    %get3A_13 = vector.load %arg3[%get3A_11, %get3A_12] : memref<64x128xf32, #tpu.memory_space<vmem>>, vector<64x128xf32>
    %dot_general3A_14 = arith.constant dense<0.000000e+00> : vector<400x128xf32>
    %dot_general3A_15 = tpu.matmul %slice3A, %get3A_13, %dot_general3A_14 {dimension_numbers = #tpu.dot_dimension_numbers<[1], [0], [0], [1], [0, 0, 1, 1], [], []>, transpose_lhs_hint = false} : vector<400x64xf32>, vector<64x128xf32>, vector<400x128xf32> -> vector<400x128xf32>
    %swap3A_16 = arith.constant 0 : index
    %swap3A_17 = arith.constant 0 : index
    %swap3A_18 = vector.load %arg5[%swap3A_16, %swap3A_17] : memref<400x128xf32, #tpu.memory_space<vmem>>, vector<400x128xf32>
    tpu.vector_store %arg5[%swap3A_16, %swap3A_17], %dot_general3A_15 {strides = array<i32>} : memref<400x128xf32, #tpu.memory_space<vmem>>, vector<400x128xf32>,
    return
  }
  func.func @transform_0(%arg0: i32) -> (i32, i32, i32) {
    %c0_i32 = arith.constant 0 : i32
    %c0_i32_0 = arith.constant 0 : i32
    %c0_i32_1 = arith.constant 0 : i32
    return %arg0, %c0_i32, %c0_i32_0 : i32, i32, i32
  }
  func.func @transform_1(%arg0: i32) -> (i32, i32) {
    %c0_i32 = arith.constant 0 : i32
    %c0_i32_0 = arith.constant 0 : i32
    %c0_i32_1 = arith.constant 0 : i32
    return %c0_i32, %c0_i32_0 : i32, i32
  }
  func.func @transform_2(%arg0: i32) -> (i32, i32) {
    %c0_i32 = arith.constant 0 : i32
    %c0_i32_0 = arith.constant 0 : i32
    %c0_i32_1 = arith.constant 0 : i32
    return %c0_i32, %c0_i32_0 : i32, i32
  }
  func.func @transform_3(%arg0: i32) -> (i32, i32) {
    %c0_i32 = arith.constant 0 : i32
    %c0_i32_0 = arith.constant 0 : i32
    return %arg0, %c0_i32 : i32, i32
  }
  func.func @transform_4(%arg0: i32) -> (i32, i32) {
    %c0_i32 = arith.constant 0 : i32
    %c0_i32_0 = arith.constant 0 : i32
    return %arg0, %c0_i32 : i32, i32
  }
}

module attributes {stable_mosaic.version = 14 : i64} {
  func.func @_conv_body(%arg0: i32, %arg1: memref<400x64xf32, #tpu.memory_space<vmem>>, %arg2: memref<6400x128xf32, #tpu.memory_space<vmem>>, %arg3: memref<6400x16xf32, #tpu.memory_space<vmem>>, %arg4: memref<64x128xf32, #tpu.memory_space<vmem>>, %arg5: memref<16x128xf32, #tpu.memory_space<vmem>>, %arg6: memref<1x128xf32, #tpu.memory_space<vmem>>, %arg7: memref<400x64xf32, #tpu.memory_space<vmem>>, %arg8: memref<8x64xf32, #tpu.memory_space<vmem>>, %arg9: memref<8x64xf32, #tpu.memory_space<vmem>>) attributes {dimension_semantics = [#tpu.dimension_semantics<arbitrary>], iteration_bounds = array<i64: 125>, scalar_prefetch = 0 : i64, scratch_operands = 0 : i64, tpu.core_type = #tpu.core_type<tc>, window_params = [{transform_indices = @transform_0, window_bounds = array<i64: 400, 64>}, {transform_indices = @transform_1, window_bounds = array<i64: 6400, 128>}, {transform_indices = @transform_2, window_bounds = array<i64: 6400, 16>}, {pipeline_mode = #tpu.pipeline_mode<synchronous>, transform_indices = @transform_3, window_bounds = array<i64: 64, 128>}, {pipeline_mode = #tpu.pipeline_mode<synchronous>, transform_indices = @transform_4, window_bounds = array<i64: 16, 128>}, {pipeline_mode = #tpu.pipeline_mode<synchronous>, transform_indices = @transform_5, window_bounds = array<i64: 1, 128>}, {transform_indices = @transform_6, window_bounds = array<i64: 400, 64>}, {transform_indices = @transform_7, window_bounds = array<i64: 8, 64>}, {transform_indices = @transform_8, window_bounds = array<i64: 8, 64>}]} {
    %get3A = arith.constant 0 : index
    %get3A_0 = arith.constant 0 : index
    %get3A_1 = vector.load %arg1[%get3A, %get3A_0] : memref<400x64xf32, #tpu.memory_space<vmem>>, vector<400x64xf32>
    %get3A_2 = arith.constant 0 : index
    %get3A_3 = arith.constant 0 : index
    %get3A_4 = vector.load %arg4[%get3A_2, %get3A_3] : memref<64x128xf32, #tpu.memory_space<vmem>>, vector<64x128xf32>
    %dot_general3A = arith.constant dense<0.000000e+00> : vector<400x128xf32>
    %dot_general3A_5 = tpu.matmul %get3A_1, %get3A_4, %dot_general3A {dimension_numbers = #tpu.dot_dimension_numbers<[1], [0], [0], [1], [0, 0, 1, 1], [], []>, transpose_lhs_hint = false} : vector<400x64xf32>, vector<64x128xf32>, vector<400x128xf32> -> vector<400x128xf32>
    %get3A_6 = arith.constant 0 : index
    %get3A_7 = arith.constant 0 : index
    %get3A_8 = vector.load %arg6[%get3A_6, %get3A_7] : memref<1x128xf32, #tpu.memory_space<vmem>>, vector<1x128xf32>
    %add3A = vector.broadcast %get3A_8 : vector<1x128xf32> to vector<400x128xf32>
    %add3A_9 = arith.addf %dot_general3A_5, %add3A : vector<400x128xf32>
    %get3A_10 = arith.constant 0 : index
    %get3A_11 = arith.constant 0 : index
    %get3A_12 = vector.load %arg2[%get3A_10, %get3A_11] : memref<6400x128xf32, #tpu.memory_space<vmem>>, vector<6400x128xf32>
    %get3A_13 = arith.constant 0 : index
    %get3A_14 = arith.constant 0 : index
    %get3A_15 = vector.load %arg3[%get3A_13, %get3A_14] : memref<6400x16xf32, #tpu.memory_space<vmem>>, vector<6400x16xf32>
    %get3A_16 = arith.constant 0 : index
    %get3A_17 = arith.constant 0 : index
    %get3A_18 = vector.load %arg5[%get3A_16, %get3A_17] : memref<16x128xf32, #tpu.memory_space<vmem>>, vector<16x128xf32>
    %dot_general3A_19 = arith.constant dense<0.000000e+00> : vector<6400x128xf32>
    %dot_general3A_20 = tpu.matmul %get3A_15, %get3A_18, %dot_general3A_19 {dimension_numbers = #tpu.dot_dimension_numbers<[1], [0], [0], [1], [0, 0, 1, 1], [], []>, transpose_lhs_hint = false} : vector<6400x16xf32>, vector<16x128xf32>, vector<6400x128xf32> -> vector<6400x128xf32>
    %add3A_21 = arith.addf %get3A_12, %dot_general3A_20 : vector<6400x128xf32>
    %reshape3A = vector.shape_cast %add3A_21 : vector<6400x128xf32> to vector<400x16x128xf32>
    %broadcast_in_dim3A = vector.shape_cast %add3A_9 : vector<400x128xf32> to vector<400x1x128xf32>
    %add3A_22 = vector.broadcast %broadcast_in_dim3A : vector<400x1x128xf32> to vector<400x16x128xf32>
    %add3A_23 = arith.addf %reshape3A, %add3A_22 : vector<400x16x128xf32>
    %slice3A = vector.extract_strided_slice %add3A_23 {offsets = [0, 0, 0], sizes = [400, 16, 64], strides = [1, 1, 1]} : vector<400x16x128xf32> to vector<400x16x64xf32>
    %neg3A = arith.constant 0.000000e+00 : f32
    %neg3A_24 = vector.broadcast %neg3A : f32 to vector<400x16x64xf32>
    %neg3A_25 = arith.subf %neg3A_24, %slice3A : vector<400x16x64xf32>
    %exp3A = math.exp %neg3A_25 : vector<400x16x64xf32>
    %add3A_26 = arith.constant 1.000000e+00 : f32
    %add3A_27 = vector.broadcast %add3A_26 : f32 to vector<400x16x64xf32>
    %add3A_28 = arith.addf %add3A_27, %exp3A : vector<400x16x64xf32>
    %div3A = arith.constant 1.000000e+00 : f32
    %div3A_29 = vector.broadcast %div3A : f32 to vector<400x16x64xf32>
    %div3A_30 = arith.divf %div3A_29, %add3A_28 : vector<400x16x64xf32>
    %slice3A_31 = vector.extract_strided_slice %add3A_23 {offsets = [0, 0, 64], sizes = [400, 16, 64], strides = [1, 1, 1]} : vector<400x16x128xf32> to vector<400x16x64xf32>
    %max3A = arith.constant 0.000000e+00 : f32
    %max3A_32 = vector.broadcast %max3A : f32 to vector<400x16x64xf32>
    %max3A_33 = arith.maximumf %slice3A_31, %max3A_32 : vector<400x16x64xf32>
    %abs3A = math.absf %slice3A_31 : vector<400x16x64xf32>
    %neg3A_34 = arith.constant 0.000000e+00 : f32
    %neg3A_35 = vector.broadcast %neg3A_34 : f32 to vector<400x16x64xf32>
    %neg3A_36 = arith.subf %neg3A_35, %abs3A : vector<400x16x64xf32>
    %exp3A_37 = math.exp %neg3A_36 : vector<400x16x64xf32>
    %log1p3A = math.log1p %exp3A_37 : vector<400x16x64xf32>
    %add3A_38 = arith.addf %max3A_33, %log1p3A : vector<400x16x64xf32>
    %mul3A = arith.mulf %div3A_30, %add3A_38 : vector<400x16x64xf32>
    %reduce_sum3A = arith.constant dense<0.000000e+00> : vector<400x64xf32>
    %reduce_sum3A_39 = vector.multi_reduction <add>, %mul3A, %reduce_sum3A [1] : vector<400x16x64xf32> to vector<400x64xf32>
    %add3A_40 = arith.addf %get3A_1, %reduce_sum3A_39 : vector<400x64xf32>
    %swap3A = arith.constant 0 : index
    %swap3A_41 = arith.constant 0 : index
    %swap3A_42 = vector.load %arg7[%swap3A, %swap3A_41] : memref<400x64xf32, #tpu.memory_space<vmem>>, vector<400x64xf32>
    tpu.vector_store %arg7[%swap3A, %swap3A_41], %add3A_40 {strides = array<i32>} : memref<400x64xf32, #tpu.memory_space<vmem>>, vector<400x64xf32>,
    %reduce_sum3A_43 = arith.constant dense<0.000000e+00> : vector<64xf32>
    %reduce_sum3A_44 = vector.multi_reduction <add>, %add3A_40, %reduce_sum3A_43 [0] : vector<400x64xf32> to vector<64xf32>
    %broadcast_in_dim3A_45 = vector.shape_cast %reduce_sum3A_44 : vector<64xf32> to vector<1x64xf32>
    %broadcast_in_dim3A_46 = vector.shape_cast %broadcast_in_dim3A_45 : vector<1x64xf32> to vector<1x64xf32>
    %broadcast_in_dim3A_47 = vector.broadcast %broadcast_in_dim3A_46 : vector<1x64xf32> to vector<8x64xf32>
    %swap3A_48 = arith.constant 0 : index
    %swap3A_49 = arith.constant 0 : index
    %swap3A_50 = vector.load %arg8[%swap3A_48, %swap3A_49] : memref<8x64xf32, #tpu.memory_space<vmem>>, vector<8x64xf32>
    tpu.vector_store %arg8[%swap3A_48, %swap3A_49], %broadcast_in_dim3A_47 {strides = array<i32>} : memref<8x64xf32, #tpu.memory_space<vmem>>, vector<8x64xf32>,
    %mul3A_51 = arith.mulf %add3A_40, %add3A_40 : vector<400x64xf32>
    %reduce_sum3A_52 = arith.constant dense<0.000000e+00> : vector<64xf32>
    %reduce_sum3A_53 = vector.multi_reduction <add>, %mul3A_51, %reduce_sum3A_52 [0] : vector<400x64xf32> to vector<64xf32>
    %broadcast_in_dim3A_54 = vector.shape_cast %reduce_sum3A_53 : vector<64xf32> to vector<1x64xf32>
    %broadcast_in_dim3A_55 = vector.shape_cast %broadcast_in_dim3A_54 : vector<1x64xf32> to vector<1x64xf32>
    %broadcast_in_dim3A_56 = vector.broadcast %broadcast_in_dim3A_55 : vector<1x64xf32> to vector<8x64xf32>
    %swap3A_57 = arith.constant 0 : index
    %swap3A_58 = arith.constant 0 : index
    %swap3A_59 = vector.load %arg9[%swap3A_57, %swap3A_58] : memref<8x64xf32, #tpu.memory_space<vmem>>, vector<8x64xf32>
    tpu.vector_store %arg9[%swap3A_57, %swap3A_58], %broadcast_in_dim3A_56 {strides = array<i32>} : memref<8x64xf32, #tpu.memory_space<vmem>>, vector<8x64xf32>,
    return
  }
  func.func @transform_0(%arg0: i32) -> (i32, i32) {
    %c0_i32 = arith.constant 0 : i32
    %c0_i32_0 = arith.constant 0 : i32
    return %arg0, %c0_i32 : i32, i32
  }
  func.func @transform_1(%arg0: i32) -> (i32, i32) {
    %c0_i32 = arith.constant 0 : i32
    %c0_i32_0 = arith.constant 0 : i32
    return %arg0, %c0_i32 : i32, i32
  }
  func.func @transform_2(%arg0: i32) -> (i32, i32) {
    %c0_i32 = arith.constant 0 : i32
    %c0_i32_0 = arith.constant 0 : i32
    return %arg0, %c0_i32 : i32, i32
  }
  func.func @transform_3(%arg0: i32) -> (i32, i32) {
    %c0_i32 = arith.constant 0 : i32
    %c0_i32_0 = arith.constant 0 : i32
    %c0_i32_1 = arith.constant 0 : i32
    return %c0_i32, %c0_i32_0 : i32, i32
  }
  func.func @transform_4(%arg0: i32) -> (i32, i32) {
    %c0_i32 = arith.constant 0 : i32
    %c0_i32_0 = arith.constant 0 : i32
    %c0_i32_1 = arith.constant 0 : i32
    return %c0_i32, %c0_i32_0 : i32, i32
  }
  func.func @transform_5(%arg0: i32) -> (i32, i32) {
    %c0_i32 = arith.constant 0 : i32
    %c0_i32_0 = arith.constant 0 : i32
    %c0_i32_1 = arith.constant 0 : i32
    return %c0_i32, %c0_i32_0 : i32, i32
  }
  func.func @transform_6(%arg0: i32) -> (i32, i32) {
    %c0_i32 = arith.constant 0 : i32
    %c0_i32_0 = arith.constant 0 : i32
    return %arg0, %c0_i32 : i32, i32
  }
  func.func @transform_7(%arg0: i32) -> (i32, i32) {
    %c0_i32 = arith.constant 0 : i32
    %c0_i32_0 = arith.constant 0 : i32
    return %arg0, %c0_i32 : i32, i32
  }
  func.func @transform_8(%arg0: i32) -> (i32, i32) {
    %c0_i32 = arith.constant 0 : i32
    %c0_i32_0 = arith.constant 0 : i32
    return %arg0, %c0_i32 : i32, i32
  }
}

module attributes {stable_mosaic.version = 14 : i64} {
  func.func @_var_body(%arg0: i32, %arg1: memref<400x64xf32, #tpu.memory_space<vmem>>, %arg2: memref<1000x64xf32, #tpu.memory_space<vmem>>, %arg3: memref<8x64xf32, #tpu.memory_space<vmem>>) attributes {dimension_semantics = [#tpu.dimension_semantics<arbitrary>], iteration_bounds = array<i64: 125>, scalar_prefetch = 0 : i64, scratch_operands = 0 : i64, tpu.core_type = #tpu.core_type<tc>, window_params = [{transform_indices = @transform_0, window_bounds = array<i64: 400, 64>}, {pipeline_mode = #tpu.pipeline_mode<synchronous>, transform_indices = @transform_1, window_bounds = array<i64: 1000, 64>}, {transform_indices = @transform_2, window_bounds = array<i64: 8, 64>}]} {
    %get3A = arith.constant 0 : index
    %get3A_0 = arith.constant 0 : index
    %get3A_1 = vector.load %arg2[%get3A, %get3A_0] : memref<1000x64xf32, #tpu.memory_space<vmem>>, vector<1000x64xf32>
    %reduce_sum3A = arith.constant dense<0.000000e+00> : vector<64xf32>
    %reduce_sum3A_2 = vector.multi_reduction <add>, %get3A_1, %reduce_sum3A [0] : vector<1000x64xf32> to vector<64xf32>
    %broadcast_in_dim3A = vector.shape_cast %reduce_sum3A_2 : vector<64xf32> to vector<1x64xf32>
    %mul3A = arith.constant 2.500000e-06 : f32
    %mul3A_3 = vector.broadcast %mul3A : f32 to vector<1x64xf32>
    %mul3A_4 = arith.mulf %broadcast_in_dim3A, %mul3A_3 : vector<1x64xf32>
    %get3A_5 = arith.constant 0 : index
    %get3A_6 = arith.constant 0 : index
    %get3A_7 = vector.load %arg1[%get3A_5, %get3A_6] : memref<400x64xf32, #tpu.memory_space<vmem>>, vector<400x64xf32>
    %sub3A = vector.broadcast %mul3A_4 : vector<1x64xf32> to vector<400x64xf32>
    %sub3A_8 = arith.subf %get3A_7, %sub3A : vector<400x64xf32>
    %mul3A_9 = arith.mulf %sub3A_8, %sub3A_8 : vector<400x64xf32>
    %reduce_sum3A_10 = arith.constant dense<0.000000e+00> : vector<64xf32>
    %reduce_sum3A_11 = vector.multi_reduction <add>, %mul3A_9, %reduce_sum3A_10 [0] : vector<400x64xf32> to vector<64xf32>
    %broadcast_in_dim3A_12 = vector.shape_cast %reduce_sum3A_11 : vector<64xf32> to vector<1x64xf32>
    %broadcast_in_dim3A_13 = vector.shape_cast %broadcast_in_dim3A_12 : vector<1x64xf32> to vector<1x64xf32>
    %broadcast_in_dim3A_14 = vector.broadcast %broadcast_in_dim3A_13 : vector<1x64xf32> to vector<8x64xf32>
    %swap3A = arith.constant 0 : index
    %swap3A_15 = arith.constant 0 : index
    %swap3A_16 = vector.load %arg3[%swap3A, %swap3A_15] : memref<8x64xf32, #tpu.memory_space<vmem>>, vector<8x64xf32>
    tpu.vector_store %arg3[%swap3A, %swap3A_15], %broadcast_in_dim3A_14 {strides = array<i32>} : memref<8x64xf32, #tpu.memory_space<vmem>>, vector<8x64xf32>,
    return
  }
  func.func @transform_0(%arg0: i32) -> (i32, i32) {
    %c0_i32 = arith.constant 0 : i32
    %c0_i32_0 = arith.constant 0 : i32
    return %arg0, %c0_i32 : i32, i32
  }
  func.func @transform_1(%arg0: i32) -> (i32, i32) {
    %c0_i32 = arith.constant 0 : i32
    %c0_i32_0 = arith.constant 0 : i32
    %c0_i32_1 = arith.constant 0 : i32
    return %c0_i32, %c0_i32_0 : i32, i32
  }
  func.func @transform_2(%arg0: i32) -> (i32, i32) {
    %c0_i32 = arith.constant 0 : i32
    %c0_i32_0 = arith.constant 0 : i32
    return %arg0, %c0_i32 : i32, i32
  }
}

module attributes {stable_mosaic.version = 14 : i64} {
  func.func @_bn_body(%arg0: i32, %arg1: memref<400x64xf32, #tpu.memory_space<vmem>>, %arg2: memref<1000x64xf32, #tpu.memory_space<vmem>>, %arg3: memref<1000x64xf32, #tpu.memory_space<vmem>>, %arg4: memref<1x64xf32, #tpu.memory_space<vmem>>, %arg5: memref<1x64xf32, #tpu.memory_space<vmem>>, %arg6: memref<64x128xf32, #tpu.memory_space<vmem>>, %arg7: memref<400x64xf32, #tpu.memory_space<vmem>>, %arg8: memref<400x128xf32, #tpu.memory_space<vmem>>) attributes {dimension_semantics = [#tpu.dimension_semantics<arbitrary>], iteration_bounds = array<i64: 125>, scalar_prefetch = 0 : i64, scratch_operands = 0 : i64, tpu.core_type = #tpu.core_type<tc>, window_params = [{transform_indices = @transform_0, window_bounds = array<i64: 400, 64>}, {pipeline_mode = #tpu.pipeline_mode<synchronous>, transform_indices = @transform_1, window_bounds = array<i64: 1000, 64>}, {pipeline_mode = #tpu.pipeline_mode<synchronous>, transform_indices = @transform_2, window_bounds = array<i64: 1000, 64>}, {pipeline_mode = #tpu.pipeline_mode<synchronous>, transform_indices = @transform_3, window_bounds = array<i64: 1, 64>}, {pipeline_mode = #tpu.pipeline_mode<synchronous>, transform_indices = @transform_4, window_bounds = array<i64: 1, 64>}, {pipeline_mode = #tpu.pipeline_mode<synchronous>, transform_indices = @transform_5, window_bounds = array<i64: 64, 128>}, {transform_indices = @transform_6, window_bounds = array<i64: 400, 64>}, {transform_indices = @transform_7, window_bounds = array<i64: 400, 128>}]} {
    %get3A = arith.constant 0 : index
    %get3A_0 = arith.constant 0 : index
    %get3A_1 = vector.load %arg2[%get3A, %get3A_0] : memref<1000x64xf32, #tpu.memory_space<vmem>>, vector<1000x64xf32>
    %reduce_sum3A = arith.constant dense<0.000000e+00> : vector<64xf32>
    %reduce_sum3A_2 = vector.multi_reduction <add>, %get3A_1, %reduce_sum3A [0] : vector<1000x64xf32> to vector<64xf32>
    %broadcast_in_dim3A = vector.shape_cast %reduce_sum3A_2 : vector<64xf32> to vector<1x64xf32>
    %mul3A = arith.constant 2.500000e-06 : f32
    %mul3A_3 = vector.broadcast %mul3A : f32 to vector<1x64xf32>
    %mul3A_4 = arith.mulf %broadcast_in_dim3A, %mul3A_3 : vector<1x64xf32>
    %get3A_5 = arith.constant 0 : index
    %get3A_6 = arith.constant 0 : index
    %get3A_7 = vector.load %arg3[%get3A_5, %get3A_6] : memref<1000x64xf32, #tpu.memory_space<vmem>>, vector<1000x64xf32>
    %reduce_sum3A_8 = arith.constant dense<0.000000e+00> : vector<64xf32>
    %reduce_sum3A_9 = vector.multi_reduction <add>, %get3A_7, %reduce_sum3A_8 [0] : vector<1000x64xf32> to vector<64xf32>
    %broadcast_in_dim3A_10 = vector.shape_cast %reduce_sum3A_9 : vector<64xf32> to vector<1x64xf32>
    %mul3A_11 = arith.constant 2.500000e-06 : f32
    %mul3A_12 = vector.broadcast %mul3A_11 : f32 to vector<1x64xf32>
    %mul3A_13 = arith.mulf %broadcast_in_dim3A_10, %mul3A_12 : vector<1x64xf32>
    %add3A = arith.constant 9.99999974E-6 : f32
    %add3A_14 = vector.broadcast %add3A : f32 to vector<1x64xf32>
    %add3A_15 = arith.addf %mul3A_13, %add3A_14 : vector<1x64xf32>
    %sqrt3A = math.sqrt %add3A_15 : vector<1x64xf32>
    %get3A_16 = arith.constant 0 : index
    %get3A_17 = arith.constant 0 : index
    %get3A_18 = vector.load %arg1[%get3A_16, %get3A_17] : memref<400x64xf32, #tpu.memory_space<vmem>>, vector<400x64xf32>
    %sub3A = vector.broadcast %mul3A_4 : vector<1x64xf32> to vector<400x64xf32>
    %sub3A_19 = arith.subf %get3A_18, %sub3A : vector<400x64xf32>
    %div3A = vector.broadcast %sqrt3A : vector<1x64xf32> to vector<400x64xf32>
    %div3A_20 = arith.divf %sub3A_19, %div3A : vector<400x64xf32>
    %get3A_21 = arith.constant 0 : index
    %get3A_22 = arith.constant 0 : index
    %get3A_23 = vector.load %arg4[%get3A_21, %get3A_22] : memref<1x64xf32, #tpu.memory_space<vmem>>, vector<1x64xf32>
    %mul3A_24 = vector.broadcast %get3A_23 : vector<1x64xf32> to vector<400x64xf32>
    %mul3A_25 = arith.mulf %div3A_20, %mul3A_24 : vector<400x64xf32>
    %get3A_26 = arith.constant 0 : index
    %get3A_27 = arith.constant 0 : index
    %get3A_28 = vector.load %arg5[%get3A_26, %get3A_27] : memref<1x64xf32, #tpu.memory_space<vmem>>, vector<1x64xf32>
    %add3A_29 = vector.broadcast %get3A_28 : vector<1x64xf32> to vector<400x64xf32>
    %add3A_30 = arith.addf %mul3A_25, %add3A_29 : vector<400x64xf32>
    %max3A = arith.constant 0.000000e+00 : f32
    %max3A_31 = vector.broadcast %max3A : f32 to vector<400x64xf32>
    %max3A_32 = arith.maximumf %add3A_30, %max3A_31 : vector<400x64xf32>
    %abs3A = math.absf %add3A_30 : vector<400x64xf32>
    %neg3A = arith.constant 0.000000e+00 : f32
    %neg3A_33 = vector.broadcast %neg3A : f32 to vector<400x64xf32>
    %neg3A_34 = arith.subf %neg3A_33, %abs3A : vector<400x64xf32>
    %exp3A = math.exp %neg3A_34 : vector<400x64xf32>
    %log1p3A = math.log1p %exp3A : vector<400x64xf32>
    %add3A_35 = arith.addf %max3A_32, %log1p3A : vector<400x64xf32>
    %swap3A = arith.constant 0 : index
    %swap3A_36 = arith.constant 0 : index
    %swap3A_37 = vector.load %arg7[%swap3A, %swap3A_36] : memref<400x64xf32, #tpu.memory_space<vmem>>, vector<400x64xf32>
    tpu.vector_store %arg7[%swap3A, %swap3A_36], %add3A_35 {strides = array<i32>} : memref<400x64xf32, #tpu.memory_space<vmem>>, vector<400x64xf32>,
    %get3A_38 = arith.constant 0 : index
    %get3A_39 = arith.constant 0 : index
    %get3A_40 = vector.load %arg6[%get3A_38, %get3A_39] : memref<64x128xf32, #tpu.memory_space<vmem>>, vector<64x128xf32>
    %dot_general3A = arith.constant dense<0.000000e+00> : vector<400x128xf32>
    %dot_general3A_41 = tpu.matmul %add3A_35, %get3A_40, %dot_general3A {dimension_numbers = #tpu.dot_dimension_numbers<[1], [0], [0], [1], [0, 0, 1, 1], [], []>, transpose_lhs_hint = false} : vector<400x64xf32>, vector<64x128xf32>, vector<400x128xf32> -> vector<400x128xf32>
    %swap3A_42 = arith.constant 0 : index
    %swap3A_43 = arith.constant 0 : index
    %swap3A_44 = vector.load %arg8[%swap3A_42, %swap3A_43] : memref<400x128xf32, #tpu.memory_space<vmem>>, vector<400x128xf32>
    tpu.vector_store %arg8[%swap3A_42, %swap3A_43], %dot_general3A_41 {strides = array<i32>} : memref<400x128xf32, #tpu.memory_space<vmem>>, vector<400x128xf32>,
    return
  }
  func.func @transform_0(%arg0: i32) -> (i32, i32) {
    %c0_i32 = arith.constant 0 : i32
    %c0_i32_0 = arith.constant 0 : i32
    return %arg0, %c0_i32 : i32, i32
  }
  func.func @transform_1(%arg0: i32) -> (i32, i32) {
    %c0_i32 = arith.constant 0 : i32
    %c0_i32_0 = arith.constant 0 : i32
    %c0_i32_1 = arith.constant 0 : i32
    return %c0_i32, %c0_i32_0 : i32, i32
  }
  func.func @transform_2(%arg0: i32) -> (i32, i32) {
    %c0_i32 = arith.constant 0 : i32
    %c0_i32_0 = arith.constant 0 : i32
    %c0_i32_1 = arith.constant 0 : i32
    return %c0_i32, %c0_i32_0 : i32, i32
  }
  func.func @transform_3(%arg0: i32) -> (i32, i32) {
    %c0_i32 = arith.constant 0 : i32
    %c0_i32_0 = arith.constant 0 : i32
    %c0_i32_1 = arith.constant 0 : i32
    return %c0_i32, %c0_i32_0 : i32, i32
  }
  func.func @transform_4(%arg0: i32) -> (i32, i32) {
    %c0_i32 = arith.constant 0 : i32
    %c0_i32_0 = arith.constant 0 : i32
    %c0_i32_1 = arith.constant 0 : i32
    return %c0_i32, %c0_i32_0 : i32, i32
  }
  func.func @transform_5(%arg0: i32) -> (i32, i32) {
    %c0_i32 = arith.constant 0 : i32
    %c0_i32_0 = arith.constant 0 : i32
    %c0_i32_1 = arith.constant 0 : i32
    return %c0_i32, %c0_i32_0 : i32, i32
  }
  func.func @transform_6(%arg0: i32) -> (i32, i32) {
    %c0_i32 = arith.constant 0 : i32
    %c0_i32_0 = arith.constant 0 : i32
    return %arg0, %c0_i32 : i32, i32
  }
  func.func @transform_7(%arg0: i32) -> (i32, i32) {
    %c0_i32 = arith.constant 0 : i32
    %c0_i32_0 = arith.constant 0 : i32
    return %arg0, %c0_i32 : i32, i32
  }
}

module attributes {stable_mosaic.version = 14 : i64} {
  func.func @_pool_body(%arg0: i32, %arg1: memref<400x64xf32, #tpu.memory_space<vmem>>, %arg2: memref<1000x64xf32, #tpu.memory_space<vmem>>, %arg3: memref<1000x64xf32, #tpu.memory_space<vmem>>, %arg4: memref<1x64xf32, #tpu.memory_space<vmem>>, %arg5: memref<1x64xf32, #tpu.memory_space<vmem>>, %arg6: memref<1x1x400xi32, #tpu.memory_space<vmem>>, %arg7: memref<64x128xf32, #tpu.memory_space<vmem>>, %arg8: memref<1x128xf32, #tpu.memory_space<vmem>>, %arg9: memref<128x64xf32, #tpu.memory_space<vmem>>, %arg10: memref<1x64xf32, #tpu.memory_space<vmem>>, %arg11: memref<64x1xf32, #tpu.memory_space<vmem>>, %arg12: memref<1x1xf32, #tpu.memory_space<vmem>>, %arg13: memref<256x1xf32, #tpu.memory_space<vmem>>, %arg14: memref<256x64xf32, #tpu.memory_space<vmem>>, %arg15: memref<256x64xf32, #tpu.memory_space<vmem>>) attributes {dimension_semantics = [#tpu.dimension_semantics<arbitrary>], iteration_bounds = array<i64: 125>, scalar_prefetch = 0 : i64, scratch_operands = 2 : i64, tpu.core_type = #tpu.core_type<tc>, window_params = [{transform_indices = @transform_0, window_bounds = array<i64: 400, 64>}, {pipeline_mode = #tpu.pipeline_mode<synchronous>, transform_indices = @transform_1, window_bounds = array<i64: 1000, 64>}, {pipeline_mode = #tpu.pipeline_mode<synchronous>, transform_indices = @transform_2, window_bounds = array<i64: 1000, 64>}, {pipeline_mode = #tpu.pipeline_mode<synchronous>, transform_indices = @transform_3, window_bounds = array<i64: 1, 64>}, {pipeline_mode = #tpu.pipeline_mode<synchronous>, transform_indices = @transform_4, window_bounds = array<i64: 1, 64>}, {transform_indices = @transform_5, window_bounds = array<i64: 1, 1, 400>}, {pipeline_mode = #tpu.pipeline_mode<synchronous>, transform_indices = @transform_6, window_bounds = array<i64: 64, 128>}, {pipeline_mode = #tpu.pipeline_mode<synchronous>, transform_indices = @transform_7, window_bounds = array<i64: 1, 128>}, {pipeline_mode = #tpu.pipeline_mode<synchronous>, transform_indices = @transform_8, window_bounds = array<i64: 128, 64>}, {pipeline_mode = #tpu.pipeline_mode<synchronous>, transform_indices = @transform_9, window_bounds = array<i64: 1, 64>}, {pipeline_mode = #tpu.pipeline_mode<synchronous>, transform_indices = @transform_10, window_bounds = array<i64: 64, 1>}, {pipeline_mode = #tpu.pipeline_mode<synchronous>, transform_indices = @transform_11, window_bounds = array<i64: 1, 1>}, {pipeline_mode = #tpu.pipeline_mode<synchronous>, transform_indices = @transform_12, window_bounds = array<i64: 256, 1>}]} {
    %eq3A = arith.constant 0 : i32
    %eq3A_0 = arith.cmpi eq, %arg0, %eq3A : i32
    %convert_element_type3A = arith.extui %eq3A_0 : i1 to i32
    %cond3A = arith.constant 0 : i32
    %cond3A_1 = arith.cmpi ne, %convert_element_type3A, %cond3A : i32
    scf.if %cond3A_1 {
      %broadcast_in_dim3A_69 = arith.constant 0.000000e+00 : f32
      %broadcast_in_dim3A_70 = vector.broadcast %broadcast_in_dim3A_69 : f32 to vector<256x64xf32>
      %swap3A_71 = arith.constant 0 : index
      %swap3A_72 = arith.constant 0 : index
      %swap3A_73 = vector.load %arg14[%swap3A_71, %swap3A_72] : memref<256x64xf32, #tpu.memory_space<vmem>>, vector<256x64xf32>
      tpu.vector_store %arg14[%swap3A_71, %swap3A_72], %broadcast_in_dim3A_70 {strides = array<i32>} : memref<256x64xf32, #tpu.memory_space<vmem>>, vector<256x64xf32>,
      %broadcast_in_dim3A_74 = arith.constant 0.000000e+00 : f32
      %broadcast_in_dim3A_75 = vector.broadcast %broadcast_in_dim3A_74 : f32 to vector<256x64xf32>
      %swap3A_76 = arith.constant 0 : index
      %swap3A_77 = arith.constant 0 : index
      %swap3A_78 = vector.load %arg15[%swap3A_76, %swap3A_77] : memref<256x64xf32, #tpu.memory_space<vmem>>, vector<256x64xf32>
      tpu.vector_store %arg15[%swap3A_76, %swap3A_77], %broadcast_in_dim3A_75 {strides = array<i32>} : memref<256x64xf32, #tpu.memory_space<vmem>>, vector<256x64xf32>,
    } else {
    }
    %get3A = arith.constant 0 : index
    %get3A_2 = arith.constant 0 : index
    %get3A_3 = vector.load %arg2[%get3A, %get3A_2] : memref<1000x64xf32, #tpu.memory_space<vmem>>, vector<1000x64xf32>
    %reduce_sum3A = arith.constant dense<0.000000e+00> : vector<64xf32>
    %reduce_sum3A_4 = vector.multi_reduction <add>, %get3A_3, %reduce_sum3A [0] : vector<1000x64xf32> to vector<64xf32>
    %broadcast_in_dim3A = vector.shape_cast %reduce_sum3A_4 : vector<64xf32> to vector<1x64xf32>
    %mul3A = arith.constant 2.500000e-06 : f32
    %mul3A_5 = vector.broadcast %mul3A : f32 to vector<1x64xf32>
    %mul3A_6 = arith.mulf %broadcast_in_dim3A, %mul3A_5 : vector<1x64xf32>
    %get3A_7 = arith.constant 0 : index
    %get3A_8 = arith.constant 0 : index
    %get3A_9 = vector.load %arg3[%get3A_7, %get3A_8] : memref<1000x64xf32, #tpu.memory_space<vmem>>, vector<1000x64xf32>
    %reduce_sum3A_10 = arith.constant dense<0.000000e+00> : vector<64xf32>
    %reduce_sum3A_11 = vector.multi_reduction <add>, %get3A_9, %reduce_sum3A_10 [0] : vector<1000x64xf32> to vector<64xf32>
    %broadcast_in_dim3A_12 = vector.shape_cast %reduce_sum3A_11 : vector<64xf32> to vector<1x64xf32>
    %mul3A_13 = arith.constant 2.500000e-06 : f32
    %mul3A_14 = vector.broadcast %mul3A_13 : f32 to vector<1x64xf32>
    %mul3A_15 = arith.mulf %broadcast_in_dim3A_12, %mul3A_14 : vector<1x64xf32>
    %add3A = arith.constant 9.99999974E-6 : f32
    %add3A_16 = vector.broadcast %add3A : f32 to vector<1x64xf32>
    %add3A_17 = arith.addf %mul3A_15, %add3A_16 : vector<1x64xf32>
    %sqrt3A = math.sqrt %add3A_17 : vector<1x64xf32>
    %get3A_18 = arith.constant 0 : index
    %get3A_19 = arith.constant 0 : index
    %get3A_20 = vector.load %arg1[%get3A_18, %get3A_19] : memref<400x64xf32, #tpu.memory_space<vmem>>, vector<400x64xf32>
    %sub3A = vector.broadcast %mul3A_6 : vector<1x64xf32> to vector<400x64xf32>
    %sub3A_21 = arith.subf %get3A_20, %sub3A : vector<400x64xf32>
    %div3A = vector.broadcast %sqrt3A : vector<1x64xf32> to vector<400x64xf32>
    %div3A_22 = arith.divf %sub3A_21, %div3A : vector<400x64xf32>
    %get3A_23 = arith.constant 0 : index
    %get3A_24 = arith.constant 0 : index
    %get3A_25 = vector.load %arg4[%get3A_23, %get3A_24] : memref<1x64xf32, #tpu.memory_space<vmem>>, vector<1x64xf32>
    %mul3A_26 = vector.broadcast %get3A_25 : vector<1x64xf32> to vector<400x64xf32>
    %mul3A_27 = arith.mulf %div3A_22, %mul3A_26 : vector<400x64xf32>
    %get3A_28 = arith.constant 0 : index
    %get3A_29 = arith.constant 0 : index
    %get3A_30 = vector.load %arg5[%get3A_28, %get3A_29] : memref<1x64xf32, #tpu.memory_space<vmem>>, vector<1x64xf32>
    %add3A_31 = vector.broadcast %get3A_30 : vector<1x64xf32> to vector<400x64xf32>
    %add3A_32 = arith.addf %mul3A_27, %add3A_31 : vector<400x64xf32>
    %max3A = arith.constant 0.000000e+00 : f32
    %max3A_33 = vector.broadcast %max3A : f32 to vector<400x64xf32>
    %max3A_34 = arith.maximumf %add3A_32, %max3A_33 : vector<400x64xf32>
    %abs3A = math.absf %add3A_32 : vector<400x64xf32>
    %neg3A = arith.constant 0.000000e+00 : f32
    %neg3A_35 = vector.broadcast %neg3A : f32 to vector<400x64xf32>
    %neg3A_36 = arith.subf %neg3A_35, %abs3A : vector<400x64xf32>
    %exp3A = math.exp %neg3A_36 : vector<400x64xf32>
    %log1p3A = math.log1p %exp3A : vector<400x64xf32>
    %add3A_37 = arith.addf %max3A_34, %log1p3A : vector<400x64xf32>
    %get3A_38 = arith.constant 0 : index
    %get3A_39 = arith.constant 0 : index
    %get3A_40 = arith.constant 0 : index
    %get3A_41 = vector.load %arg6[%get3A_38, %get3A_39, %get3A_40] : memref<1x1x400xi32, #tpu.memory_space<vmem>>, vector<1x1x400xi32>
    %reshape3A = vector.shape_cast %get3A_41 : vector<1x1x400xi32> to vector<1x400xi32>
    %iota3A = tpu.iota {dimensions = array<i32: 0>} : vector<256x400xi32>
    %eq3A_42 = vector.broadcast %reshape3A : vector<1x400xi32> to vector<256x400xi32>
    %eq3A_43 = arith.cmpi eq, %eq3A_42, %iota3A : vector<256x400xi32>
    %convert_element_type3A_44 = arith.extui %eq3A_43 : vector<256x400xi1> to vector<256x400xi32>
    %convert_element_type3A_45 = arith.sitofp %convert_element_type3A_44 : vector<256x400xi32> to vector<256x400xf32>
    %get3A_46 = arith.constant 0 : index
    %get3A_47 = arith.constant 0 : index
    %get3A_48 = vector.load %arg14[%get3A_46, %get3A_47] : memref<256x64xf32, #tpu.memory_space<vmem>>, vector<256x64xf32>
    %dot_general3A = arith.constant dense<0.000000e+00> : vector<256x64xf32>
    %dot_general3A_49 = tpu.matmul %convert_element_type3A_45, %add3A_37, %dot_general3A {dimension_numbers = #tpu.dot_dimension_numbers<[1], [0], [0], [1], [0, 0, 1, 1], [], []>, precision = #tpu.contract_precision<fp32>, transpose_lhs_hint = false} : vector<256x400xf32>, vector<400x64xf32>, vector<256x64xf32> -> vector<256x64xf32>
    %add3A_50 = arith.addf %get3A_48, %dot_general3A_49 : vector<256x64xf32>
    %swap3A = arith.constant 0 : index
    %swap3A_51 = arith.constant 0 : index
    %swap3A_52 = vector.load %arg14[%swap3A, %swap3A_51] : memref<256x64xf32, #tpu.memory_space<vmem>>, vector<256x64xf32>
    tpu.vector_store %arg14[%swap3A, %swap3A_51], %add3A_50 {strides = array<i32>} : memref<256x64xf32, #tpu.memory_space<vmem>>, vector<256x64xf32>,
    %get3A_53 = arith.constant 0 : index
    %get3A_54 = arith.constant 0 : index
    %get3A_55 = vector.load %arg15[%get3A_53, %get3A_54] : memref<256x64xf32, #tpu.memory_space<vmem>>, vector<256x64xf32>
    %broadcast_in_dim3A_56 = arith.constant 1.000000e+00 : f32
    %broadcast_in_dim3A_57 = vector.broadcast %broadcast_in_dim3A_56 : f32 to vector<400x64xf32>
    %dot_general3A_58 = arith.constant dense<0.000000e+00> : vector<256x64xf32>
    %dot_general3A_59 = tpu.matmul %convert_element_type3A_45, %broadcast_in_dim3A_57, %dot_general3A_58 {dimension_numbers = #tpu.dot_dimension_numbers<[1], [0], [0], [1], [0, 0, 1, 1], [], []>, precision = #tpu.contract_precision<fp32>, transpose_lhs_hint = false} : vector<256x400xf32>, vector<400x64xf32>, vector<256x64xf32> -> vector<256x64xf32>
    %add3A_60 = arith.addf %get3A_55, %dot_general3A_59 : vector<256x64xf32>
    %swap3A_61 = arith.constant 0 : index
    %swap3A_62 = arith.constant 0 : index
    %swap3A_63 = vector.load %arg15[%swap3A_61, %swap3A_62] : memref<256x64xf32, #tpu.memory_space<vmem>>, vector<256x64xf32>
    tpu.vector_store %arg15[%swap3A_61, %swap3A_62], %add3A_60 {strides = array<i32>} : memref<256x64xf32, #tpu.memory_space<vmem>>, vector<256x64xf32>,
    %eq3A_64 = arith.constant 124 : i32
    %eq3A_65 = arith.cmpi eq, %arg0, %eq3A_64 : i32
    %convert_element_type3A_66 = arith.extui %eq3A_65 : i1 to i32
    %cond3A_67 = arith.constant 0 : i32
    %cond3A_68 = arith.cmpi ne, %convert_element_type3A_66, %cond3A_67 : i32
    scf.if %cond3A_68 {
      %get3A_69 = arith.constant 0 : index
      %get3A_70 = arith.constant 0 : index
      %get3A_71 = vector.load %arg14[%get3A_69, %get3A_70] : memref<256x64xf32, #tpu.memory_space<vmem>>, vector<256x64xf32>
      %get3A_72 = arith.constant 0 : index
      %get3A_73 = arith.constant 0 : index
      %get3A_74 = vector.load %arg15[%get3A_72, %get3A_73] : memref<256x64xf32, #tpu.memory_space<vmem>>, vector<256x64xf32>
      %max3A_75 = arith.constant 1.000000e+00 : f32
      %max3A_76 = vector.broadcast %max3A_75 : f32 to vector<256x64xf32>
      %max3A_77 = arith.maximumf %get3A_74, %max3A_76 : vector<256x64xf32>
      %div3A_78 = arith.divf %get3A_71, %max3A_77 : vector<256x64xf32>
      %get3A_79 = arith.constant 0 : index
      %get3A_80 = arith.constant 0 : index
      %get3A_81 = vector.load %arg7[%get3A_79, %get3A_80] : memref<64x128xf32, #tpu.memory_space<vmem>>, vector<64x128xf32>
      %dot_general3A_82 = arith.constant dense<0.000000e+00> : vector<256x128xf32>
      %dot_general3A_83 = tpu.matmul %div3A_78, %get3A_81, %dot_general3A_82 {dimension_numbers = #tpu.dot_dimension_numbers<[1], [0], [0], [1], [0, 0, 1, 1], [], []>, transpose_lhs_hint = false} : vector<256x64xf32>, vector<64x128xf32>, vector<256x128xf32> -> vector<256x128xf32>
      %get3A_84 = arith.constant 0 : index
      %get3A_85 = arith.constant 0 : index
      %get3A_86 = vector.load %arg8[%get3A_84, %get3A_85] : memref<1x128xf32, #tpu.memory_space<vmem>>, vector<1x128xf32>
      %add3A_87 = vector.broadcast %get3A_86 : vector<1x128xf32> to vector<256x128xf32>
      %add3A_88 = arith.addf %dot_general3A_83, %add3A_87 : vector<256x128xf32>
      %max3A_89 = arith.constant 0.000000e+00 : f32
      %max3A_90 = vector.broadcast %max3A_89 : f32 to vector<256x128xf32>
      %max3A_91 = arith.maximumf %add3A_88, %max3A_90 : vector<256x128xf32>
      %abs3A_92 = math.absf %add3A_88 : vector<256x128xf32>
      %neg3A_93 = arith.constant 0.000000e+00 : f32
      %neg3A_94 = vector.broadcast %neg3A_93 : f32 to vector<256x128xf32>
      %neg3A_95 = arith.subf %neg3A_94, %abs3A_92 : vector<256x128xf32>
      %exp3A_96 = math.exp %neg3A_95 : vector<256x128xf32>
      %log1p3A_97 = math.log1p %exp3A_96 : vector<256x128xf32>
      %add3A_98 = arith.addf %max3A_91, %log1p3A_97 : vector<256x128xf32>
      %get3A_99 = arith.constant 0 : index
      %get3A_100 = arith.constant 0 : index
      %get3A_101 = vector.load %arg9[%get3A_99, %get3A_100] : memref<128x64xf32, #tpu.memory_space<vmem>>, vector<128x64xf32>
      %dot_general3A_102 = arith.constant dense<0.000000e+00> : vector<256x64xf32>
      %dot_general3A_103 = tpu.matmul %add3A_98, %get3A_101, %dot_general3A_102 {dimension_numbers = #tpu.dot_dimension_numbers<[1], [0], [0], [1], [0, 0, 1, 1], [], []>, transpose_lhs_hint = false} : vector<256x128xf32>, vector<128x64xf32>, vector<256x64xf32> -> vector<256x64xf32>
      %get3A_104 = arith.constant 0 : index
      %get3A_105 = arith.constant 0 : index
      %get3A_106 = vector.load %arg10[%get3A_104, %get3A_105] : memref<1x64xf32, #tpu.memory_space<vmem>>, vector<1x64xf32>
      %add3A_107 = vector.broadcast %get3A_106 : vector<1x64xf32> to vector<256x64xf32>
      %add3A_108 = arith.addf %dot_general3A_103, %add3A_107 : vector<256x64xf32>
      %max3A_109 = arith.constant 0.000000e+00 : f32
      %max3A_110 = vector.broadcast %max3A_109 : f32 to vector<256x64xf32>
      %max3A_111 = arith.maximumf %add3A_108, %max3A_110 : vector<256x64xf32>
      %abs3A_112 = math.absf %add3A_108 : vector<256x64xf32>
      %neg3A_113 = arith.constant 0.000000e+00 : f32
      %neg3A_114 = vector.broadcast %neg3A_113 : f32 to vector<256x64xf32>
      %neg3A_115 = arith.subf %neg3A_114, %abs3A_112 : vector<256x64xf32>
      %exp3A_116 = math.exp %neg3A_115 : vector<256x64xf32>
      %log1p3A_117 = math.log1p %exp3A_116 : vector<256x64xf32>
      %add3A_118 = arith.addf %max3A_111, %log1p3A_117 : vector<256x64xf32>
      %get3A_119 = arith.constant 0 : index
      %get3A_120 = arith.constant 0 : index
      %get3A_121 = vector.load %arg11[%get3A_119, %get3A_120] : memref<64x1xf32, #tpu.memory_space<vmem>>, vector<64x1xf32>
      %dot_general3A_122 = arith.constant dense<0.000000e+00> : vector<256x1xf32>
      %dot_general3A_123 = tpu.matmul %add3A_118, %get3A_121, %dot_general3A_122 {dimension_numbers = #tpu.dot_dimension_numbers<[1], [0], [0], [1], [0, 0, 1, 1], [], []>, transpose_lhs_hint = false} : vector<256x64xf32>, vector<64x1xf32>, vector<256x1xf32> -> vector<256x1xf32>
      %get3A_124 = arith.constant 0 : index
      %get3A_125 = arith.constant 0 : index
      %get3A_126 = vector.load %arg12[%get3A_124, %get3A_125] : memref<1x1xf32, #tpu.memory_space<vmem>>, vector<1x1xf32>
      %add3A_127 = vector.broadcast %get3A_126 : vector<1x1xf32> to vector<256x1xf32>
      %add3A_128 = arith.addf %dot_general3A_123, %add3A_127 : vector<256x1xf32>
      %swap3A_129 = arith.constant 0 : index
      %swap3A_130 = arith.constant 0 : index
      %swap3A_131 = vector.load %arg13[%swap3A_129, %swap3A_130] : memref<256x1xf32, #tpu.memory_space<vmem>>, vector<256x1xf32>
      tpu.vector_store %arg13[%swap3A_129, %swap3A_130], %add3A_128 {strides = array<i32>} : memref<256x1xf32, #tpu.memory_space<vmem>>, vector<256x1xf32>,
    } else {
    }
    return
  }
  func.func @transform_0(%arg0: i32) -> (i32, i32) {
    %c0_i32 = arith.constant 0 : i32
    %c0_i32_0 = arith.constant 0 : i32
    return %arg0, %c0_i32 : i32, i32
  }
  func.func @transform_1(%arg0: i32) -> (i32, i32) {
    %c0_i32 = arith.constant 0 : i32
    %c0_i32_0 = arith.constant 0 : i32
    %c0_i32_1 = arith.constant 0 : i32
    return %c0_i32, %c0_i32_0 : i32, i32
  }
  func.func @transform_2(%arg0: i32) -> (i32, i32) {
    %c0_i32 = arith.constant 0 : i32
    %c0_i32_0 = arith.constant 0 : i32
    %c0_i32_1 = arith.constant 0 : i32
    return %c0_i32, %c0_i32_0 : i32, i32
  }
  func.func @transform_3(%arg0: i32) -> (i32, i32) {
    %c0_i32 = arith.constant 0 : i32
    %c0_i32_0 = arith.constant 0 : i32
    %c0_i32_1 = arith.constant 0 : i32
    return %c0_i32, %c0_i32_0 : i32, i32
  }
  func.func @transform_4(%arg0: i32) -> (i32, i32) {
    %c0_i32 = arith.constant 0 : i32
    %c0_i32_0 = arith.constant 0 : i32
    %c0_i32_1 = arith.constant 0 : i32
    return %c0_i32, %c0_i32_0 : i32, i32
  }
  func.func @transform_5(%arg0: i32) -> (i32, i32, i32) {
    %c0_i32 = arith.constant 0 : i32
    %c0_i32_0 = arith.constant 0 : i32
    %c0_i32_1 = arith.constant 0 : i32
    return %arg0, %c0_i32, %c0_i32_0 : i32, i32, i32
  }
  func.func @transform_6(%arg0: i32) -> (i32, i32) {
    %c0_i32 = arith.constant 0 : i32
    %c0_i32_0 = arith.constant 0 : i32
    %c0_i32_1 = arith.constant 0 : i32
    return %c0_i32, %c0_i32_0 : i32, i32
  }
  func.func @transform_7(%arg0: i32) -> (i32, i32) {
    %c0_i32 = arith.constant 0 : i32
    %c0_i32_0 = arith.constant 0 : i32
    %c0_i32_1 = arith.constant 0 : i32
    return %c0_i32, %c0_i32_0 : i32, i32
  }
  func.func @transform_8(%arg0: i32) -> (i32, i32) {
    %c0_i32 = arith.constant 0 : i32
    %c0_i32_0 = arith.constant 0 : i32
    %c0_i32_1 = arith.constant 0 : i32
    return %c0_i32, %c0_i32_0 : i32, i32
  }
  func.func @transform_9(%arg0: i32) -> (i32, i32) {
    %c0_i32 = arith.constant 0 : i32
    %c0_i32_0 = arith.constant 0 : i32
    %c0_i32_1 = arith.constant 0 : i32
    return %c0_i32, %c0_i32_0 : i32, i32
  }
  func.func @transform_10(%arg0: i32) -> (i32, i32) {
    %c0_i32 = arith.constant 0 : i32
    %c0_i32_0 = arith.constant 0 : i32
    %c0_i32_1 = arith.constant 0 : i32
    return %c0_i32, %c0_i32_0 : i32, i32
  }
  func.func @transform_11(%arg0: i32) -> (i32, i32) {
    %c0_i32 = arith.constant 0 : i32
    %c0_i32_0 = arith.constant 0 : i32
    %c0_i32_1 = arith.constant 0 : i32
    return %c0_i32, %c0_i32_0 : i32, i32
  }
  func.func @transform_12(%arg0: i32) -> (i32, i32) {
    %c0_i32 = arith.constant 0 : i32
    %c0_i32_0 = arith.constant 0 : i32
    %c0_i32_1 = arith.constant 0 : i32
    return %c0_i32, %c0_i32_0 : i32, i32
  }
}

</mosaic_0001>

<sc_bundles>
// kernel: kernel.15.cloned.1.call-start
scs
__scs_entry_jumppad:
0x0: {  	(pc) =	sbr.rel $0x88, $3  }
0x1: {  	(tag) =	ssettag $0x0;
	lr =	simm.s32 $0x1  }
0x2: {  	[smem:$0x3F8A] =	sst lr;
	_ =	strace $0xD0000000  }
0x3: {  	_ = 	snop  }
0x4: {  	_ = 	snop  }
0x5: {  	_ = 	snop  }
0x6: {  	_ = 	snop  }
0x7: {  	_ = 	snop  }
__scs_overlays_trampoline_lowered:
0x8: {  	[smem:$0x3F99] =	sst s0  }
0x9: {  	[smem:$0x3F9A] =	sst s1  }
0xa: {  	[smem:$0x3F9B] =	sst s2  }
0xb: {  	[smem:$0x3F9C] =	sst s3  }
0xc: {  	[smem:$0x3F9D] =	sst s4  }
0xd: {  	[smem:$0x3F9E] =	sst s5  }
0xe: {  	[smem:$0x3F9F] =	sst s6  }
0xf: {  	[smem:$0x3FA0] =	sst s7  }
0x10: {  	[smem:$0x3FA1] =	sst s8  }
0x11: {  	[smem:$0x3FA2] =	sst s9;
	s0 =	simm.s32 @!p0 $0x0  }
0x12: {  	s1 =	sld [smem:$0x3F88];
	s0 =	simm.s32 @p0 $0x1  }
0x13: {  	[smem:$0x3FA3] =	sst s0;
	s0 =	simm.s32 @!p1 $0x0  }
0x14: {  	s2 =	sld [smem:$0x3F87];
	s0 =	simm.s32 @p1 $0x1  }
0x15: {  	[smem:$0x3FA4] =	sst s0;
	s0 =	simm.s32 @!p2 $0x0  }
0x16: {  	s3 =	sld [smem:$0x3FDB];
	s0 =	simm.s32 @p2 $0x1  }
0x17: {  	s4 =	simm.s32 $0x1BF5;
	[smem:$0x3FA6] =	sst s0  }
0x18: {  	s0 =	sld [smem:$0x3F89];
	_ =	swait.ge [sflag:s4], $0x0  }
0x19: {  	s7 =	sld [smem:$0x3F8A]  }
0x1a: {  	s8 =	sadd.s32 $0xFFFFE003, lr  }
0x1b: {  	s9 =	sadd.s32 $0xFFFFFEF7, lr;
	s5 =	simm.s32 $0xFFFFFFFF;
	p2 =	slt.u32 s8, $0xFFFFF086  }
0x1c: {  	p1 =	slt.u32 s9, $0xF7A;
	s5 =	simm.s32 @!p2 $0x0  }
0x1d: {  	s5 =	simm.s32 @p1 $0x1;
	p0 =	seq.s32 s7, s2  }
0x1e: {  	s7 =	smul.u32 @!p0 $0xF7A, s2;
	p2 =	seq.s32 @!p0 s5, $0x0  }
0x1f: {  	s9 =	smul.u32 $0xF7A, s1;
	s8 =	simm.s32 @!p0 $0x1BF5;
	p2 =	por !p2, p0  }
0x20: {  	[sflag:s8] =	ssyncset.s32 @!p0 $0xFFFFF086;
	s6 =	sadd.s32 @!p0 s3, s7;
	s7 =	simm.s32 @!p0 $0x108  }
0x21: {  	s3 =	sadd.s32 s3, s9;
	s6 =	sadd.s32 @!p0 $0x88, s6;
	s7 =	simm.s32 @p2 $0x1082  }
0x22: {  	[simem:s7], [sflag:s8] =	dma.local @!p0 [hbm:s6], $0xF7A  }
0x23: {  	s9 =	sor.u32 $0xD0000000, s2;
	s6 =	simm.s32 $0x108;
	_ =	swait.ge @!p0 [sflag:s8], $0x0  }
0x24: {  	s3 =	sadd.s32 $0x88, s3;
	s6 =	simm.s32 @!p1 $0x1082;
	[sflag:s4] =	ssyncset.s32 $0xFFFFF086  }
0x25: {  	[simem:s6], [sflag:s4] =	dma.local [hbm:s3], $0xF7A  }
0x26: {  	[smem:$0x3F8A] =	sst s1;
	(tag) =	ssettag s2;
	_ =	strace s9  }
0x27: {  	s1 =	sld [smem:$0x3F9A]  }
0x28: {  	s2 =	sld [smem:$0x3F9B]  }
0x29: {  	s4 =	sld [smem:$0x3F9D]  }
0x2a: {  	p0 =	seq.s32 s5, $0x0;
	s5 =	sld [smem:$0x3F9E]  }
0x2b: {  	s6 =	sld [smem:$0x3F9F]  }
0x2c: {  	s7 =	sld [smem:$0x3FA0]  }
0x2d: {  	s3 =	simm.s32 $0x108;
	s8 =	sld [smem:$0x3FA1]  }
0x2e: {  	s3 =	simm.s32 @!p0 $0x1082;
	s9 =	sld [smem:$0x3FA2]  }
0x2f: {  	lr =	sadd.s32 s0, s3;
	s0 =	sld [smem:$0x3F99]  }
0x30: {  	s3 =	sld [smem:$0x3F9C]  }
0x31: {  	[smem:$0x3FA5] =	sst s10  }
0x32: {  	s10 =	sld [smem:$0x3FA3];
	_ =	sdelay $0x3  }
0x33: {  	p0 =	seq.s32 s10, $0x1;
	s10 =	sld [smem:$0x3FA5];
	_ =	sdelay $0x3  }
0x34: {  	[smem:$0x3FA5] =	sst s10  }
0x35: {  	s10 =	sld [smem:$0x3FA4];
	_ =	sdelay $0x3  }
0x36: {  	p1 =	seq.s32 s10, $0x1;
	s10 =	sld [smem:$0x3FA5];
	_ =	sdelay $0x3  }
0x37: {  	[smem:$0x3FA5] =	sst s10  }
0x38: {  	s10 =	sld [smem:$0x3FA6]  }
0x39: {  	_ = 	snop;
	(pc) =	sbr.ind lr, $3  }
0x3a: {  	_ = 	snop  }
0x3b: {  	_ = 	snop  }
0x3c: {  	p2 =	seq.s32 s10, $0x1;
	s10 =	sld [smem:$0x3FA5]  }
0x3d: {  	_ =	shalt  }
0x3e: {  	_ =	shalt  }
0x3f: {  	_ =	shalt  }
0x40: {  	_ =	shalt  }
0x41: {  	_ =	shalt  }
0x42: {  	_ =	shalt  }
0x43: {  	_ =	shalt  }
0x44: {  	_ =	shalt  }
0x45: {  	_ =	shalt  }
0x46: {  	_ =	shalt  }
0x47: {  	_ =	shalt  }
0x48: {  	_ =	shalt  }
0x49: {  	_ =	shalt  }
0x4a: {  	_ =	shalt  }
0x4b: {  	_ =	shalt  }
0x4c: {  	_ =	shalt  }
0x4d: {  	_ =	shalt  }
0x4e: {  	_ =	shalt  }
0x4f: {  	_ =	shalt  }
0x50: {  	_ =	shalt  }
0x51: {  	_ =	shalt  }
0x52: {  	_ =	shalt  }
0x53: {  	_ =	shalt  }
0x54: {  	_ =	shalt  }
0x55: {  	_ =	shalt  }
0x56: {  	_ =	shalt  }
0x57: {  	_ =	shalt  }
0x58: {  	_ =	shalt  }
0x59: {  	_ =	shalt  }
0x5a: {  	_ =	shalt  }
0x5b: {  	_ =	shalt  }
0x5c: {  	_ =	shalt  }
0x5d: {  	_ =	shalt  }
0x5e: {  	_ =	shalt  }
0x5f: {  	_ =	shalt  }
0x60: {  	_ =	shalt  }
0x61: {  	_ =	shalt  }
0x62: {  	_ =	shalt  }
0x63: {  	_ =	shalt  }
0x64: {  	_ =	shalt  }
0x65: {  	_ =	shalt  }
0x66: {  	_ =	shalt  }
0x67: {  	_ =	shalt  }
0x68: {  	_ =	shalt  }
0x69: {  	_ =	shalt  }
0x6a: {  	_ =	shalt  }
0x6b: {  	_ =	shalt  }
0x6c: {  	_ =	shalt  }
0x6d: {  	_ =	shalt  }
0x6e: {  	_ =	shalt  }
0x6f: {  	_ =	shalt  }
0x70: {  	_ =	shalt  }
0x71: {  	_ =	shalt  }
0x72: {  	_ =	shalt  }
0x73: {  	_ =	shalt  }
0x74: {  	_ =	shalt  }
0x75: {  	_ =	shalt  }
0x76: {  	_ =	shalt  }
0x77: {  	_ =	shalt  }
0x78: {  	_ =	shalt  }
0x79: {  	_ =	shalt  }
0x7a: {  	_ =	shalt  }
0x7b: {  	_ =	shalt  }
0x7c: {  	_ =	shalt  }
0x7d: {  	_ =	shalt  }
0x7e: {  	_ =	shalt  }
0x7f: {  	_ =	shalt  }
0x80: {  	_ =	shalt  }
0x81: {  	_ =	shalt  }
0x82: {  	_ =	shalt  }
0x83: {  	_ =	shalt  }
0x84: {  	_ =	shalt  }
0x85: {  	_ =	shalt  }
0x86: {  	_ =	shalt  }
0x87: {  	_ =	shalt  }
.Lfunc_end0:
.L_simem_size_0:
called_computation_lowered:
.L_overlay_start_0:
0x88: {  	s2 =	sld [smem:$0x3FD9]  }
0x89: {  	s3 =	sld [smem:$0x3FFE];
	_ =	sdelay $0x1  }
0x8a: {  	s1 =	srdreg.scid  }
0x8b: {  	s0 =	sand.u32 $0x1, s1  }
0x8c: {  	s16 =	sshll.u32 s0, $0xA;
	s2 =	sadd.s32 s3, s2  }
0x8d: {  	s2 =	sadd.s32 s2, s16  }
0x8e: {  	[smem:$0x3FB1] =	sst s2  }
0x8f: {  	_ = 	snop  }
0x90: {  	(tm) =	ssettm $0x1  }
0x91: {  	s17 =	sld [smem:$0x3FFB];
	_ =	sdelay $0x3  }
0x92: {  	_ =	strace s17  }
0x93: {  	s2 =	sld [smem:$0x3FFC];
	_ =	sdelay $0x3  }
0x94: {  	_ =	strace s2  }
0x95: {  	s2 =	sld [smem:$0x3FFD];
	_ =	sdelay $0x3  }
0x96: {  	_ =	strace s2  }
0x97: {  	_ =	strace $0x8FFFFFFF  }
0x98: {  	s18 =	sld [smem:$0x3FDB];
	_ =	sdelay $0x1  }
0x99: {  	s19 =	simm.s32 $_scs_section_size  }
0x9a: {  	s4 =	simm.s32 $_size__tile_overlayer_lowered;
	s5 =	simm.s32 $_tile_overlayer_lowered  }
0x9b: {  	s22 =	simm.s32 $0x1BFF;
	s21 =	sshll.u32 s5, $0x1;
	s2 =	sadd.s32 s19, s18  }
0x9c: {  	s6 =	simm.s32 $0x0;
	s20 =	sshll.u32 s4, $0x1;
	s4 =	sadd.s32 s21, s2  }
0x9d: {  	[timem:s6], [sflag:s22] =	dma.local [hbm:s4], s20  }
0x9e: {  	_ =	swait.ge [sflag:s22], s20  }
0x9f: {  	s3 =	ssub.s32 $0x0, s20;
	[sflag:s22] =	ssyncset.done $0x0  }
0xa0: {  	[sflag:s22] =	ssyncadd.s32 s3;
	_ =	sdelay $0x1  }
0xa1: {  	s23 =	simm.s32 $0x1B8B  }
0xa2: {  	_ =	swait.ge [sflag:s23], $0x1  }
0xa3: {  	[sflag:s23] =	ssyncset.done $0x0  }
0xa4: {  	s25 =	simm.s32 $0x1B8E;
	s24 =	sld [smem:$0x3FFE];
	[sflag:s23] =	ssyncadd.s32 $0xFFFFFFFF  }
0xa5: {  	s26 =	simm.s32 $execute0_lowered;
	[smem:$0x3FD2] =	sst s25  }
0xa6: {  	s4 =	sshll.u32 s26, $0x1;
	_ =	strace $0x80000046;
	[dreg:$0x1] =	wrdreg $0xFFFFFFFF  }
0xa7: {  	s28 =	simm.s32 $_size_execute0_lowered;
	s2 =	sadd.s32 s2, s4;
	[dreg:$0x0] =	wrdreg $0x0  }
0xa8: {  	s4 =	sshll.u32 s28, $0x1;
	[dreg:$0x2] =	wrdreg s2  }
0xa9: {  	[dreg:$0x3] =	wrdreg s4  }
0xaa: {  	[dreg:$0x4] =	wrdreg $0xC0  }
0xab: {  	_ =	task [dreg:s6], $0x5FFFF  }
0xac: {  	[dreg:$0x1] =	wrdreg $0xFFFFFFFF  }
0xad: {  	[dreg:$0x0] =	wrdreg $0x60  }
0xae: {  	[dreg:$0x2] =	wrdreg s24  }
0xaf: {  	[dreg:$0x3] =	wrdreg $0x9  }
0xb0: {  	_ =	task.clear_ibuf [dreg:s6], $0x4FFFF;
	_ =	strace $0x90000046  }
0xb1: {  	s29 =	simm.s32 $0x9;
	_ =	strace $0x80000048  }
0xb2: {  	_ =	swait.ge [sflag:s29], $0x1  }
0xb3: {  	[sflag:s29] =	ssyncadd.s32 $0xFFFFFFFF  }
0xb4: {  	_ =	strace $0x90000048  }
0xb5: {  	_ =	sfence  }
0xb6: {  	s30 =	sld [smem:$0x0];
	_ =	sdelay $0x2  }
0xb7: {  	s31 =	sshll.u32 s1, $0xD;
	s1 =	sshrl.u32 s1, $0x2  }
0xb8: {  	s3 =	sand.u32 $0x4000, s31;
	s1 =	sadd.s32 s1, s30  }
0xb9: {  	s0 =	sor.u32 s3, s0;
	s1 =	sshll.u32 s1, $0x11  }
0xba: {  	s0 =	sor.u32 s1, s0  }
0xbb: {  	s0 =	sadd.s32 $0x8F2B, s0  }
0xbc: {  	[sflag:s0] =	ssyncadd.remote.s32 $0x1  }
0xbd: {  	_ =	sfence.sel $0xFFFF  }
0xbe: {  	[dreg:$0x0] =	wrdreg $0xFFFFFFFF;
	(pc) =	sbr.abs _section_cstart, $3  }
0xbf: {  	[dreg:$0x1] =	wrdreg $0xFFFFFFFF  }
0xc0: {  	_ =	task.clear_ibuf [dreg:s6], $0x2FFFF;
	_ =	strace $0x9FFFFFFF  }
0xc1: {  	(tm) =	ssettm $0x7FFFFFFF  }
tec
execute0_lowered:
.L_overlay_start_1:
0x0: {  	(tag) =	ssettag $0x1  }
0x1: {  	s0 =	rddreg [dreg:$0x0];
	s6 =	stileid.u32  }
0x2: {  	s2 =	simm.s32 $0x0;
	s3 =	srdreg.scid;
	s15 =	simm.s32 $0x3  }
0x3: {  	s16 =	simm.s32 $0x80;
	s17 =	simm.s32 $0x6400;
	s18 =	simm.s32 $0xA400  }
0x4: {  	s19 =	simm.s32 $0x1;
	s21 =	simm.s32 $0xE400;
	s22 =	simm.s32 $0x180  }
0x5: {  	s23 =	simm.s32 $0x12400;
	s24 =	simm.s32 $0x2;
	s25 =	simm.s32 $0x200  }
0x6: {  	s28 =	simm.s32 $0x6300;
	s29 =	simm.s32 $0x6380;
	s30 =	simm.s32 $0x0  }
0x7: {  	s1 =	smul.u32 $0xC8, s6;
	[smem:$0x7FF] =	sst s2;
	s4 =	sand.u32 $0x1, s3  }
0x8: {  	s6 =	smul.u32 $0xC80, s6;
	s3 =	sadd.s32 $0x1E400, s0;
	s31 =	sadd.s32 $0x1A5000, s0  }
0x9: {  	p0 =	seq.s32 s4, $0x0;
	s4 =	ssub.s32 $0x2, s4;
	s5 =	sadd.s32 $0xC80, s1  }
0xa: {  	_ =	strace $0x80000047;
	s26 =	sshrl.u32 s4, $0x1;
	s7 =	sshll.u32 s5, $0x4  }
0xb: {  	s5 =	smov.u32 @p0 s1;
	s4 =	ssub.s32 s4, s26;
	s26 =	simm.s32 $0x280  }
0xc: {  	s7 =	smov.u32 @p0 s6;
	s12 =	sshll.u32 s5, $0xB;
	s4 =	smax.u32 s4, $0x1  }
0xd: {  	s9 =	sadd.s32 s7, s0;
	s0 =	sadd.s32 $0x1A5800, s0;
	s8 =	sor.u32 $0x1000, s12  }
0xe: {  	s5 =	sadd.s32 s31, s12;
	s11 =	sadd.s32 $0x62000, s12;
	s13 =	sadd.s32 $0x63000, s12  }
0xf: {  	s6 =	sadd.s32 s12, s0;
	s7 =	sadd.s32 s31, s8;
	s8 =	sadd.s32 s8, s0  }
0x10: {  	s9 =	sadd.s32 $0x5400, s9;
	s10 =	sadd.s32 s31, s11;
	s11 =	sadd.s32 s11, s0  }
0x11: {  	s12 =	sadd.s32 s31, s13;
	s13 =	sadd.s32 s13, s0;
	s14 =	sadd.s32 $0x2000, s5  }
.LBB2_1:
0x12: {  	[tilespmem:s2], [sflag:$0x3] =	stream.linear.gather [hbm4b:s9+s2], $0x6400, $0x38;
	[tilespmem:$0x16400] =	vst v63  }
0x13: {  	_ =	swait.ge [sflag:s15], $0x6400  }
0x14: {  	[sflag:s15] =	ssyncset.done $0x0  }
0x15: {  	[sflag:s15] =	ssyncadd.s32 $0xFFFF9C00  }
0x16: {  	[tilespmem:s17], [sflag:$0x1] =	stream.indirect.gather [hbm4b:s3+s16], $0x80, s2, s16, $0xb8;
	[tilespmem:$0x16400] =	vst v63  }
0x17: {  	_ = 	snop  }
0x18: {  	[tilespmem:s18], [sflag:$0x1] =	stream.indirect.gather [hbm4b:s3+s16], $0x80, s16, s16, $0xb8;
	[tilespmem:$0x16400] =	vst v63  }
0x19: {  	_ =	swait.ge [sflag:s19], $0x4000  }
0x1a: {  	[sflag:s19] =	ssyncset.done $0x0  }
0x1b: {  	[sflag:s19] =	ssyncadd.s32 $0xFFFFC000  }
0x1c: {  	_ =	swait.ge [sflag:s19], $0x4000  }
0x1d: {  	[sflag:s19] =	ssyncset.done $0x0  }
0x1e: {  	s0 =	simm.s32 $0x100;
	[sflag:s19] =	ssyncadd.s32 $0xFFFFC000  }
0x1f: {  	[tilespmem:s21], [sflag:$0x1] =	stream.indirect.gather [hbm4b:s3+s16], $0x80, s0, s16, $0xb8;
	[tilespmem:$0x16400] =	vst v63  }
0x20: {  	_ = 	snop  }
0x21: {  	[tilespmem:s23], [sflag:$0x1] =	stream.indirect.gather [hbm4b:s3+s16], $0x80, s22, s16, $0xb8;
	[tilespmem:$0x16400] =	vst v63  }
0x22: {  	_ = 	snop  }
0x23: {  	[hbm4b:s5+s2] =	stream.linear.scatter [tilespmem:s17], [sflag:$0x2], $0x4000, $0x38;
	[tilespmem:$0x16400] =	vst v63  }
0x24: {  	_ = 	snop  }
0x25: {  	[hbm4b:s6+s2] =	stream.linear.scatter [tilespmem:s18], [sflag:$0x2], $0x4000, $0x38;
	[tilespmem:$0x16400] =	vst v63  }
0x26: {  	_ =	swait.ge [sflag:s19], $0x4000  }
0x27: {  	[sflag:s19] =	ssyncset.done $0x0  }
0x28: {  	[sflag:s19] =	ssyncadd.s32 $0xFFFFC000  }
0x29: {  	_ =	swait.ge [sflag:s19], $0x4000  }
0x2a: {  	[sflag:s19] =	ssyncset.done $0x0  }
0x2b: {  	[sflag:s19] =	ssyncadd.s32 $0xFFFFC000  }
0x2c: {  	_ =	swait.ge [sflag:s24], $0x4000  }
0x2d: {  	[sflag:s24] =	ssyncset.done $0x0  }
0x2e: {  	[sflag:s24] =	ssyncadd.s32 $0xFFFFC000  }
0x2f: {  	_ =	swait.ge [sflag:s24], $0x4000  }
0x30: {  	[sflag:s24] =	ssyncset.done $0x0  }
0x31: {  	[sflag:s24] =	ssyncadd.s32 $0xFFFFC000  }
0x32: {  	[tilespmem:s17], [sflag:$0x1] =	stream.indirect.gather [hbm4b:s3+s16], $0x80, s25, s16, $0xb8;
	[tilespmem:$0x16400] =	vst v63  }
0x33: {  	_ = 	snop  }
0x34: {  	[tilespmem:s18], [sflag:$0x1] =	stream.indirect.gather [hbm4b:s3+s16], $0x80, s26, s16, $0xb8;
	[tilespmem:$0x16400] =	vst v63  }
0x35: {  	_ = 	snop  }
0x36: {  	[hbm4b:s7+s2] =	stream.linear.scatter [tilespmem:s21], [sflag:$0x2], $0x4000, $0x38;
	[tilespmem:$0x16400] =	vst v63  }
0x37: {  	_ = 	snop  }
0x38: {  	[hbm4b:s8+s2] =	stream.linear.scatter [tilespmem:s23], [sflag:$0x2], $0x4000, $0x38;
	[tilespmem:$0x16400] =	vst v63  }
0x39: {  	_ =	swait.ge [sflag:s19], $0x4000  }
0x3a: {  	[sflag:s19] =	ssyncset.done $0x0  }
0x3b: {  	[sflag:s19] =	ssyncadd.s32 $0xFFFFC000  }
0x3c: {  	_ =	swait.ge [sflag:s19], $0x4000  }
0x3d: {  	[sflag:s19] =	ssyncset.done $0x0  }
0x3e: {  	[sflag:s19] =	ssyncadd.s32 $0xFFFFC000  }
0x3f: {  	_ =	swait.ge [sflag:s24], $0x4000  }
0x40: {  	[sflag:s24] =	ssyncset.done $0x0  }
0x41: {  	[sflag:s24] =	ssyncadd.s32 $0xFFFFC000  }
0x42: {  	_ =	swait.ge [sflag:s24], $0x4000  }
0x43: {  	[sflag:s24] =	ssyncset.done $0x0  }
0x44: {  	s1 =	simm.s32 $0x300;
	[sflag:s24] =	ssyncadd.s32 $0xFFFFC000  }
0x45: {  	[tilespmem:s21], [sflag:$0x1] =	stream.indirect.gather [hbm4b:s3+s16], $0x80, s1, s16, $0xb8;
	[tilespmem:$0x16400] =	vst v63  }
0x46: {  	s20 =	simm.s32 $0x380  }
0x47: {  	[tilespmem:s23], [sflag:$0x1] =	stream.indirect.gather [hbm4b:s3+s16], $0x80, s20, s16, $0xb8;
	[tilespmem:$0x16400] =	vst v63  }
0x48: {  	_ = 	snop  }
0x49: {  	[hbm4b:s14+s2] =	stream.linear.scatter [tilespmem:s17], [sflag:$0x2], $0x4000, $0x38;
	[tilespmem:$0x16400] =	vst v63  }
0x4a: {  	s1 =	sadd.s32 $0x800, s14  }
0x4b: {  	[hbm4b:s1+s2] =	stream.linear.scatter [tilespmem:s18], [sflag:$0x2], $0x4000, $0x38;
	[tilespmem:$0x16400] =	vst v63  }
0x4c: {  	_ =	swait.ge [sflag:s19], $0x4000  }
0x4d: {  	[sflag:s19] =	ssyncset.done $0x0  }
0x4e: {  	[sflag:s19] =	ssyncadd.s32 $0xFFFFC000  }
0x4f: {  	_ =	swait.ge [sflag:s19], $0x4000  }
0x50: {  	[sflag:s19] =	ssyncset.done $0x0  }
0x51: {  	[sflag:s19] =	ssyncadd.s32 $0xFFFFC000  }
0x52: {  	_ =	swait.ge [sflag:s24], $0x4000  }
0x53: {  	[sflag:s24] =	ssyncset.done $0x0  }
0x54: {  	[sflag:s24] =	ssyncadd.s32 $0xFFFFC000  }
0x55: {  	_ =	swait.ge [sflag:s24], $0x4000  }
0x56: {  	[sflag:s24] =	ssyncset.done $0x0  }
0x57: {  	s20 =	simm.s32 $0x400;
	[sflag:s24] =	ssyncadd.s32 $0xFFFFC000  }
0x58: {  	[tilespmem:s17], [sflag:$0x1] =	stream.indirect.gather [hbm4b:s3+s16], $0x80, s20, s16, $0xb8;
	[tilespmem:$0x16400] =	vst v63  }
0x59: {  	s31 =	simm.s32 $0x800;
	s1 =	simm.s32 $0x480  }
0x5a: {  	[tilespmem:s18], [sflag:$0x1] =	stream.indirect.gather [hbm4b:s3+s16], $0x80, s1, s16, $0xb8;
	[tilespmem:$0x16400] =	vst v63  }
0x5b: {  	s0 =	sadd.s32 $0x2000, s14;
	s20 =	sadd.s32 $0x1000, s14;
	s1 =	sadd.s32 $0x1800, s14  }
0x5c: {  	[hbm4b:s20+s2] =	stream.linear.scatter [tilespmem:s21], [sflag:$0x2], $0x4000, $0x38;
	[tilespmem:$0x16400] =	vst v63  }
.LBB2_2:
0x5d: {  	[hbm4b:s1+s2] =	stream.linear.scatter [tilespmem:s23], [sflag:$0x2], $0x4000, $0x38;
	[tilespmem:$0x16400] =	vst v63  }
0x5e: {  	s1 =	smov.u32 s31  }
0x5f: {  	p0 =	sne.s32 s31, $0x17800;
	s31 =	sadd.s32 $0x800, s31;
	_ =	swait.ge [sflag:s19], $0x4000  }
0x60: {  	[sflag:s19] =	ssyncset.done $0x0  }
0x61: {  	[sflag:s19] =	ssyncadd.s32 $0xFFFFC000  }
0x62: {  	_ =	swait.ge [sflag:s19], $0x4000  }
0x63: {  	[sflag:s19] =	ssyncset.done $0x0  }
0x64: {  	[sflag:s19] =	ssyncadd.s32 $0xFFFFC000  }
0x65: {  	_ =	swait.ge [sflag:s24], $0x4000  }
0x66: {  	[sflag:s24] =	ssyncset.done $0x0  }
0x67: {  	[sflag:s24] =	ssyncadd.s32 $0xFFFFC000  }
0x68: {  	_ =	swait.ge [sflag:s24], $0x4000  }
0x69: {  	s1 =	sshra.s32 s1, $0x2;
	[sflag:s24] =	ssyncset.done $0x0  }
0x6a: {  	s20 =	sadd.s32 $0x300, s1;
	[sflag:s24] =	ssyncadd.s32 $0xFFFFC000  }
0x6b: {  	[tilespmem:s21], [sflag:$0x1] =	stream.indirect.gather [hbm4b:s3+s16], $0x80, s20, s16, $0xb8;
	[tilespmem:$0x16400] =	vst v63  }
0x6c: {  	s20 =	sadd.s32 $0x380, s1  }
0x6d: {  	[tilespmem:s23], [sflag:$0x1] =	stream.indirect.gather [hbm4b:s3+s16], $0x80, s20, s16, $0xb8;
	[tilespmem:$0x16400] =	vst v63  }
0x6e: {  	_ = 	snop  }
0x6f: {  	[hbm4b:s0+s2] =	stream.linear.scatter [tilespmem:s17], [sflag:$0x2], $0x4000, $0x38;
	[tilespmem:$0x16400] =	vst v63  }
0x70: {  	s20 =	sadd.s32 $0x800, s0  }
0x71: {  	[hbm4b:s20+s2] =	stream.linear.scatter [tilespmem:s18], [sflag:$0x2], $0x4000, $0x38;
	[tilespmem:$0x16400] =	vst v63  }
0x72: {  	_ =	swait.ge [sflag:s19], $0x4000  }
0x73: {  	[sflag:s19] =	ssyncset.done $0x0  }
0x74: {  	[sflag:s19] =	ssyncadd.s32 $0xFFFFC000  }
0x75: {  	_ =	swait.ge [sflag:s19], $0x4000  }
0x76: {  	[sflag:s19] =	ssyncset.done $0x0  }
0x77: {  	[sflag:s19] =	ssyncadd.s32 $0xFFFFC000  }
0x78: {  	_ =	swait.ge [sflag:s24], $0x4000  }
0x79: {  	[sflag:s24] =	ssyncset.done $0x0  }
0x7a: {  	[sflag:s24] =	ssyncadd.s32 $0xFFFFC000  }
0x7b: {  	_ =	swait.ge [sflag:s24], $0x4000  }
0x7c: {  	[sflag:s24] =	ssyncset.done $0x0  }
0x7d: {  	s20 =	sadd.s32 $0x400, s1;
	[sflag:s24] =	ssyncadd.s32 $0xFFFFC000  }
0x7e: {  	[tilespmem:s17], [sflag:$0x1] =	stream.indirect.gather [hbm4b:s3+s16], $0x80, s20, s16, $0xb8;
	[tilespmem:$0x16400] =	vst v63  }
.Ltmp0:
0x7f: {  	s1 =	sadd.s32 $0x480, s1;
	(pc) =	sbr.rel @p0 .LBB2_2-.Ltmp0, $4  }
0x80: {  	[tilespmem:s18], [sflag:$0x1] =	stream.indirect.gather [hbm4b:s3+s16], $0x80, s1, s16, $0xb8;
	[tilespmem:$0x16400] =	vst v63  }
0x81: {  	s1 =	sadd.s32 $0x1000, s0  }
0x82: {  	[hbm4b:s1+s2] =	stream.linear.scatter [tilespmem:s21], [sflag:$0x2], $0x4000, $0x38;
	[tilespmem:$0x16400] =	vst v63  }
0x83: {  	s1 =	sadd.s32 $0x1800, s0;
	s0 =	sadd.s32 $0x2000, s0  }
0x84: {  	[hbm4b:s1+s2] =	stream.linear.scatter [tilespmem:s23], [sflag:$0x2], $0x4000, $0x38;
	[tilespmem:$0x16400] =	vst v63  }
0x85: {  	_ =	swait.ge [sflag:s19], $0x4000  }
0x86: {  	[sflag:s19] =	ssyncset.done $0x0  }
0x87: {  	[sflag:s19] =	ssyncadd.s32 $0xFFFFC000  }
0x88: {  	_ =	swait.ge [sflag:s19], $0x4000  }
0x89: {  	[sflag:s19] =	ssyncset.done $0x0  }
0x8a: {  	[sflag:s19] =	ssyncadd.s32 $0xFFFFC000  }
0x8b: {  	_ =	swait.ge [sflag:s24], $0x4000  }
0x8c: {  	[sflag:s24] =	ssyncset.done $0x0  }
0x8d: {  	[sflag:s24] =	ssyncadd.s32 $0xFFFFC000  }
0x8e: {  	_ =	swait.ge [sflag:s24], $0x4000  }
0x8f: {  	[sflag:s24] =	ssyncset.done $0x0  }
0x90: {  	[sflag:s24] =	ssyncadd.s32 $0xFFFFC000  }
0x91: {  	[tilespmem:s21], [sflag:$0x1] =	stream.indirect.gather [hbm4b:s3+s16], $0x80, s28, s16, $0xb8;
	[tilespmem:$0x16400] =	vst v63  }
0x92: {  	_ = 	snop  }
0x93: {  	[tilespmem:s23], [sflag:$0x1] =	stream.indirect.gather [hbm4b:s3+s16], $0x80, s29, s16, $0xb8;
	[tilespmem:$0x16400] =	vst v63  }
0x94: {  	_ = 	snop  }
0x95: {  	[hbm4b:s10+s2] =	stream.linear.scatter [tilespmem:s17], [sflag:$0x2], $0x4000, $0x38;
	[tilespmem:$0x16400] =	vst v63  }
0x96: {  	_ = 	snop  }
0x97: {  	[hbm4b:s11+s2] =	stream.linear.scatter [tilespmem:s18], [sflag:$0x2], $0x4000, $0x38;
	[tilespmem:$0x16400] =	vst v63  }
0x98: {  	_ =	swait.ge [sflag:s19], $0x4000  }
0x99: {  	[sflag:s19] =	ssyncset.done $0x0  }
0x9a: {  	[sflag:s19] =	ssyncadd.s32 $0xFFFFC000  }
0x9b: {  	_ =	swait.ge [sflag:s19], $0x4000  }
0x9c: {  	[sflag:s19] =	ssyncset.done $0x0  }
0x9d: {  	[sflag:s19] =	ssyncadd.s32 $0xFFFFC000  }
0x9e: {  	_ =	swait.ge [sflag:s24], $0x4000  }
0x9f: {  	[sflag:s24] =	ssyncset.done $0x0  }
0xa0: {  	[sflag:s24] =	ssyncadd.s32 $0xFFFFC000  }
0xa1: {  	_ =	swait.ge [sflag:s24], $0x4000  }
0xa2: {  	[sflag:s24] =	ssyncset.done $0x0  }
0xa3: {  	[sflag:s24] =	ssyncadd.s32 $0xFFFFC000  }
0xa4: {  	[hbm4b:s12+s2] =	stream.linear.scatter [tilespmem:s21], [sflag:$0x2], $0x4000, $0x38;
	[tilespmem:$0x16400] =	vst v63  }
0xa5: {  	s30 =	sadd.s32 $0x1, s30  }
0xa6: {  	[hbm4b:s13+s2] =	stream.linear.scatter [tilespmem:s23], [sflag:$0x2], $0x4000, $0x38;
	[tilespmem:$0x16400] =	vst v63  }
0xa7: {  	p0 =	sne.s32 s30, s4;
	_ =	swait.ge [sflag:s24], $0x4000  }
.Ltmp1:
0xa8: {  	[sflag:s24] =	ssyncset.done $0x0;
	(pc) =	sbr.rel @p0 .LBB2_1-.Ltmp1, $4  }
0xa9: {  	[sflag:s24] =	ssyncadd.s32 $0xFFFFC000  }
0xaa: {  	_ =	swait.ge [sflag:s24], $0x4000  }
0xab: {  	[sflag:s24] =	ssyncset.done $0x0  }
0xac: {  	[sflag:s24] =	ssyncadd.s32 $0xFFFFC000  }
0xad: {  	_ =	sfence.sel $0x180000  }
0xae: {  	[bflag:$0x0] =	sbarrier.arrive $0xFFFF  }
0xaf: {  	_ =	strace $0x90000047  }
0xb0: {  	s0 =	stileid.u32;
	[bflag:$0x2] =	sbarrier.arrive $0xFFFF  }
0xb1: {  	p0 =	sne.s32 s0, $0x0;
	s0 =	rddreg [dreg:$0x1]  }
0xb2: {  	s0 =	sadd.s32 @!p0 $0x100000, s0  }
0xb3: {  	[sflag:s0] =	ssyncadd.tile.s32 @!p0 $0x1;
	_ =	shalt  }
.Lfunc_end2:
_tile_overlayer_lowered:
.L_overlay_start_2:
0xb4: {  	(tag) =	ssettag $0x2  }
0xb5: {  	s0 =	rddreg [dreg:$0x0];
	s2 =	stileid.u32  }
0xb6: {  	s1 =	rddreg [dreg:$0x1];
	p0 =	sne.s32 s2, $0x0  }
0xb7: {  	s3 =	rddreg [dreg:$0x2];
	[bflag:$0x3] =	sbarrier.arrive $0xFFFF;
	s2 =	simm.s32 @!p0 $0x1C03  }
0xb8: {  	[timem:s3], [sflag:s2] =	dma.local @!p0 [hbm:s0], s1  }
0xb9: {  	s0 =	simm.s32 @!p0 $0x3  }
0xba: {  	_ =	swait.ge @!p0 [sflag:s0], s1  }
0xbb: {  	s1 =	ssub.s32 @!p0 $0x0, s1;
	[sflag:s0] =	ssyncset.done @!p0 $0x0  }
0xbc: {  	[sflag:s0] =	ssyncadd.s32 @!p0 s1  }
0xbd: {  	[bflag:$0x3] =	sbarrier.arrive $0xFFFF  }
0xbe: {  	_ =	shalt  }

// kernel: kernel.18.cloned.1.call-start
scs
__scs_entry_jumppad:
0x0: {  	(pc) =	sbr.rel $0x88, $3  }
0x1: {  	(tag) =	ssettag $0x0;
	lr =	simm.s32 $0x1  }
0x2: {  	[smem:$0x3F8A] =	sst lr;
	_ =	strace $0xD0000000  }
0x3: {  	_ = 	snop  }
0x4: {  	_ = 	snop  }
0x5: {  	_ = 	snop  }
0x6: {  	_ = 	snop  }
0x7: {  	_ = 	snop  }
__scs_overlays_trampoline_lowered:
0x8: {  	[smem:$0x3F99] =	sst s0  }
0x9: {  	[smem:$0x3F9A] =	sst s1  }
0xa: {  	[smem:$0x3F9B] =	sst s2  }
0xb: {  	[smem:$0x3F9C] =	sst s3  }
0xc: {  	[smem:$0x3F9D] =	sst s4  }
0xd: {  	[smem:$0x3F9E] =	sst s5  }
0xe: {  	[smem:$0x3F9F] =	sst s6  }
0xf: {  	[smem:$0x3FA0] =	sst s7  }
0x10: {  	[smem:$0x3FA1] =	sst s8  }
0x11: {  	[smem:$0x3FA2] =	sst s9;
	s0 =	simm.s32 @!p0 $0x0  }
0x12: {  	s1 =	sld [smem:$0x3F88];
	s0 =	simm.s32 @p0 $0x1  }
0x13: {  	[smem:$0x3FA3] =	sst s0;
	s0 =	simm.s32 @!p1 $0x0  }
0x14: {  	s2 =	sld [smem:$0x3F87];
	s0 =	simm.s32 @p1 $0x1  }
0x15: {  	[smem:$0x3FA4] =	sst s0;
	s0 =	simm.s32 @!p2 $0x0  }
0x16: {  	s3 =	sld [smem:$0x3FDB];
	s0 =	simm.s32 @p2 $0x1  }
0x17: {  	s4 =	simm.s32 $0x1BF5;
	[smem:$0x3FA6] =	sst s0  }
0x18: {  	s0 =	sld [smem:$0x3F89];
	_ =	swait.ge [sflag:s4], $0x0  }
0x19: {  	s7 =	sld [smem:$0x3F8A]  }
0x1a: {  	s8 =	sadd.s32 $0xFFFFE003, lr  }
0x1b: {  	s9 =	sadd.s32 $0xFFFFFEF7, lr;
	s5 =	simm.s32 $0xFFFFFFFF;
	p2 =	slt.u32 s8, $0xFFFFF086  }
0x1c: {  	p1 =	slt.u32 s9, $0xF7A;
	s5 =	simm.s32 @!p2 $0x0  }
0x1d: {  	s5 =	simm.s32 @p1 $0x1;
	p0 =	seq.s32 s7, s2  }
0x1e: {  	s7 =	smul.u32 @!p0 $0xF7A, s2;
	p2 =	seq.s32 @!p0 s5, $0x0  }
0x1f: {  	s9 =	smul.u32 $0xF7A, s1;
	s8 =	simm.s32 @!p0 $0x1BF5;
	p2 =	por !p2, p0  }
0x20: {  	[sflag:s8] =	ssyncset.s32 @!p0 $0xFFFFF086;
	s6 =	sadd.s32 @!p0 s3, s7;
	s7 =	simm.s32 @!p0 $0x108  }
0x21: {  	s3 =	sadd.s32 s3, s9;
	s6 =	sadd.s32 @!p0 $0x88, s6;
	s7 =	simm.s32 @p2 $0x1082  }
0x22: {  	[simem:s7], [sflag:s8] =	dma.local @!p0 [hbm:s6], $0xF7A  }
0x23: {  	s9 =	sor.u32 $0xD0000000, s2;
	s6 =	simm.s32 $0x108;
	_ =	swait.ge @!p0 [sflag:s8], $0x0  }
0x24: {  	s3 =	sadd.s32 $0x88, s3;
	s6 =	simm.s32 @!p1 $0x1082;
	[sflag:s4] =	ssyncset.s32 $0xFFFFF086  }
0x25: {  	[simem:s6], [sflag:s4] =	dma.local [hbm:s3], $0xF7A  }
0x26: {  	[smem:$0x3F8A] =	sst s1;
	(tag) =	ssettag s2;
	_ =	strace s9  }
0x27: {  	s1 =	sld [smem:$0x3F9A]  }
0x28: {  	s2 =	sld [smem:$0x3F9B]  }
0x29: {  	s4 =	sld [smem:$0x3F9D]  }
0x2a: {  	p0 =	seq.s32 s5, $0x0;
	s5 =	sld [smem:$0x3F9E]  }
0x2b: {  	s6 =	sld [smem:$0x3F9F]  }
0x2c: {  	s7 =	sld [smem:$0x3FA0]  }
0x2d: {  	s3 =	simm.s32 $0x108;
	s8 =	sld [smem:$0x3FA1]  }
0x2e: {  	s3 =	simm.s32 @!p0 $0x1082;
	s9 =	sld [smem:$0x3FA2]  }
0x2f: {  	lr =	sadd.s32 s0, s3;
	s0 =	sld [smem:$0x3F99]  }
0x30: {  	s3 =	sld [smem:$0x3F9C]  }
0x31: {  	[smem:$0x3FA5] =	sst s10  }
0x32: {  	s10 =	sld [smem:$0x3FA3];
	_ =	sdelay $0x3  }
0x33: {  	p0 =	seq.s32 s10, $0x1;
	s10 =	sld [smem:$0x3FA5];
	_ =	sdelay $0x3  }
0x34: {  	[smem:$0x3FA5] =	sst s10  }
0x35: {  	s10 =	sld [smem:$0x3FA4];
	_ =	sdelay $0x3  }
0x36: {  	p1 =	seq.s32 s10, $0x1;
	s10 =	sld [smem:$0x3FA5];
	_ =	sdelay $0x3  }
0x37: {  	[smem:$0x3FA5] =	sst s10  }
0x38: {  	s10 =	sld [smem:$0x3FA6]  }
0x39: {  	_ = 	snop;
	(pc) =	sbr.ind lr, $3  }
0x3a: {  	_ = 	snop  }
0x3b: {  	_ = 	snop  }
0x3c: {  	p2 =	seq.s32 s10, $0x1;
	s10 =	sld [smem:$0x3FA5]  }
0x3d: {  	_ =	shalt  }
0x3e: {  	_ =	shalt  }
0x3f: {  	_ =	shalt  }
0x40: {  	_ =	shalt  }
0x41: {  	_ =	shalt  }
0x42: {  	_ =	shalt  }
0x43: {  	_ =	shalt  }
0x44: {  	_ =	shalt  }
0x45: {  	_ =	shalt  }
0x46: {  	_ =	shalt  }
0x47: {  	_ =	shalt  }
0x48: {  	_ =	shalt  }
0x49: {  	_ =	shalt  }
0x4a: {  	_ =	shalt  }
0x4b: {  	_ =	shalt  }
0x4c: {  	_ =	shalt  }
0x4d: {  	_ =	shalt  }
0x4e: {  	_ =	shalt  }
0x4f: {  	_ =	shalt  }
0x50: {  	_ =	shalt  }
0x51: {  	_ =	shalt  }
0x52: {  	_ =	shalt  }
0x53: {  	_ =	shalt  }
0x54: {  	_ =	shalt  }
0x55: {  	_ =	shalt  }
0x56: {  	_ =	shalt  }
0x57: {  	_ =	shalt  }
0x58: {  	_ =	shalt  }
0x59: {  	_ =	shalt  }
0x5a: {  	_ =	shalt  }
0x5b: {  	_ =	shalt  }
0x5c: {  	_ =	shalt  }
0x5d: {  	_ =	shalt  }
0x5e: {  	_ =	shalt  }
0x5f: {  	_ =	shalt  }
0x60: {  	_ =	shalt  }
0x61: {  	_ =	shalt  }
0x62: {  	_ =	shalt  }
0x63: {  	_ =	shalt  }
0x64: {  	_ =	shalt  }
0x65: {  	_ =	shalt  }
0x66: {  	_ =	shalt  }
0x67: {  	_ =	shalt  }
0x68: {  	_ =	shalt  }
0x69: {  	_ =	shalt  }
0x6a: {  	_ =	shalt  }
0x6b: {  	_ =	shalt  }
0x6c: {  	_ =	shalt  }
0x6d: {  	_ =	shalt  }
0x6e: {  	_ =	shalt  }
0x6f: {  	_ =	shalt  }
0x70: {  	_ =	shalt  }
0x71: {  	_ =	shalt  }
0x72: {  	_ =	shalt  }
0x73: {  	_ =	shalt  }
0x74: {  	_ =	shalt  }
0x75: {  	_ =	shalt  }
0x76: {  	_ =	shalt  }
0x77: {  	_ =	shalt  }
0x78: {  	_ =	shalt  }
0x79: {  	_ =	shalt  }
0x7a: {  	_ =	shalt  }
0x7b: {  	_ =	shalt  }
0x7c: {  	_ =	shalt  }
0x7d: {  	_ =	shalt  }
0x7e: {  	_ =	shalt  }
0x7f: {  	_ =	shalt  }
0x80: {  	_ =	shalt  }
0x81: {  	_ =	shalt  }
0x82: {  	_ =	shalt  }
0x83: {  	_ =	shalt  }
0x84: {  	_ =	shalt  }
0x85: {  	_ =	shalt  }
0x86: {  	_ =	shalt  }
0x87: {  	_ =	shalt  }
.Lfunc_end0:
.L_simem_size_0:
called_computation.1_lowered:
.L_overlay_start_0:
0x88: {  	s2 =	sld [smem:$0x3FD9]  }
0x89: {  	s3 =	sld [smem:$0x3FFE];
	_ =	sdelay $0x1  }
0x8a: {  	s1 =	srdreg.scid  }
0x8b: {  	s0 =	sand.u32 $0x1, s1  }
0x8c: {  	s16 =	sshll.u32 s0, $0xA;
	s2 =	sadd.s32 s3, s2  }
0x8d: {  	s2 =	sadd.s32 s2, s16  }
0x8e: {  	[smem:$0x3FB1] =	sst s2  }
0x8f: {  	_ = 	snop  }
0x90: {  	(tm) =	ssettm $0x1  }
0x91: {  	s17 =	sld [smem:$0x3FFB];
	_ =	sdelay $0x3  }
0x92: {  	_ =	strace s17  }
0x93: {  	s2 =	sld [smem:$0x3FFC];
	_ =	sdelay $0x3  }
0x94: {  	_ =	strace s2  }
0x95: {  	s2 =	sld [smem:$0x3FFD];
	_ =	sdelay $0x3  }
0x96: {  	_ =	strace s2  }
0x97: {  	_ =	strace $0x8FFFFFFF  }
0x98: {  	s18 =	sld [smem:$0x3FDB];
	_ =	sdelay $0x1  }
0x99: {  	s19 =	simm.s32 $_scs_section_size  }
0x9a: {  	s4 =	simm.s32 $_size__tile_overlayer_lowered;
	s5 =	simm.s32 $_tile_overlayer_lowered  }
0x9b: {  	s22 =	simm.s32 $0x1BFF;
	s21 =	sshll.u32 s5, $0x1;
	s2 =	sadd.s32 s19, s18  }
0x9c: {  	s6 =	simm.s32 $0x0;
	s20 =	sshll.u32 s4, $0x1;
	s4 =	sadd.s32 s21, s2  }
0x9d: {  	[timem:s6], [sflag:s22] =	dma.local [hbm:s4], s20  }
0x9e: {  	_ =	swait.ge [sflag:s22], s20  }
0x9f: {  	s3 =	ssub.s32 $0x0, s20;
	[sflag:s22] =	ssyncset.done $0x0  }
0xa0: {  	[sflag:s22] =	ssyncadd.s32 s3;
	_ =	sdelay $0x1  }
0xa1: {  	s23 =	simm.s32 $0x1B8B  }
0xa2: {  	_ =	swait.ge [sflag:s23], $0x1  }
0xa3: {  	[sflag:s23] =	ssyncset.done $0x0  }
0xa4: {  	s25 =	simm.s32 $0x1B8E;
	s24 =	sld [smem:$0x3FFE];
	[sflag:s23] =	ssyncadd.s32 $0xFFFFFFFF  }
0xa5: {  	s26 =	simm.s32 $execute0_lowered;
	[smem:$0x3FD2] =	sst s25  }
0xa6: {  	s4 =	sshll.u32 s26, $0x1;
	_ =	strace $0x80000049;
	[dreg:$0x1] =	wrdreg $0xFFFFFFFF  }
0xa7: {  	s28 =	simm.s32 $_size_execute0_lowered;
	s2 =	sadd.s32 s2, s4;
	[dreg:$0x0] =	wrdreg $0x0  }
0xa8: {  	s4 =	sshll.u32 s28, $0x1;
	[dreg:$0x2] =	wrdreg s2  }
0xa9: {  	[dreg:$0x3] =	wrdreg s4  }
0xaa: {  	[dreg:$0x4] =	wrdreg $0xC0  }
0xab: {  	_ =	task [dreg:s6], $0x5FFFF  }
0xac: {  	[dreg:$0x1] =	wrdreg $0xFFFFFFFF  }
0xad: {  	[dreg:$0x0] =	wrdreg $0x60  }
0xae: {  	[dreg:$0x2] =	wrdreg s24  }
0xaf: {  	[dreg:$0x3] =	wrdreg $0x9  }
0xb0: {  	_ =	task.clear_ibuf [dreg:s6], $0x4FFFF;
	_ =	strace $0x90000049  }
0xb1: {  	s29 =	simm.s32 $0x9;
	_ =	strace $0x8000004B  }
0xb2: {  	_ =	swait.ge [sflag:s29], $0x1  }
0xb3: {  	[sflag:s29] =	ssyncadd.s32 $0xFFFFFFFF  }
0xb4: {  	_ =	strace $0x9000004B  }
0xb5: {  	_ =	sfence  }
0xb6: {  	s30 =	sld [smem:$0x0];
	_ =	sdelay $0x2  }
0xb7: {  	s31 =	sshll.u32 s1, $0xD;
	s1 =	sshrl.u32 s1, $0x2  }
0xb8: {  	s3 =	sand.u32 $0x4000, s31;
	s1 =	sadd.s32 s1, s30  }
0xb9: {  	s0 =	sor.u32 s3, s0;
	s1 =	sshll.u32 s1, $0x11  }
0xba: {  	s0 =	sor.u32 s1, s0  }
0xbb: {  	s0 =	sadd.s32 $0x8F2B, s0  }
0xbc: {  	[sflag:s0] =	ssyncadd.remote.s32 $0x1  }
0xbd: {  	_ =	sfence.sel $0xFFFF  }
0xbe: {  	[dreg:$0x0] =	wrdreg $0xFFFFFFFF;
	(pc) =	sbr.abs _section_cstart, $3  }
0xbf: {  	[dreg:$0x1] =	wrdreg $0xFFFFFFFF  }
0xc0: {  	_ =	task.clear_ibuf [dreg:s6], $0x2FFFF;
	_ =	strace $0x9FFFFFFF  }
0xc1: {  	(tm) =	ssettm $0x7FFFFFFF  }
tec
execute0_lowered:
.L_overlay_start_1:
0x0: {  	(tag) =	ssettag $0x1  }
0x1: {  	s0 =	rddreg [dreg:$0x0];
	s6 =	stileid.u32  }
0x2: {  	s2 =	simm.s32 $0x0;
	s3 =	srdreg.scid;
	s15 =	simm.s32 $0x3  }
0x3: {  	s16 =	simm.s32 $0x80;
	s17 =	simm.s32 $0x6400;
	s18 =	simm.s32 $0xA400  }
0x4: {  	s19 =	simm.s32 $0x1;
	s21 =	simm.s32 $0xE400;
	s22 =	simm.s32 $0x180  }
0x5: {  	s23 =	simm.s32 $0x12400;
	s24 =	simm.s32 $0x2;
	s25 =	simm.s32 $0x200  }
0x6: {  	s28 =	simm.s32 $0x6300;
	s29 =	simm.s32 $0x6380;
	s30 =	simm.s32 $0x0  }
0x7: {  	s1 =	smul.u32 $0xC8, s6;
	[smem:$0x7FF] =	sst s2;
	s4 =	sand.u32 $0x1, s3  }
0x8: {  	s6 =	smul.u32 $0xC80, s6;
	s3 =	sadd.s32 $0x1E400, s0;
	s31 =	sadd.s32 $0x1A5000, s0  }
0x9: {  	p0 =	seq.s32 s4, $0x0;
	s4 =	ssub.s32 $0x2, s4;
	s5 =	sadd.s32 $0xC80, s1  }
0xa: {  	_ =	strace $0x8000004A;
	s26 =	sshrl.u32 s4, $0x1;
	s7 =	sshll.u32 s5, $0x4  }
0xb: {  	s5 =	smov.u32 @p0 s1;
	s4 =	ssub.s32 s4, s26;
	s26 =	simm.s32 $0x280  }
0xc: {  	s7 =	smov.u32 @p0 s6;
	s12 =	sshll.u32 s5, $0xB;
	s4 =	smax.u32 s4, $0x1  }
0xd: {  	s9 =	sadd.s32 s7, s0;
	s0 =	sadd.s32 $0x1A5800, s0;
	s8 =	sor.u32 $0x1000, s12  }
0xe: {  	s5 =	sadd.s32 s31, s12;
	s11 =	sadd.s32 $0x62000, s12;
	s13 =	sadd.s32 $0x63000, s12  }
0xf: {  	s6 =	sadd.s32 s12, s0;
	s7 =	sadd.s32 s31, s8;
	s8 =	sadd.s32 s8, s0  }
0x10: {  	s9 =	sadd.s32 $0x5400, s9;
	s10 =	sadd.s32 s31, s11;
	s11 =	sadd.s32 s11, s0  }
0x11: {  	s12 =	sadd.s32 s31, s13;
	s13 =	sadd.s32 s13, s0;
	s14 =	sadd.s32 $0x2000, s5  }
.LBB2_1:
0x12: {  	[tilespmem:s2], [sflag:$0x3] =	stream.linear.gather [hbm4b:s9+s2], $0x6400, $0x38;
	[tilespmem:$0x16400] =	vst v63  }
0x13: {  	_ =	swait.ge [sflag:s15], $0x6400  }
0x14: {  	[sflag:s15] =	ssyncset.done $0x0  }
0x15: {  	[sflag:s15] =	ssyncadd.s32 $0xFFFF9C00  }
0x16: {  	[tilespmem:s17], [sflag:$0x1] =	stream.indirect.gather [hbm4b:s3+s16], $0x80, s2, s16, $0xb8;
	[tilespmem:$0x16400] =	vst v63  }
0x17: {  	_ = 	snop  }
0x18: {  	[tilespmem:s18], [sflag:$0x1] =	stream.indirect.gather [hbm4b:s3+s16], $0x80, s16, s16, $0xb8;
	[tilespmem:$0x16400] =	vst v63  }
0x19: {  	_ =	swait.ge [sflag:s19], $0x4000  }
0x1a: {  	[sflag:s19] =	ssyncset.done $0x0  }
0x1b: {  	[sflag:s19] =	ssyncadd.s32 $0xFFFFC000  }
0x1c: {  	_ =	swait.ge [sflag:s19], $0x4000  }
0x1d: {  	[sflag:s19] =	ssyncset.done $0x0  }
0x1e: {  	s0 =	simm.s32 $0x100;
	[sflag:s19] =	ssyncadd.s32 $0xFFFFC000  }
0x1f: {  	[tilespmem:s21], [sflag:$0x1] =	stream.indirect.gather [hbm4b:s3+s16], $0x80, s0, s16, $0xb8;
	[tilespmem:$0x16400] =	vst v63  }
0x20: {  	_ = 	snop  }
0x21: {  	[tilespmem:s23], [sflag:$0x1] =	stream.indirect.gather [hbm4b:s3+s16], $0x80, s22, s16, $0xb8;
	[tilespmem:$0x16400] =	vst v63  }
0x22: {  	_ = 	snop  }
0x23: {  	[hbm4b:s5+s2] =	stream.linear.scatter [tilespmem:s17], [sflag:$0x2], $0x4000, $0x38;
	[tilespmem:$0x16400] =	vst v63  }
0x24: {  	_ = 	snop  }
0x25: {  	[hbm4b:s6+s2] =	stream.linear.scatter [tilespmem:s18], [sflag:$0x2], $0x4000, $0x38;
	[tilespmem:$0x16400] =	vst v63  }
0x26: {  	_ =	swait.ge [sflag:s19], $0x4000  }
0x27: {  	[sflag:s19] =	ssyncset.done $0x0  }
0x28: {  	[sflag:s19] =	ssyncadd.s32 $0xFFFFC000  }
0x29: {  	_ =	swait.ge [sflag:s19], $0x4000  }
0x2a: {  	[sflag:s19] =	ssyncset.done $0x0  }
0x2b: {  	[sflag:s19] =	ssyncadd.s32 $0xFFFFC000  }
0x2c: {  	_ =	swait.ge [sflag:s24], $0x4000  }
0x2d: {  	[sflag:s24] =	ssyncset.done $0x0  }
0x2e: {  	[sflag:s24] =	ssyncadd.s32 $0xFFFFC000  }
0x2f: {  	_ =	swait.ge [sflag:s24], $0x4000  }
0x30: {  	[sflag:s24] =	ssyncset.done $0x0  }
0x31: {  	[sflag:s24] =	ssyncadd.s32 $0xFFFFC000  }
0x32: {  	[tilespmem:s17], [sflag:$0x1] =	stream.indirect.gather [hbm4b:s3+s16], $0x80, s25, s16, $0xb8;
	[tilespmem:$0x16400] =	vst v63  }
0x33: {  	_ = 	snop  }
0x34: {  	[tilespmem:s18], [sflag:$0x1] =	stream.indirect.gather [hbm4b:s3+s16], $0x80, s26, s16, $0xb8;
	[tilespmem:$0x16400] =	vst v63  }
0x35: {  	_ = 	snop  }
0x36: {  	[hbm4b:s7+s2] =	stream.linear.scatter [tilespmem:s21], [sflag:$0x2], $0x4000, $0x38;
	[tilespmem:$0x16400] =	vst v63  }
0x37: {  	_ = 	snop  }
0x38: {  	[hbm4b:s8+s2] =	stream.linear.scatter [tilespmem:s23], [sflag:$0x2], $0x4000, $0x38;
	[tilespmem:$0x16400] =	vst v63  }
0x39: {  	_ =	swait.ge [sflag:s19], $0x4000  }
0x3a: {  	[sflag:s19] =	ssyncset.done $0x0  }
0x3b: {  	[sflag:s19] =	ssyncadd.s32 $0xFFFFC000  }
0x3c: {  	_ =	swait.ge [sflag:s19], $0x4000  }
0x3d: {  	[sflag:s19] =	ssyncset.done $0x0  }
0x3e: {  	[sflag:s19] =	ssyncadd.s32 $0xFFFFC000  }
0x3f: {  	_ =	swait.ge [sflag:s24], $0x4000  }
0x40: {  	[sflag:s24] =	ssyncset.done $0x0  }
0x41: {  	[sflag:s24] =	ssyncadd.s32 $0xFFFFC000  }
0x42: {  	_ =	swait.ge [sflag:s24], $0x4000  }
0x43: {  	[sflag:s24] =	ssyncset.done $0x0  }
0x44: {  	s1 =	simm.s32 $0x300;
	[sflag:s24] =	ssyncadd.s32 $0xFFFFC000  }
0x45: {  	[tilespmem:s21], [sflag:$0x1] =	stream.indirect.gather [hbm4b:s3+s16], $0x80, s1, s16, $0xb8;
	[tilespmem:$0x16400] =	vst v63  }
0x46: {  	s20 =	simm.s32 $0x380  }
0x47: {  	[tilespmem:s23], [sflag:$0x1] =	stream.indirect.gather [hbm4b:s3+s16], $0x80, s20, s16, $0xb8;
	[tilespmem:$0x16400] =	vst v63  }
0x48: {  	_ = 	snop  }
0x49: {  	[hbm4b:s14+s2] =	stream.linear.scatter [tilespmem:s17], [sflag:$0x2], $0x4000, $0x38;
	[tilespmem:$0x16400] =	vst v63  }
0x4a: {  	s1 =	sadd.s32 $0x800, s14  }
0x4b: {  	[hbm4b:s1+s2] =	stream.linear.scatter [tilespmem:s18], [sflag:$0x2], $0x4000, $0x38;
	[tilespmem:$0x16400] =	vst v63  }
0x4c: {  	_ =	swait.ge [sflag:s19], $0x4000  }
0x4d: {  	[sflag:s19] =	ssyncset.done $0x0  }
0x4e: {  	[sflag:s19] =	ssyncadd.s32 $0xFFFFC000  }
0x4f: {  	_ =	swait.ge [sflag:s19], $0x4000  }
0x50: {  	[sflag:s19] =	ssyncset.done $0x0  }
0x51: {  	[sflag:s19] =	ssyncadd.s32 $0xFFFFC000  }
0x52: {  	_ =	swait.ge [sflag:s24], $0x4000  }
0x53: {  	[sflag:s24] =	ssyncset.done $0x0  }
0x54: {  	[sflag:s24] =	ssyncadd.s32 $0xFFFFC000  }
0x55: {  	_ =	swait.ge [sflag:s24], $0x4000  }
0x56: {  	[sflag:s24] =	ssyncset.done $0x0  }
0x57: {  	s20 =	simm.s32 $0x400;
	[sflag:s24] =	ssyncadd.s32 $0xFFFFC000  }
0x58: {  	[tilespmem:s17], [sflag:$0x1] =	stream.indirect.gather [hbm4b:s3+s16], $0x80, s20, s16, $0xb8;
	[tilespmem:$0x16400] =	vst v63  }
0x59: {  	s31 =	simm.s32 $0x800;
	s1 =	simm.s32 $0x480  }
0x5a: {  	[tilespmem:s18], [sflag:$0x1] =	stream.indirect.gather [hbm4b:s3+s16], $0x80, s1, s16, $0xb8;
	[tilespmem:$0x16400] =	vst v63  }
0x5b: {  	s0 =	sadd.s32 $0x2000, s14;
	s20 =	sadd.s32 $0x1000, s14;
	s1 =	sadd.s32 $0x1800, s14  }
0x5c: {  	[hbm4b:s20+s2] =	stream.linear.scatter [tilespmem:s21], [sflag:$0x2], $0x4000, $0x38;
	[tilespmem:$0x16400] =	vst v63  }
.LBB2_2:
0x5d: {  	[hbm4b:s1+s2] =	stream.linear.scatter [tilespmem:s23], [sflag:$0x2], $0x4000, $0x38;
	[tilespmem:$0x16400] =	vst v63  }
0x5e: {  	s1 =	smov.u32 s31  }
0x5f: {  	p0 =	sne.s32 s31, $0x17800;
	s31 =	sadd.s32 $0x800, s31;
	_ =	swait.ge [sflag:s19], $0x4000  }
0x60: {  	[sflag:s19] =	ssyncset.done $0x0  }
0x61: {  	[sflag:s19] =	ssyncadd.s32 $0xFFFFC000  }
0x62: {  	_ =	swait.ge [sflag:s19], $0x4000  }
0x63: {  	[sflag:s19] =	ssyncset.done $0x0  }
0x64: {  	[sflag:s19] =	ssyncadd.s32 $0xFFFFC000  }
0x65: {  	_ =	swait.ge [sflag:s24], $0x4000  }
0x66: {  	[sflag:s24] =	ssyncset.done $0x0  }
0x67: {  	[sflag:s24] =	ssyncadd.s32 $0xFFFFC000  }
0x68: {  	_ =	swait.ge [sflag:s24], $0x4000  }
0x69: {  	s1 =	sshra.s32 s1, $0x2;
	[sflag:s24] =	ssyncset.done $0x0  }
0x6a: {  	s20 =	sadd.s32 $0x300, s1;
	[sflag:s24] =	ssyncadd.s32 $0xFFFFC000  }
0x6b: {  	[tilespmem:s21], [sflag:$0x1] =	stream.indirect.gather [hbm4b:s3+s16], $0x80, s20, s16, $0xb8;
	[tilespmem:$0x16400] =	vst v63  }
0x6c: {  	s20 =	sadd.s32 $0x380, s1  }
0x6d: {  	[tilespmem:s23], [sflag:$0x1] =	stream.indirect.gather [hbm4b:s3+s16], $0x80, s20, s16, $0xb8;
	[tilespmem:$0x16400] =	vst v63  }
0x6e: {  	_ = 	snop  }
0x6f: {  	[hbm4b:s0+s2] =	stream.linear.scatter [tilespmem:s17], [sflag:$0x2], $0x4000, $0x38;
	[tilespmem:$0x16400] =	vst v63  }
0x70: {  	s20 =	sadd.s32 $0x800, s0  }
0x71: {  	[hbm4b:s20+s2] =	stream.linear.scatter [tilespmem:s18], [sflag:$0x2], $0x4000, $0x38;
	[tilespmem:$0x16400] =	vst v63  }
0x72: {  	_ =	swait.ge [sflag:s19], $0x4000  }
0x73: {  	[sflag:s19] =	ssyncset.done $0x0  }
0x74: {  	[sflag:s19] =	ssyncadd.s32 $0xFFFFC000  }
0x75: {  	_ =	swait.ge [sflag:s19], $0x4000  }
0x76: {  	[sflag:s19] =	ssyncset.done $0x0  }
0x77: {  	[sflag:s19] =	ssyncadd.s32 $0xFFFFC000  }
0x78: {  	_ =	swait.ge [sflag:s24], $0x4000  }
0x79: {  	[sflag:s24] =	ssyncset.done $0x0  }
0x7a: {  	[sflag:s24] =	ssyncadd.s32 $0xFFFFC000  }
0x7b: {  	_ =	swait.ge [sflag:s24], $0x4000  }
0x7c: {  	[sflag:s24] =	ssyncset.done $0x0  }
0x7d: {  	s20 =	sadd.s32 $0x400, s1;
	[sflag:s24] =	ssyncadd.s32 $0xFFFFC000  }
0x7e: {  	[tilespmem:s17], [sflag:$0x1] =	stream.indirect.gather [hbm4b:s3+s16], $0x80, s20, s16, $0xb8;
	[tilespmem:$0x16400] =	vst v63  }
.Ltmp0:
0x7f: {  	s1 =	sadd.s32 $0x480, s1;
	(pc) =	sbr.rel @p0 .LBB2_2-.Ltmp0, $4  }
0x80: {  	[tilespmem:s18], [sflag:$0x1] =	stream.indirect.gather [hbm4b:s3+s16], $0x80, s1, s16, $0xb8;
	[tilespmem:$0x16400] =	vst v63  }
0x81: {  	s1 =	sadd.s32 $0x1000, s0  }
0x82: {  	[hbm4b:s1+s2] =	stream.linear.scatter [tilespmem:s21], [sflag:$0x2], $0x4000, $0x38;
	[tilespmem:$0x16400] =	vst v63  }
0x83: {  	s1 =	sadd.s32 $0x1800, s0;
	s0 =	sadd.s32 $0x2000, s0  }
0x84: {  	[hbm4b:s1+s2] =	stream.linear.scatter [tilespmem:s23], [sflag:$0x2], $0x4000, $0x38;
	[tilespmem:$0x16400] =	vst v63  }
0x85: {  	_ =	swait.ge [sflag:s19], $0x4000  }
0x86: {  	[sflag:s19] =	ssyncset.done $0x0  }
0x87: {  	[sflag:s19] =	ssyncadd.s32 $0xFFFFC000  }
0x88: {  	_ =	swait.ge [sflag:s19], $0x4000  }
0x89: {  	[sflag:s19] =	ssyncset.done $0x0  }
0x8a: {  	[sflag:s19] =	ssyncadd.s32 $0xFFFFC000  }
0x8b: {  	_ =	swait.ge [sflag:s24], $0x4000  }
0x8c: {  	[sflag:s24] =	ssyncset.done $0x0  }
0x8d: {  	[sflag:s24] =	ssyncadd.s32 $0xFFFFC000  }
0x8e: {  	_ =	swait.ge [sflag:s24], $0x4000  }
0x8f: {  	[sflag:s24] =	ssyncset.done $0x0  }
0x90: {  	[sflag:s24] =	ssyncadd.s32 $0xFFFFC000  }
0x91: {  	[tilespmem:s21], [sflag:$0x1] =	stream.indirect.gather [hbm4b:s3+s16], $0x80, s28, s16, $0xb8;
	[tilespmem:$0x16400] =	vst v63  }
0x92: {  	_ = 	snop  }
0x93: {  	[tilespmem:s23], [sflag:$0x1] =	stream.indirect.gather [hbm4b:s3+s16], $0x80, s29, s16, $0xb8;
	[tilespmem:$0x16400] =	vst v63  }
0x94: {  	_ = 	snop  }
0x95: {  	[hbm4b:s10+s2] =	stream.linear.scatter [tilespmem:s17], [sflag:$0x2], $0x4000, $0x38;
	[tilespmem:$0x16400] =	vst v63  }
0x96: {  	_ = 	snop  }
0x97: {  	[hbm4b:s11+s2] =	stream.linear.scatter [tilespmem:s18], [sflag:$0x2], $0x4000, $0x38;
	[tilespmem:$0x16400] =	vst v63  }
0x98: {  	_ =	swait.ge [sflag:s19], $0x4000  }
0x99: {  	[sflag:s19] =	ssyncset.done $0x0  }
0x9a: {  	[sflag:s19] =	ssyncadd.s32 $0xFFFFC000  }
0x9b: {  	_ =	swait.ge [sflag:s19], $0x4000  }
0x9c: {  	[sflag:s19] =	ssyncset.done $0x0  }
0x9d: {  	[sflag:s19] =	ssyncadd.s32 $0xFFFFC000  }
0x9e: {  	_ =	swait.ge [sflag:s24], $0x4000  }
0x9f: {  	[sflag:s24] =	ssyncset.done $0x0  }
0xa0: {  	[sflag:s24] =	ssyncadd.s32 $0xFFFFC000  }
0xa1: {  	_ =	swait.ge [sflag:s24], $0x4000  }
0xa2: {  	[sflag:s24] =	ssyncset.done $0x0  }
0xa3: {  	[sflag:s24] =	ssyncadd.s32 $0xFFFFC000  }
0xa4: {  	[hbm4b:s12+s2] =	stream.linear.scatter [tilespmem:s21], [sflag:$0x2], $0x4000, $0x38;
	[tilespmem:$0x16400] =	vst v63  }
0xa5: {  	s30 =	sadd.s32 $0x1, s30  }
0xa6: {  	[hbm4b:s13+s2] =	stream.linear.scatter [tilespmem:s23], [sflag:$0x2], $0x4000, $0x38;
	[tilespmem:$0x16400] =	vst v63  }
0xa7: {  	p0 =	sne.s32 s30, s4;
	_ =	swait.ge [sflag:s24], $0x4000  }
.Ltmp1:
0xa8: {  	[sflag:s24] =	ssyncset.done $0x0;
	(pc) =	sbr.rel @p0 .LBB2_1-.Ltmp1, $4  }
0xa9: {  	[sflag:s24] =	ssyncadd.s32 $0xFFFFC000  }
0xaa: {  	_ =	swait.ge [sflag:s24], $0x4000  }
0xab: {  	[sflag:s24] =	ssyncset.done $0x0  }
0xac: {  	[sflag:s24] =	ssyncadd.s32 $0xFFFFC000  }
0xad: {  	_ =	sfence.sel $0x180000  }
0xae: {  	[bflag:$0x0] =	sbarrier.arrive $0xFFFF  }
0xaf: {  	_ =	strace $0x9000004A  }
0xb0: {  	s0 =	stileid.u32;
	[bflag:$0x2] =	sbarrier.arrive $0xFFFF  }
0xb1: {  	p0 =	sne.s32 s0, $0x0;
	s0 =	rddreg [dreg:$0x1]  }
0xb2: {  	s0 =	sadd.s32 @!p0 $0x100000, s0  }
0xb3: {  	[sflag:s0] =	ssyncadd.tile.s32 @!p0 $0x1;
	_ =	shalt  }
.Lfunc_end2:
_tile_overlayer_lowered:
.L_overlay_start_2:
0xb4: {  	(tag) =	ssettag $0x2  }
0xb5: {  	s0 =	rddreg [dreg:$0x0];
	s2 =	stileid.u32  }
0xb6: {  	s1 =	rddreg [dreg:$0x1];
	p0 =	sne.s32 s2, $0x0  }
0xb7: {  	s3 =	rddreg [dreg:$0x2];
	[bflag:$0x3] =	sbarrier.arrive $0xFFFF;
	s2 =	simm.s32 @!p0 $0x1C03  }
0xb8: {  	[timem:s3], [sflag:s2] =	dma.local @!p0 [hbm:s0], s1  }
0xb9: {  	s0 =	simm.s32 @!p0 $0x3  }
0xba: {  	_ =	swait.ge @!p0 [sflag:s0], s1  }
0xbb: {  	s1 =	ssub.s32 @!p0 $0x0, s1;
	[sflag:s0] =	ssyncset.done @!p0 $0x0  }
0xbc: {  	[sflag:s0] =	ssyncadd.s32 @!p0 s1  }
0xbd: {  	[bflag:$0x3] =	sbarrier.arrive $0xFFFF  }
0xbe: {  	_ =	shalt  }

// kernel: kernel.21.cloned.1.call-start
scs
__scs_entry_jumppad:
0x0: {  	(pc) =	sbr.rel $0x88, $3  }
0x1: {  	(tag) =	ssettag $0x0;
	lr =	simm.s32 $0x1  }
0x2: {  	[smem:$0x3F8A] =	sst lr;
	_ =	strace $0xD0000000  }
0x3: {  	_ = 	snop  }
0x4: {  	_ = 	snop  }
0x5: {  	_ = 	snop  }
0x6: {  	_ = 	snop  }
0x7: {  	_ = 	snop  }
__scs_overlays_trampoline_lowered:
0x8: {  	[smem:$0x3F99] =	sst s0  }
0x9: {  	[smem:$0x3F9A] =	sst s1  }
0xa: {  	[smem:$0x3F9B] =	sst s2  }
0xb: {  	[smem:$0x3F9C] =	sst s3  }
0xc: {  	[smem:$0x3F9D] =	sst s4  }
0xd: {  	[smem:$0x3F9E] =	sst s5  }
0xe: {  	[smem:$0x3F9F] =	sst s6  }
0xf: {  	[smem:$0x3FA0] =	sst s7  }
0x10: {  	[smem:$0x3FA1] =	sst s8  }
0x11: {  	[smem:$0x3FA2] =	sst s9;
	s0 =	simm.s32 @!p0 $0x0  }
0x12: {  	s1 =	sld [smem:$0x3F88];
	s0 =	simm.s32 @p0 $0x1  }
0x13: {  	[smem:$0x3FA3] =	sst s0;
	s0 =	simm.s32 @!p1 $0x0  }
0x14: {  	s2 =	sld [smem:$0x3F87];
	s0 =	simm.s32 @p1 $0x1  }
0x15: {  	[smem:$0x3FA4] =	sst s0;
	s0 =	simm.s32 @!p2 $0x0  }
0x16: {  	s3 =	sld [smem:$0x3FDB];
	s0 =	simm.s32 @p2 $0x1  }
0x17: {  	s4 =	simm.s32 $0x1BF5;
	[smem:$0x3FA6] =	sst s0  }
0x18: {  	s0 =	sld [smem:$0x3F89];
	_ =	swait.ge [sflag:s4], $0x0  }
0x19: {  	s7 =	sld [smem:$0x3F8A]  }
0x1a: {  	s8 =	sadd.s32 $0xFFFFE003, lr  }
0x1b: {  	s9 =	sadd.s32 $0xFFFFFEF7, lr;
	s5 =	simm.s32 $0xFFFFFFFF;
	p2 =	slt.u32 s8, $0xFFFFF086  }
0x1c: {  	p1 =	slt.u32 s9, $0xF7A;
	s5 =	simm.s32 @!p2 $0x0  }
0x1d: {  	s5 =	simm.s32 @p1 $0x1;
	p0 =	seq.s32 s7, s2  }
0x1e: {  	s7 =	smul.u32 @!p0 $0xF7A, s2;
	p2 =	seq.s32 @!p0 s5, $0x0  }
0x1f: {  	s9 =	smul.u32 $0xF7A, s1;
	s8 =	simm.s32 @!p0 $0x1BF5;
	p2 =	por !p2, p0  }
0x20: {  	[sflag:s8] =	ssyncset.s32 @!p0 $0xFFFFF086;
	s6 =	sadd.s32 @!p0 s3, s7;
	s7 =	simm.s32 @!p0 $0x108  }
0x21: {  	s3 =	sadd.s32 s3, s9;
	s6 =	sadd.s32 @!p0 $0x88, s6;
	s7 =	simm.s32 @p2 $0x1082  }
0x22: {  	[simem:s7], [sflag:s8] =	dma.local @!p0 [hbm:s6], $0xF7A  }
0x23: {  	s9 =	sor.u32 $0xD0000000, s2;
	s6 =	simm.s32 $0x108;
	_ =	swait.ge @!p0 [sflag:s8], $0x0  }
0x24: {  	s3 =	sadd.s32 $0x88, s3;
	s6 =	simm.s32 @!p1 $0x1082;
	[sflag:s4] =	ssyncset.s32 $0xFFFFF086  }
0x25: {  	[simem:s6], [sflag:s4] =	dma.local [hbm:s3], $0xF7A  }
0x26: {  	[smem:$0x3F8A] =	sst s1;
	(tag) =	ssettag s2;
	_ =	strace s9  }
0x27: {  	s1 =	sld [smem:$0x3F9A]  }
0x28: {  	s2 =	sld [smem:$0x3F9B]  }
0x29: {  	s4 =	sld [smem:$0x3F9D]  }
0x2a: {  	p0 =	seq.s32 s5, $0x0;
	s5 =	sld [smem:$0x3F9E]  }
0x2b: {  	s6 =	sld [smem:$0x3F9F]  }
0x2c: {  	s7 =	sld [smem:$0x3FA0]  }
0x2d: {  	s3 =	simm.s32 $0x108;
	s8 =	sld [smem:$0x3FA1]  }
0x2e: {  	s3 =	simm.s32 @!p0 $0x1082;
	s9 =	sld [smem:$0x3FA2]  }
0x2f: {  	lr =	sadd.s32 s0, s3;
	s0 =	sld [smem:$0x3F99]  }
0x30: {  	s3 =	sld [smem:$0x3F9C]  }
0x31: {  	[smem:$0x3FA5] =	sst s10  }
0x32: {  	s10 =	sld [smem:$0x3FA3];
	_ =	sdelay $0x3  }
0x33: {  	p0 =	seq.s32 s10, $0x1;
	s10 =	sld [smem:$0x3FA5];
	_ =	sdelay $0x3  }
0x34: {  	[smem:$0x3FA5] =	sst s10  }
0x35: {  	s10 =	sld [smem:$0x3FA4];
	_ =	sdelay $0x3  }
0x36: {  	p1 =	seq.s32 s10, $0x1;
	s10 =	sld [smem:$0x3FA5];
	_ =	sdelay $0x3  }
0x37: {  	[smem:$0x3FA5] =	sst s10  }
0x38: {  	s10 =	sld [smem:$0x3FA6]  }
0x39: {  	_ = 	snop;
	(pc) =	sbr.ind lr, $3  }
0x3a: {  	_ = 	snop  }
0x3b: {  	_ = 	snop  }
0x3c: {  	p2 =	seq.s32 s10, $0x1;
	s10 =	sld [smem:$0x3FA5]  }
0x3d: {  	_ =	shalt  }
0x3e: {  	_ =	shalt  }
0x3f: {  	_ =	shalt  }
0x40: {  	_ =	shalt  }
0x41: {  	_ =	shalt  }
0x42: {  	_ =	shalt  }
0x43: {  	_ =	shalt  }
0x44: {  	_ =	shalt  }
0x45: {  	_ =	shalt  }
0x46: {  	_ =	shalt  }
0x47: {  	_ =	shalt  }
0x48: {  	_ =	shalt  }
0x49: {  	_ =	shalt  }
0x4a: {  	_ =	shalt  }
0x4b: {  	_ =	shalt  }
0x4c: {  	_ =	shalt  }
0x4d: {  	_ =	shalt  }
0x4e: {  	_ =	shalt  }
0x4f: {  	_ =	shalt  }
0x50: {  	_ =	shalt  }
0x51: {  	_ =	shalt  }
0x52: {  	_ =	shalt  }
0x53: {  	_ =	shalt  }
0x54: {  	_ =	shalt  }
0x55: {  	_ =	shalt  }
0x56: {  	_ =	shalt  }
0x57: {  	_ =	shalt  }
0x58: {  	_ =	shalt  }
0x59: {  	_ =	shalt  }
0x5a: {  	_ =	shalt  }
0x5b: {  	_ =	shalt  }
0x5c: {  	_ =	shalt  }
0x5d: {  	_ =	shalt  }
0x5e: {  	_ =	shalt  }
0x5f: {  	_ =	shalt  }
0x60: {  	_ =	shalt  }
0x61: {  	_ =	shalt  }
0x62: {  	_ =	shalt  }
0x63: {  	_ =	shalt  }
0x64: {  	_ =	shalt  }
0x65: {  	_ =	shalt  }
0x66: {  	_ =	shalt  }
0x67: {  	_ =	shalt  }
0x68: {  	_ =	shalt  }
0x69: {  	_ =	shalt  }
0x6a: {  	_ =	shalt  }
0x6b: {  	_ =	shalt  }
0x6c: {  	_ =	shalt  }
0x6d: {  	_ =	shalt  }
0x6e: {  	_ =	shalt  }
0x6f: {  	_ =	shalt  }
0x70: {  	_ =	shalt  }
0x71: {  	_ =	shalt  }
0x72: {  	_ =	shalt  }
0x73: {  	_ =	shalt  }
0x74: {  	_ =	shalt  }
0x75: {  	_ =	shalt  }
0x76: {  	_ =	shalt  }
0x77: {  	_ =	shalt  }
0x78: {  	_ =	shalt  }
0x79: {  	_ =	shalt  }
0x7a: {  	_ =	shalt  }
0x7b: {  	_ =	shalt  }
0x7c: {  	_ =	shalt  }
0x7d: {  	_ =	shalt  }
0x7e: {  	_ =	shalt  }
0x7f: {  	_ =	shalt  }
0x80: {  	_ =	shalt  }
0x81: {  	_ =	shalt  }
0x82: {  	_ =	shalt  }
0x83: {  	_ =	shalt  }
0x84: {  	_ =	shalt  }
0x85: {  	_ =	shalt  }
0x86: {  	_ =	shalt  }
0x87: {  	_ =	shalt  }
.Lfunc_end0:
.L_simem_size_0:
called_computation.2_lowered:
.L_overlay_start_0:
0x88: {  	s2 =	sld [smem:$0x3FD9]  }
0x89: {  	s3 =	sld [smem:$0x3FFE];
	_ =	sdelay $0x1  }
0x8a: {  	s1 =	srdreg.scid  }
0x8b: {  	s0 =	sand.u32 $0x1, s1  }
0x8c: {  	s16 =	sshll.u32 s0, $0xA;
	s2 =	sadd.s32 s3, s2  }
0x8d: {  	s2 =	sadd.s32 s2, s16  }
0x8e: {  	[smem:$0x3FB1] =	sst s2  }
0x8f: {  	_ = 	snop  }
0x90: {  	(tm) =	ssettm $0x1  }
0x91: {  	s17 =	sld [smem:$0x3FFB];
	_ =	sdelay $0x3  }
0x92: {  	_ =	strace s17  }
0x93: {  	s2 =	sld [smem:$0x3FFC];
	_ =	sdelay $0x3  }
0x94: {  	_ =	strace s2  }
0x95: {  	s2 =	sld [smem:$0x3FFD];
	_ =	sdelay $0x3  }
0x96: {  	_ =	strace s2  }
0x97: {  	_ =	strace $0x8FFFFFFF  }
0x98: {  	s18 =	sld [smem:$0x3FDB];
	_ =	sdelay $0x1  }
0x99: {  	s19 =	simm.s32 $_scs_section_size  }
0x9a: {  	s4 =	simm.s32 $_size__tile_overlayer_lowered;
	s5 =	simm.s32 $_tile_overlayer_lowered  }
0x9b: {  	s22 =	simm.s32 $0x1BFF;
	s21 =	sshll.u32 s5, $0x1;
	s2 =	sadd.s32 s19, s18  }
0x9c: {  	s6 =	simm.s32 $0x0;
	s20 =	sshll.u32 s4, $0x1;
	s4 =	sadd.s32 s21, s2  }
0x9d: {  	[timem:s6], [sflag:s22] =	dma.local [hbm:s4], s20  }
0x9e: {  	_ =	swait.ge [sflag:s22], s20  }
0x9f: {  	s3 =	ssub.s32 $0x0, s20;
	[sflag:s22] =	ssyncset.done $0x0  }
0xa0: {  	[sflag:s22] =	ssyncadd.s32 s3;
	_ =	sdelay $0x1  }
0xa1: {  	s23 =	simm.s32 $0x1B8B  }
0xa2: {  	_ =	swait.ge [sflag:s23], $0x1  }
0xa3: {  	[sflag:s23] =	ssyncset.done $0x0  }
0xa4: {  	s25 =	simm.s32 $0x1B8E;
	s24 =	sld [smem:$0x3FFE];
	[sflag:s23] =	ssyncadd.s32 $0xFFFFFFFF  }
0xa5: {  	s26 =	simm.s32 $execute0_lowered;
	[smem:$0x3FD2] =	sst s25  }
0xa6: {  	s4 =	sshll.u32 s26, $0x1;
	_ =	strace $0x8000004C;
	[dreg:$0x1] =	wrdreg $0xFFFFFFFF  }
0xa7: {  	s28 =	simm.s32 $_size_execute0_lowered;
	s2 =	sadd.s32 s2, s4;
	[dreg:$0x0] =	wrdreg $0x0  }
0xa8: {  	s4 =	sshll.u32 s28, $0x1;
	[dreg:$0x2] =	wrdreg s2  }
0xa9: {  	[dreg:$0x3] =	wrdreg s4  }
0xaa: {  	[dreg:$0x4] =	wrdreg $0xC0  }
0xab: {  	_ =	task [dreg:s6], $0x5FFFF  }
0xac: {  	[dreg:$0x1] =	wrdreg $0xFFFFFFFF  }
0xad: {  	[dreg:$0x0] =	wrdreg $0x60  }
0xae: {  	[dreg:$0x2] =	wrdreg s24  }
0xaf: {  	[dreg:$0x3] =	wrdreg $0x9  }
0xb0: {  	_ =	task.clear_ibuf [dreg:s6], $0x4FFFF;
	_ =	strace $0x9000004C  }
0xb1: {  	s29 =	simm.s32 $0x9;
	_ =	strace $0x8000004E  }
0xb2: {  	_ =	swait.ge [sflag:s29], $0x1  }
0xb3: {  	[sflag:s29] =	ssyncadd.s32 $0xFFFFFFFF  }
0xb4: {  	_ =	strace $0x9000004E  }
0xb5: {  	_ =	sfence  }
0xb6: {  	s30 =	sld [smem:$0x0];
	_ =	sdelay $0x2  }
0xb7: {  	s31 =	sshll.u32 s1, $0xD;
	s1 =	sshrl.u32 s1, $0x2  }
0xb8: {  	s3 =	sand.u32 $0x4000, s31;
	s1 =	sadd.s32 s1, s30  }
0xb9: {  	s0 =	sor.u32 s3, s0;
	s1 =	sshll.u32 s1, $0x11  }
0xba: {  	s0 =	sor.u32 s1, s0  }
0xbb: {  	s0 =	sadd.s32 $0x8F2B, s0  }
0xbc: {  	[sflag:s0] =	ssyncadd.remote.s32 $0x1  }
0xbd: {  	_ =	sfence.sel $0xFFFF  }
0xbe: {  	[dreg:$0x0] =	wrdreg $0xFFFFFFFF;
	(pc) =	sbr.abs _section_cstart, $3  }
0xbf: {  	[dreg:$0x1] =	wrdreg $0xFFFFFFFF  }
0xc0: {  	_ =	task.clear_ibuf [dreg:s6], $0x2FFFF;
	_ =	strace $0x9FFFFFFF  }
0xc1: {  	(tm) =	ssettm $0x7FFFFFFF  }
tec
execute0_lowered:
.L_overlay_start_1:
0x0: {  	(tag) =	ssettag $0x1  }
0x1: {  	s0 =	rddreg [dreg:$0x0];
	s6 =	stileid.u32  }
0x2: {  	s2 =	simm.s32 $0x0;
	s3 =	srdreg.scid;
	s15 =	simm.s32 $0x3  }
0x3: {  	s16 =	simm.s32 $0x80;
	s17 =	simm.s32 $0x6400;
	s18 =	simm.s32 $0xA400  }
0x4: {  	s19 =	simm.s32 $0x1;
	s21 =	simm.s32 $0xE400;
	s22 =	simm.s32 $0x180  }
0x5: {  	s23 =	simm.s32 $0x12400;
	s24 =	simm.s32 $0x2;
	s25 =	simm.s32 $0x200  }
0x6: {  	s28 =	simm.s32 $0x6300;
	s29 =	simm.s32 $0x6380;
	s30 =	simm.s32 $0x0  }
0x7: {  	s1 =	smul.u32 $0xC8, s6;
	[smem:$0x7FF] =	sst s2;
	s4 =	sand.u32 $0x1, s3  }
0x8: {  	s6 =	smul.u32 $0xC80, s6;
	s3 =	sadd.s32 $0x1E400, s0;
	s31 =	sadd.s32 $0x1A5000, s0  }
0x9: {  	p0 =	seq.s32 s4, $0x0;
	s4 =	ssub.s32 $0x2, s4;
	s5 =	sadd.s32 $0xC80, s1  }
0xa: {  	_ =	strace $0x8000004D;
	s26 =	sshrl.u32 s4, $0x1;
	s7 =	sshll.u32 s5, $0x4  }
0xb: {  	s5 =	smov.u32 @p0 s1;
	s4 =	ssub.s32 s4, s26;
	s26 =	simm.s32 $0x280  }
0xc: {  	s7 =	smov.u32 @p0 s6;
	s12 =	sshll.u32 s5, $0xB;
	s4 =	smax.u32 s4, $0x1  }
0xd: {  	s9 =	sadd.s32 s7, s0;
	s0 =	sadd.s32 $0x1A5800, s0;
	s8 =	sor.u32 $0x1000, s12  }
0xe: {  	s5 =	sadd.s32 s31, s12;
	s11 =	sadd.s32 $0x62000, s12;
	s13 =	sadd.s32 $0x63000, s12  }
0xf: {  	s6 =	sadd.s32 s12, s0;
	s7 =	sadd.s32 s31, s8;
	s8 =	sadd.s32 s8, s0  }
0x10: {  	s9 =	sadd.s32 $0x5400, s9;
	s10 =	sadd.s32 s31, s11;
	s11 =	sadd.s32 s11, s0  }
0x11: {  	s12 =	sadd.s32 s31, s13;
	s13 =	sadd.s32 s13, s0;
	s14 =	sadd.s32 $0x2000, s5  }
.LBB2_1:
0x12: {  	[tilespmem:s2], [sflag:$0x3] =	stream.linear.gather [hbm4b:s9+s2], $0x6400, $0x38;
	[tilespmem:$0x16400] =	vst v63  }
0x13: {  	_ =	swait.ge [sflag:s15], $0x6400  }
0x14: {  	[sflag:s15] =	ssyncset.done $0x0  }
0x15: {  	[sflag:s15] =	ssyncadd.s32 $0xFFFF9C00  }
0x16: {  	[tilespmem:s17], [sflag:$0x1] =	stream.indirect.gather [hbm4b:s3+s16], $0x80, s2, s16, $0xb8;
	[tilespmem:$0x16400] =	vst v63  }
0x17: {  	_ = 	snop  }
0x18: {  	[tilespmem:s18], [sflag:$0x1] =	stream.indirect.gather [hbm4b:s3+s16], $0x80, s16, s16, $0xb8;
	[tilespmem:$0x16400] =	vst v63  }
0x19: {  	_ =	swait.ge [sflag:s19], $0x4000  }
0x1a: {  	[sflag:s19] =	ssyncset.done $0x0  }
0x1b: {  	[sflag:s19] =	ssyncadd.s32 $0xFFFFC000  }
0x1c: {  	_ =	swait.ge [sflag:s19], $0x4000  }
0x1d: {  	[sflag:s19] =	ssyncset.done $0x0  }
0x1e: {  	s0 =	simm.s32 $0x100;
	[sflag:s19] =	ssyncadd.s32 $0xFFFFC000  }
0x1f: {  	[tilespmem:s21], [sflag:$0x1] =	stream.indirect.gather [hbm4b:s3+s16], $0x80, s0, s16, $0xb8;
	[tilespmem:$0x16400] =	vst v63  }
0x20: {  	_ = 	snop  }
0x21: {  	[tilespmem:s23], [sflag:$0x1] =	stream.indirect.gather [hbm4b:s3+s16], $0x80, s22, s16, $0xb8;
	[tilespmem:$0x16400] =	vst v63  }
0x22: {  	_ = 	snop  }
0x23: {  	[hbm4b:s5+s2] =	stream.linear.scatter [tilespmem:s17], [sflag:$0x2], $0x4000, $0x38;
	[tilespmem:$0x16400] =	vst v63  }
0x24: {  	_ = 	snop  }
0x25: {  	[hbm4b:s6+s2] =	stream.linear.scatter [tilespmem:s18], [sflag:$0x2], $0x4000, $0x38;
	[tilespmem:$0x16400] =	vst v63  }
0x26: {  	_ =	swait.ge [sflag:s19], $0x4000  }
0x27: {  	[sflag:s19] =	ssyncset.done $0x0  }
0x28: {  	[sflag:s19] =	ssyncadd.s32 $0xFFFFC000  }
0x29: {  	_ =	swait.ge [sflag:s19], $0x4000  }
0x2a: {  	[sflag:s19] =	ssyncset.done $0x0  }
0x2b: {  	[sflag:s19] =	ssyncadd.s32 $0xFFFFC000  }
0x2c: {  	_ =	swait.ge [sflag:s24], $0x4000  }
0x2d: {  	[sflag:s24] =	ssyncset.done $0x0  }
0x2e: {  	[sflag:s24] =	ssyncadd.s32 $0xFFFFC000  }
0x2f: {  	_ =	swait.ge [sflag:s24], $0x4000  }
0x30: {  	[sflag:s24] =	ssyncset.done $0x0  }
0x31: {  	[sflag:s24] =	ssyncadd.s32 $0xFFFFC000  }
0x32: {  	[tilespmem:s17], [sflag:$0x1] =	stream.indirect.gather [hbm4b:s3+s16], $0x80, s25, s16, $0xb8;
	[tilespmem:$0x16400] =	vst v63  }
0x33: {  	_ = 	snop  }
0x34: {  	[tilespmem:s18], [sflag:$0x1] =	stream.indirect.gather [hbm4b:s3+s16], $0x80, s26, s16, $0xb8;
	[tilespmem:$0x16400] =	vst v63  }
0x35: {  	_ = 	snop  }
0x36: {  	[hbm4b:s7+s2] =	stream.linear.scatter [tilespmem:s21], [sflag:$0x2], $0x4000, $0x38;
	[tilespmem:$0x16400] =	vst v63  }
0x37: {  	_ = 	snop  }
0x38: {  	[hbm4b:s8+s2] =	stream.linear.scatter [tilespmem:s23], [sflag:$0x2], $0x4000, $0x38;
	[tilespmem:$0x16400] =	vst v63  }
0x39: {  	_ =	swait.ge [sflag:s19], $0x4000  }
0x3a: {  	[sflag:s19] =	ssyncset.done $0x0  }
0x3b: {  	[sflag:s19] =	ssyncadd.s32 $0xFFFFC000  }
0x3c: {  	_ =	swait.ge [sflag:s19], $0x4000  }
0x3d: {  	[sflag:s19] =	ssyncset.done $0x0  }
0x3e: {  	[sflag:s19] =	ssyncadd.s32 $0xFFFFC000  }
0x3f: {  	_ =	swait.ge [sflag:s24], $0x4000  }
0x40: {  	[sflag:s24] =	ssyncset.done $0x0  }
0x41: {  	[sflag:s24] =	ssyncadd.s32 $0xFFFFC000  }
0x42: {  	_ =	swait.ge [sflag:s24], $0x4000  }
0x43: {  	[sflag:s24] =	ssyncset.done $0x0  }
0x44: {  	s1 =	simm.s32 $0x300;
	[sflag:s24] =	ssyncadd.s32 $0xFFFFC000  }
0x45: {  	[tilespmem:s21], [sflag:$0x1] =	stream.indirect.gather [hbm4b:s3+s16], $0x80, s1, s16, $0xb8;
	[tilespmem:$0x16400] =	vst v63  }
0x46: {  	s20 =	simm.s32 $0x380  }
0x47: {  	[tilespmem:s23], [sflag:$0x1] =	stream.indirect.gather [hbm4b:s3+s16], $0x80, s20, s16, $0xb8;
	[tilespmem:$0x16400] =	vst v63  }
0x48: {  	_ = 	snop  }
0x49: {  	[hbm4b:s14+s2] =	stream.linear.scatter [tilespmem:s17], [sflag:$0x2], $0x4000, $0x38;
	[tilespmem:$0x16400] =	vst v63  }
0x4a: {  	s1 =	sadd.s32 $0x800, s14  }
0x4b: {  	[hbm4b:s1+s2] =	stream.linear.scatter [tilespmem:s18], [sflag:$0x2], $0x4000, $0x38;
	[tilespmem:$0x16400] =	vst v63  }
0x4c: {  	_ =	swait.ge [sflag:s19], $0x4000  }
0x4d: {  	[sflag:s19] =	ssyncset.done $0x0  }
0x4e: {  	[sflag:s19] =	ssyncadd.s32 $0xFFFFC000  }
0x4f: {  	_ =	swait.ge [sflag:s19], $0x4000  }
0x50: {  	[sflag:s19] =	ssyncset.done $0x0  }
0x51: {  	[sflag:s19] =	ssyncadd.s32 $0xFFFFC000  }
0x52: {  	_ =	swait.ge [sflag:s24], $0x4000  }
0x53: {  	[sflag:s24] =	ssyncset.done $0x0  }
0x54: {  	[sflag:s24] =	ssyncadd.s32 $0xFFFFC000  }
0x55: {  	_ =	swait.ge [sflag:s24], $0x4000  }
0x56: {  	[sflag:s24] =	ssyncset.done $0x0  }
0x57: {  	s20 =	simm.s32 $0x400;
	[sflag:s24] =	ssyncadd.s32 $0xFFFFC000  }
0x58: {  	[tilespmem:s17], [sflag:$0x1] =	stream.indirect.gather [hbm4b:s3+s16], $0x80, s20, s16, $0xb8;
	[tilespmem:$0x16400] =	vst v63  }
0x59: {  	s31 =	simm.s32 $0x800;
	s1 =	simm.s32 $0x480  }
0x5a: {  	[tilespmem:s18], [sflag:$0x1] =	stream.indirect.gather [hbm4b:s3+s16], $0x80, s1, s16, $0xb8;
	[tilespmem:$0x16400] =	vst v63  }
0x5b: {  	s0 =	sadd.s32 $0x2000, s14;
	s20 =	sadd.s32 $0x1000, s14;
	s1 =	sadd.s32 $0x1800, s14  }
0x5c: {  	[hbm4b:s20+s2] =	stream.linear.scatter [tilespmem:s21], [sflag:$0x2], $0x4000, $0x38;
	[tilespmem:$0x16400] =	vst v63  }
.LBB2_2:
0x5d: {  	[hbm4b:s1+s2] =	stream.linear.scatter [tilespmem:s23], [sflag:$0x2], $0x4000, $0x38;
	[tilespmem:$0x16400] =	vst v63  }
0x5e: {  	s1 =	smov.u32 s31  }
0x5f: {  	p0 =	sne.s32 s31, $0x17800;
	s31 =	sadd.s32 $0x800, s31;
	_ =	swait.ge [sflag:s19], $0x4000  }
0x60: {  	[sflag:s19] =	ssyncset.done $0x0  }
0x61: {  	[sflag:s19] =	ssyncadd.s32 $0xFFFFC000  }
0x62: {  	_ =	swait.ge [sflag:s19], $0x4000  }
0x63: {  	[sflag:s19] =	ssyncset.done $0x0  }
0x64: {  	[sflag:s19] =	ssyncadd.s32 $0xFFFFC000  }
0x65: {  	_ =	swait.ge [sflag:s24], $0x4000  }
0x66: {  	[sflag:s24] =	ssyncset.done $0x0  }
0x67: {  	[sflag:s24] =	ssyncadd.s32 $0xFFFFC000  }
0x68: {  	_ =	swait.ge [sflag:s24], $0x4000  }
0x69: {  	s1 =	sshra.s32 s1, $0x2;
	[sflag:s24] =	ssyncset.done $0x0  }
0x6a: {  	s20 =	sadd.s32 $0x300, s1;
	[sflag:s24] =	ssyncadd.s32 $0xFFFFC000  }
0x6b: {  	[tilespmem:s21], [sflag:$0x1] =	stream.indirect.gather [hbm4b:s3+s16], $0x80, s20, s16, $0xb8;
	[tilespmem:$0x16400] =	vst v63  }
0x6c: {  	s20 =	sadd.s32 $0x380, s1  }
0x6d: {  	[tilespmem:s23], [sflag:$0x1] =	stream.indirect.gather [hbm4b:s3+s16], $0x80, s20, s16, $0xb8;
	[tilespmem:$0x16400] =	vst v63  }
0x6e: {  	_ = 	snop  }
0x6f: {  	[hbm4b:s0+s2] =	stream.linear.scatter [tilespmem:s17], [sflag:$0x2], $0x4000, $0x38;
	[tilespmem:$0x16400] =	vst v63  }
0x70: {  	s20 =	sadd.s32 $0x800, s0  }
0x71: {  	[hbm4b:s20+s2] =	stream.linear.scatter [tilespmem:s18], [sflag:$0x2], $0x4000, $0x38;
	[tilespmem:$0x16400] =	vst v63  }
0x72: {  	_ =	swait.ge [sflag:s19], $0x4000  }
0x73: {  	[sflag:s19] =	ssyncset.done $0x0  }
0x74: {  	[sflag:s19] =	ssyncadd.s32 $0xFFFFC000  }
0x75: {  	_ =	swait.ge [sflag:s19], $0x4000  }
0x76: {  	[sflag:s19] =	ssyncset.done $0x0  }
0x77: {  	[sflag:s19] =	ssyncadd.s32 $0xFFFFC000  }
0x78: {  	_ =	swait.ge [sflag:s24], $0x4000  }
0x79: {  	[sflag:s24] =	ssyncset.done $0x0  }
0x7a: {  	[sflag:s24] =	ssyncadd.s32 $0xFFFFC000  }
0x7b: {  	_ =	swait.ge [sflag:s24], $0x4000  }
0x7c: {  	[sflag:s24] =	ssyncset.done $0x0  }
0x7d: {  	s20 =	sadd.s32 $0x400, s1;
	[sflag:s24] =	ssyncadd.s32 $0xFFFFC000  }
0x7e: {  	[tilespmem:s17], [sflag:$0x1] =	stream.indirect.gather [hbm4b:s3+s16], $0x80, s20, s16, $0xb8;
	[tilespmem:$0x16400] =	vst v63  }
.Ltmp0:
0x7f: {  	s1 =	sadd.s32 $0x480, s1;
	(pc) =	sbr.rel @p0 .LBB2_2-.Ltmp0, $4  }
0x80: {  	[tilespmem:s18], [sflag:$0x1] =	stream.indirect.gather [hbm4b:s3+s16], $0x80, s1, s16, $0xb8;
	[tilespmem:$0x16400] =	vst v63  }
0x81: {  	s1 =	sadd.s32 $0x1000, s0  }
0x82: {  	[hbm4b:s1+s2] =	stream.linear.scatter [tilespmem:s21], [sflag:$0x2], $0x4000, $0x38;
	[tilespmem:$0x16400] =	vst v63  }
0x83: {  	s1 =	sadd.s32 $0x1800, s0;
	s0 =	sadd.s32 $0x2000, s0  }
0x84: {  	[hbm4b:s1+s2] =	stream.linear.scatter [tilespmem:s23], [sflag:$0x2], $0x4000, $0x38;
	[tilespmem:$0x16400] =	vst v63  }
0x85: {  	_ =	swait.ge [sflag:s19], $0x4000  }
0x86: {  	[sflag:s19] =	ssyncset.done $0x0  }
0x87: {  	[sflag:s19] =	ssyncadd.s32 $0xFFFFC000  }
0x88: {  	_ =	swait.ge [sflag:s19], $0x4000  }
0x89: {  	[sflag:s19] =	ssyncset.done $0x0  }
0x8a: {  	[sflag:s19] =	ssyncadd.s32 $0xFFFFC000  }
0x8b: {  	_ =	swait.ge [sflag:s24], $0x4000  }
0x8c: {  	[sflag:s24] =	ssyncset.done $0x0  }
0x8d: {  	[sflag:s24] =	ssyncadd.s32 $0xFFFFC000  }
0x8e: {  	_ =	swait.ge [sflag:s24], $0x4000  }
0x8f: {  	[sflag:s24] =	ssyncset.done $0x0  }
0x90: {  	[sflag:s24] =	ssyncadd.s32 $0xFFFFC000  }
0x91: {  	[tilespmem:s21], [sflag:$0x1] =	stream.indirect.gather [hbm4b:s3+s16], $0x80, s28, s16, $0xb8;
	[tilespmem:$0x16400] =	vst v63  }
0x92: {  	_ = 	snop  }
0x93: {  	[tilespmem:s23], [sflag:$0x1] =	stream.indirect.gather [hbm4b:s3+s16], $0x80, s29, s16, $0xb8;
	[tilespmem:$0x16400] =	vst v63  }
0x94: {  	_ = 	snop  }
0x95: {  	[hbm4b:s10+s2] =	stream.linear.scatter [tilespmem:s17], [sflag:$0x2], $0x4000, $0x38;
	[tilespmem:$0x16400] =	vst v63  }
0x96: {  	_ = 	snop  }
0x97: {  	[hbm4b:s11+s2] =	stream.linear.scatter [tilespmem:s18], [sflag:$0x2], $0x4000, $0x38;
	[tilespmem:$0x16400] =	vst v63  }
0x98: {  	_ =	swait.ge [sflag:s19], $0x4000  }
0x99: {  	[sflag:s19] =	ssyncset.done $0x0  }
0x9a: {  	[sflag:s19] =	ssyncadd.s32 $0xFFFFC000  }
0x9b: {  	_ =	swait.ge [sflag:s19], $0x4000  }
0x9c: {  	[sflag:s19] =	ssyncset.done $0x0  }
0x9d: {  	[sflag:s19] =	ssyncadd.s32 $0xFFFFC000  }
0x9e: {  	_ =	swait.ge [sflag:s24], $0x4000  }
0x9f: {  	[sflag:s24] =	ssyncset.done $0x0  }
0xa0: {  	[sflag:s24] =	ssyncadd.s32 $0xFFFFC000  }
0xa1: {  	_ =	swait.ge [sflag:s24], $0x4000  }
0xa2: {  	[sflag:s24] =	ssyncset.done $0x0  }
0xa3: {  	[sflag:s24] =	ssyncadd.s32 $0xFFFFC000  }
0xa4: {  	[hbm4b:s12+s2] =	stream.linear.scatter [tilespmem:s21], [sflag:$0x2], $0x4000, $0x38;
	[tilespmem:$0x16400] =	vst v63  }
0xa5: {  	s30 =	sadd.s32 $0x1, s30  }
0xa6: {  	[hbm4b:s13+s2] =	stream.linear.scatter [tilespmem:s23], [sflag:$0x2], $0x4000, $0x38;
	[tilespmem:$0x16400] =	vst v63  }
0xa7: {  	p0 =	sne.s32 s30, s4;
	_ =	swait.ge [sflag:s24], $0x4000  }
.Ltmp1:
0xa8: {  	[sflag:s24] =	ssyncset.done $0x0;
	(pc) =	sbr.rel @p0 .LBB2_1-.Ltmp1, $4  }
0xa9: {  	[sflag:s24] =	ssyncadd.s32 $0xFFFFC000  }
0xaa: {  	_ =	swait.ge [sflag:s24], $0x4000  }
0xab: {  	[sflag:s24] =	ssyncset.done $0x0  }
0xac: {  	[sflag:s24] =	ssyncadd.s32 $0xFFFFC000  }
0xad: {  	_ =	sfence.sel $0x180000  }
0xae: {  	[bflag:$0x0] =	sbarrier.arrive $0xFFFF  }
0xaf: {  	_ =	strace $0x9000004D  }
0xb0: {  	s0 =	stileid.u32;
	[bflag:$0x2] =	sbarrier.arrive $0xFFFF  }
0xb1: {  	p0 =	sne.s32 s0, $0x0;
	s0 =	rddreg [dreg:$0x1]  }
0xb2: {  	s0 =	sadd.s32 @!p0 $0x100000, s0  }
0xb3: {  	[sflag:s0] =	ssyncadd.tile.s32 @!p0 $0x1;
	_ =	shalt  }
.Lfunc_end2:
_tile_overlayer_lowered:
.L_overlay_start_2:
0xb4: {  	(tag) =	ssettag $0x2  }
0xb5: {  	s0 =	rddreg [dreg:$0x0];
	s2 =	stileid.u32  }
0xb6: {  	s1 =	rddreg [dreg:$0x1];
	p0 =	sne.s32 s2, $0x0  }
0xb7: {  	s3 =	rddreg [dreg:$0x2];
	[bflag:$0x3] =	sbarrier.arrive $0xFFFF;
	s2 =	simm.s32 @!p0 $0x1C03  }
0xb8: {  	[timem:s3], [sflag:s2] =	dma.local @!p0 [hbm:s0], s1  }
0xb9: {  	s0 =	simm.s32 @!p0 $0x3  }
0xba: {  	_ =	swait.ge @!p0 [sflag:s0], s1  }
0xbb: {  	s1 =	ssub.s32 @!p0 $0x0, s1;
	[sflag:s0] =	ssyncset.done @!p0 $0x0  }
0xbc: {  	[sflag:s0] =	ssyncadd.s32 @!p0 s1  }
0xbd: {  	[bflag:$0x3] =	sbarrier.arrive $0xFFFF  }
0xbe: {  	_ =	shalt  }

</sc_bundles>
